<compile_context>
chip_gen: v7x
topology: tpu7x:2x2x1
jax: 0.10.2.dev20260603
libtpu: 0.0.44.dev20260713+nightly
codegen_flags: <defaults>
</compile_context>

<pallas_src>
import functools

import jax
import jax.numpy as jnp
from jax import lax
from jax.experimental import pallas as pl
from jax.experimental.pallas import tpu as pltpu
from jax.experimental.pallas import tpu_sc as plsc

V = 1000
E = 64
VP = 1024
NC = 2
NS = 16
NW = NC * NS
BW = 32
LCH = 10
BBLK = 1024


def _fused_table(emb, w_pad, b_pad):
    def mm(e_ref, w_ref, b_ref, o_ref):
        o_ref[...] = lax.dot_general(
            e_ref[...], w_ref[...],
            dimension_numbers=(((1,), (1,)), ((), ())),
            preferred_element_type=jnp.float32,
        ) + b_ref[...]

    return pl.pallas_call(
        mm,
        out_shape=jax.ShapeDtypeStruct((V, VP), jnp.float32),
    )(emb, w_pad, b_pad)


def _make_gather(bsz, nl):
    mesh = plsc.VectorSubcoreMesh(core_axis_name="c", subcore_axis_name="s")

    @functools.partial(
        pl.kernel, mesh=mesh,
        out_type=jax.ShapeDtypeStruct((nl, bsz, VP), jnp.float32),
        scratch_types=[
            pltpu.VMEM((nl, BW), jnp.int32),
            pltpu.VMEM((BW, VP), jnp.float32),
            pltpu.VMEM((BW, VP), jnp.float32),
            pltpu.SemaphoreType.DMA,
            pltpu.SemaphoreType.DMA,
            pltpu.SemaphoreType.DMA,
            pltpu.SemaphoreType.DMA,
        ],
    )
    def gather_k(p_hbm, idx_hbm, out_hbm, idx_v, rows_a, rows_b,
                 sem_ga, sem_gb, sem_wa, sem_wb):
        wid = lax.axis_index("s") * NC + lax.axis_index("c")
        base = wid * BW
        pltpu.sync_copy(idx_hbm.at[wid], idx_v)

        def issue_gather(l, rows, sem):
            pltpu.async_copy(p_hbm.at[idx_v.at[l]], rows, sem)

        issue_gather(0, rows_a, sem_ga)
        issue_gather(1, rows_b, sem_gb)

        def step(l, rows, sem_g, sem_w, nxt_ok):
            pltpu.make_async_copy(
                p_hbm.at[idx_v.at[l]], rows, sem_g).wait()
            pltpu.async_copy(rows, out_hbm.at[l, pl.ds(base, BW), :], sem_w)
            pltpu.make_async_copy(
                rows, out_hbm.at[l, pl.ds(base, BW), :], sem_w).wait()

            @pl.when(nxt_ok)
            def _():
                issue_gather(l + 2, rows, sem_g)

        def body(j, carry):
            step(2 * j, rows_a, sem_ga, sem_wa, 2 * j + 2 < nl)
            step(2 * j + 1, rows_b, sem_gb, sem_wb, 2 * j + 3 < nl)
            return carry

        lax.fori_loop(0, nl // 2, body, 0)
        if nl % 2:
            step(nl - 1, rows_a, sem_ga, sem_wa, False)

    return gather_k


def _transpose_chunk(inter, q_prev, l0, nl, bsz, seq):
    def tr(q_ref, i_ref, o_ref):
        del q_ref
        o_ref[0] = jnp.transpose(i_ref[0], (1, 0))[:V, :]

    kwargs = {}
    out_shape = jax.ShapeDtypeStruct((seq, V, bsz), jnp.float32)
    in_specs = [
        pl.BlockSpec(memory_space=pl.ANY),
        pl.BlockSpec((1, BBLK, VP), lambda l, bb: (l, bb, 0)),
    ]
    if q_prev is not None:
        kwargs["input_output_aliases"] = {0: 0}
        operands = (q_prev, inter)
    else:
        operands = (jnp.zeros((1, 1), jnp.float32), inter)
        in_specs[0] = pl.BlockSpec(memory_space=pl.ANY)
    return pl.pallas_call(
        tr,
        grid=(nl, bsz // BBLK),
        in_specs=in_specs,
        out_specs=pl.BlockSpec((1, V, BBLK), lambda l, bb: (l0 + l, 0, bb)),
        out_shape=out_shape,
        **kwargs,
    )(*operands)


def kernel(input_ids, embedding_table, linear_w, linear_b):
    bsz, seq = input_ids.shape
    w_pad = jnp.pad(linear_w, ((0, VP - V), (0, 0)))
    b_pad = jnp.pad(linear_b, (0, VP - V)).reshape(1, VP)
    p = _fused_table(embedding_table, w_pad, b_pad)
    ids3 = (input_ids.astype(jnp.int32)
            .reshape(NW, BW, seq).transpose(0, 2, 1))
    gather = _make_gather(bsz, LCH)
    inters = [gather(p, ids3[:, c * LCH:(c + 1) * LCH, :])
              for c in range(seq // LCH)]
    q = None
    for c, inter in enumerate(inters):
        q = _transpose_chunk(inter, q, c * LCH, LCH, bsz, seq)
    return lax.transpose(q, (2, 0, 1))

# --- scband reference (transcript-rebuilt; emitter-appended) ---
"""Pipeline reference for scband-saudi-real-estate-model-42099269435814 (READ-ONLY COPY).

The authoritative reference and input builder live on the scoring server;
editing this copy changes nothing except your own understanding.
"""

import jax, jax.numpy as jnp
import numpy as np

VOCAB = 1000
EMBED = 64
BATCH = 1024
SEQ = 50

def setup_inputs(seed: int = 0) -> dict:
    key = jax.random.key(seed)
    k_ids, k_emb, k_w, k_b = jax.random.split(key, 4)
    input_ids = jax.random.randint(k_ids, (BATCH, SEQ), 0, VOCAB, dtype=jnp.int64 if jax.config.jax_enable_x64 else jnp.int32)
    embedding_table = jax.random.normal(k_emb, (VOCAB, EMBED), dtype=jnp.float32)
    # nn.Linear(embed_dim, vocab_size): weight shape [vocab, embed], bias [vocab]
    linear_w = jax.random.normal(k_w, (VOCAB, EMBED), dtype=jnp.float32) * (1.0 / np.sqrt(EMBED))
    linear_b = jax.random.normal(k_b, (VOCAB,), dtype=jnp.float32) * 0.01
    return {"input_ids": input_ids, "embedding_table": embedding_table, "linear_w": linear_w, "linear_b": linear_b}

def reference(input_ids, embedding_table, linear_w, linear_b):
    # embedding lookup: gather rows of the table (SparseCore-friendly gather)
    x = jnp.take(embedding_table, input_ids, axis=0)            # [B, L, E]
    # linear projection to vocab logits: x @ W^T + b
    logits = jnp.einsum('ble,ve->blv', x, linear_w) + linear_b  # [B, L, V]
    return logits

if __name__ == "__main__":
    import jax
    _d = setup_inputs()
    print(jax.jit(kernel)(*tuple(_d.values())))

</pallas_src>

<mosaic_0001>
#map = affine_map<(d0, d1) -> (0, 0)>
#map1 = affine_map<(d0, d1) -> (0, 0, 0)>
module attributes {stable_mosaic.version = 14 : i64} {
  func.func @gather_k(%arg0: i32, %arg1: i32, %arg2: memref<1000x1024xf32, #tpu.memory_space<hbm>>, %arg3: memref<32x10x32xi32, #tpu.memory_space<hbm>>, %arg4: memref<10x1024x1024xf32, #tpu.memory_space<hbm>>, %arg5: memref<10x32xi32, #tpu.memory_space<vmem>>, %arg6: memref<32x1024xf32, #tpu.memory_space<vmem>>, %arg7: memref<32x1024xf32, #tpu.memory_space<vmem>>, %arg8: memref<!tpu.dma_semaphore, #tpu.memory_space<semaphore_mem>>, %arg9: memref<!tpu.dma_semaphore, #tpu.memory_space<semaphore_mem>>, %arg10: memref<!tpu.dma_semaphore, #tpu.memory_space<semaphore_mem>>, %arg11: memref<!tpu.dma_semaphore, #tpu.memory_space<semaphore_mem>>) attributes {dimension_semantics = [#tpu.dimension_semantics<core_parallel>, #tpu.dimension_semantics<subcore_parallel>], iteration_bounds = array<i64: 2, 16>, scalar_prefetch = 0 : i64, scratch_operands = 7 : i64, tpu.core_type = #tpu.core_type<sc_vector_subcore>, window_params = [{transform_indices = #map}, {transform_indices = #map1}, {transform_indices = #map1}]} {
    %mul3A = arith.constant 2 : i32
    %mul3A_0 = arith.muli %arg1, %mul3A : i32
    %add3A = arith.addi %mul3A_0, %arg0 : i32
    %mul3A_1 = arith.constant 32 : i32
    %mul3A_2 = arith.muli %add3A, %mul3A_1 : i32
    "tpu.region"() ({
      %run_scoped3A = tpu.sem_alloc : memref<!tpu.dma_semaphore, #tpu.memory_space<semaphore_mem>>
      %dma_start3A_21 = arith.constant 0 : i32
      %dma_start3A_22 = arith.constant 0 : i32
      %dma_start3A_23 = tpu.memref_slice %arg3[%add3A, %dma_start3A_21, %dma_start3A_22] : memref<32x10x32xi32, #tpu.memory_space<hbm>> -> memref<1x10x32xi32, #tpu.memory_space<hbm>>
      %dma_start3A_24 = tpu.memref_squeeze %dma_start3A_23 : memref<1x10x32xi32, #tpu.memory_space<hbm>> -> memref<10x32xi32, #tpu.memory_space<hbm>>
      %dma_start3A_25 = arith.constant 0 : i32
      %dma_start3A_26 = arith.constant 0 : i32
      %dma_start3A_27 = tpu.memref_slice %arg3[%add3A, %dma_start3A_25, %dma_start3A_26] : memref<32x10x32xi32, #tpu.memory_space<hbm>> -> memref<1x10x32xi32, #tpu.memory_space<hbm>>
      %dma_start3A_28 = tpu.memref_squeeze %dma_start3A_27 : memref<1x10x32xi32, #tpu.memory_space<hbm>> -> memref<10x32xi32, #tpu.memory_space<hbm>>
      tpu.enqueue_dma source(%dma_start3A_28 : memref<10x32xi32, #tpu.memory_space<hbm>>) target(%arg5 : memref<10x32xi32, #tpu.memory_space<vmem>>) target_semaphore(%run_scoped3A : memref<!tpu.dma_semaphore, #tpu.memory_space<semaphore_mem>>)
      %dma_wait3A = arith.constant 0 : i32
      %dma_wait3A_29 = arith.constant 0 : i32
      %dma_wait3A_30 = tpu.memref_slice %arg3[%add3A, %dma_wait3A, %dma_wait3A_29] : memref<32x10x32xi32, #tpu.memory_space<hbm>> -> memref<1x10x32xi32, #tpu.memory_space<hbm>>
      %dma_wait3A_31 = tpu.memref_squeeze %dma_wait3A_30 : memref<1x10x32xi32, #tpu.memory_space<hbm>> -> memref<10x32xi32, #tpu.memory_space<hbm>>
      %dma_wait3A_32 = arith.constant 0 : i32
      %dma_wait3A_33 = arith.constant 0 : i32
      %dma_wait3A_34 = tpu.memref_slice %arg3[%add3A, %dma_wait3A_32, %dma_wait3A_33] : memref<32x10x32xi32, #tpu.memory_space<hbm>> -> memref<1x10x32xi32, #tpu.memory_space<hbm>>
      %dma_wait3A_35 = tpu.memref_squeeze %dma_wait3A_34 : memref<1x10x32xi32, #tpu.memory_space<hbm>> -> memref<10x32xi32, #tpu.memory_space<hbm>>
      tpu.wait_dma2 semaphore(%run_scoped3A : memref<!tpu.dma_semaphore, #tpu.memory_space<semaphore_mem>>) src(%dma_wait3A_35 : memref<10x32xi32, #tpu.memory_space<hbm>>) dst(%arg5 : memref<10x32xi32, #tpu.memory_space<vmem>>)
      tpu.yield
    }) : () -> ()
    %dma_start3A = arith.constant 0 : i32
    %dma_start3A_3 = arith.constant 0 : i32
    %dma_start3A_4 = tpu.memref_slice %arg5[%dma_start3A, %dma_start3A_3] : memref<10x32xi32, #tpu.memory_space<vmem>> -> memref<1x32xi32, #tpu.memory_space<vmem>>
    %dma_start3A_5 = tpu.memref_squeeze %dma_start3A_4 : memref<1x32xi32, #tpu.memory_space<vmem>> -> memref<32xi32, #tpu.memory_space<vmem>>
    %dma_start3A_6 = arith.constant 0 : i32
    %dma_start3A_7 = arith.constant 0 : i32
    %dma_start3A_8 = tpu.memref_slice %arg2[%dma_start3A_6, %dma_start3A_7] : memref<1000x1024xf32, #tpu.memory_space<hbm>> -> memref<1000x1024xf32, #tpu.memory_space<hbm>>
    tpu.enqueue_indirect_dma source(%dma_start3A_8 : memref<1000x1024xf32, #tpu.memory_space<hbm>>) target(%arg6 : memref<32x1024xf32, #tpu.memory_space<vmem>>) offsets(%dma_start3A_5 : memref<32xi32, #tpu.memory_space<vmem>>) semaphore(%arg8 : memref<!tpu.dma_semaphore, #tpu.memory_space<semaphore_mem>>)
    %dma_start3A_9 = arith.constant 1 : i32
    %dma_start3A_10 = arith.constant 0 : i32
    %dma_start3A_11 = tpu.memref_slice %arg5[%dma_start3A_9, %dma_start3A_10] : memref<10x32xi32, #tpu.memory_space<vmem>> -> memref<1x32xi32, #tpu.memory_space<vmem>>
    %dma_start3A_12 = tpu.memref_squeeze %dma_start3A_11 : memref<1x32xi32, #tpu.memory_space<vmem>> -> memref<32xi32, #tpu.memory_space<vmem>>
    %dma_start3A_13 = arith.constant 0 : i32
    %dma_start3A_14 = arith.constant 0 : i32
    %dma_start3A_15 = tpu.memref_slice %arg2[%dma_start3A_13, %dma_start3A_14] : memref<1000x1024xf32, #tpu.memory_space<hbm>> -> memref<1000x1024xf32, #tpu.memory_space<hbm>>
    tpu.enqueue_indirect_dma source(%dma_start3A_15 : memref<1000x1024xf32, #tpu.memory_space<hbm>>) target(%arg7 : memref<32x1024xf32, #tpu.memory_space<vmem>>) offsets(%dma_start3A_12 : memref<32xi32, #tpu.memory_space<vmem>>) semaphore(%arg9 : memref<!tpu.dma_semaphore, #tpu.memory_space<semaphore_mem>>)
    %scan3A = arith.constant 0 : i32
    %scan3A_16 = arith.constant 0 : i32
    %scan3A_17 = arith.constant 5 : i32
    %scan3A_18 = arith.addi %scan3A_16, %scan3A_17 : i32
    %scan3A_19 = arith.constant 1 : i32
    scf.for %scan3A_21 = %scan3A_16 to %scan3A_18 step %scan3A_19  : i32 {
      %mul3A_22 = arith.constant 2 : i32
      %mul3A_23 = arith.muli %mul3A_22, %scan3A_21 : i32
      %mul3A_24 = arith.constant 2 : i32
      %mul3A_25 = arith.muli %mul3A_24, %scan3A_21 : i32
      %add3A_26 = arith.constant 2 : i32
      %add3A_27 = arith.addi %mul3A_25, %add3A_26 : i32
      %lt3A = arith.constant 10 : i32
      %lt3A_28 = arith.cmpi slt, %add3A_27, %lt3A : i32
      %dma_wait3A = arith.constant 0 : i32
      %dma_wait3A_29 = tpu.memref_slice %arg5[%mul3A_23, %dma_wait3A] : memref<10x32xi32, #tpu.memory_space<vmem>> -> memref<1x32xi32, #tpu.memory_space<vmem>>
      %dma_wait3A_30 = tpu.memref_squeeze %dma_wait3A_29 : memref<1x32xi32, #tpu.memory_space<vmem>> -> memref<32xi32, #tpu.memory_space<vmem>>
      %dma_wait3A_31 = arith.constant 0 : i32
      %dma_wait3A_32 = arith.constant 0 : i32
      %dma_wait3A_33 = tpu.memref_slice %arg2[%dma_wait3A_31, %dma_wait3A_32] : memref<1000x1024xf32, #tpu.memory_space<hbm>> -> memref<1000x1024xf32, #tpu.memory_space<hbm>>
      tpu.wait_indirect_dma semaphore(%arg8 : memref<!tpu.dma_semaphore, #tpu.memory_space<semaphore_mem>>) src(%dma_wait3A_33 : memref<1000x1024xf32, #tpu.memory_space<hbm>>) dst(%arg6 : memref<32x1024xf32, #tpu.memory_space<vmem>>)
      %dma_start3A_34 = arith.constant 0 : i32
      %dma_start3A_35 = tpu.memref_slice %arg4[%mul3A_23, %mul3A_2, %dma_start3A_34] : memref<10x1024x1024xf32, #tpu.memory_space<hbm>> -> memref<1x32x1024xf32, #tpu.memory_space<hbm>>
      %dma_start3A_36 = tpu.memref_squeeze %dma_start3A_35 : memref<1x32x1024xf32, #tpu.memory_space<hbm>> -> memref<32x1024xf32, #tpu.memory_space<hbm>>
      %dma_start3A_37 = arith.constant 0 : i32
      %dma_start3A_38 = tpu.memref_slice %arg4[%mul3A_23, %mul3A_2, %dma_start3A_37] : memref<10x1024x1024xf32, #tpu.memory_space<hbm>> -> memref<1x32x1024xf32, #tpu.memory_space<hbm>>
      %dma_start3A_39 = tpu.memref_squeeze %dma_start3A_38 : memref<1x32x1024xf32, #tpu.memory_space<hbm>> -> memref<32x1024xf32, #tpu.memory_space<hbm>>
      tpu.enqueue_dma source(%arg6 : memref<32x1024xf32, #tpu.memory_space<vmem>>) target(%dma_start3A_39 : memref<32x1024xf32, #tpu.memory_space<hbm>>) target_semaphore(%arg10 : memref<!tpu.dma_semaphore, #tpu.memory_space<semaphore_mem>>)
      %dma_wait3A_40 = arith.constant 0 : i32
      %dma_wait3A_41 = tpu.memref_slice %arg4[%mul3A_23, %mul3A_2, %dma_wait3A_40] : memref<10x1024x1024xf32, #tpu.memory_space<hbm>> -> memref<1x32x1024xf32, #tpu.memory_space<hbm>>
      %dma_wait3A_42 = tpu.memref_squeeze %dma_wait3A_41 : memref<1x32x1024xf32, #tpu.memory_space<hbm>> -> memref<32x1024xf32, #tpu.memory_space<hbm>>
      %dma_wait3A_43 = arith.constant 0 : i32
      %dma_wait3A_44 = tpu.memref_slice %arg4[%mul3A_23, %mul3A_2, %dma_wait3A_43] : memref<10x1024x1024xf32, #tpu.memory_space<hbm>> -> memref<1x32x1024xf32, #tpu.memory_space<hbm>>
      %dma_wait3A_45 = tpu.memref_squeeze %dma_wait3A_44 : memref<1x32x1024xf32, #tpu.memory_space<hbm>> -> memref<32x1024xf32, #tpu.memory_space<hbm>>
      tpu.wait_dma2 semaphore(%arg10 : memref<!tpu.dma_semaphore, #tpu.memory_space<semaphore_mem>>) src(%arg6 : memref<32x1024xf32, #tpu.memory_space<vmem>>) dst(%dma_wait3A_45 : memref<32x1024xf32, #tpu.memory_space<hbm>>)
      %convert_element_type3A = arith.extui %lt3A_28 : i1 to i32
      %cond3A = arith.constant 0 : i32
      %cond3A_46 = arith.cmpi ne, %convert_element_type3A, %cond3A : i32
      scf.if %cond3A_46 {
        %add3A_78 = arith.constant 2 : i32
        %add3A_79 = arith.addi %mul3A_23, %add3A_78 : i32
        %dma_start3A_80 = arith.constant 0 : i32
        %dma_start3A_81 = tpu.memref_slice %arg5[%add3A_79, %dma_start3A_80] : memref<10x32xi32, #tpu.memory_space<vmem>> -> memref<1x32xi32, #tpu.memory_space<vmem>>
        %dma_start3A_82 = tpu.memref_squeeze %dma_start3A_81 : memref<1x32xi32, #tpu.memory_space<vmem>> -> memref<32xi32, #tpu.memory_space<vmem>>
        %dma_start3A_83 = arith.constant 0 : i32
        %dma_start3A_84 = arith.constant 0 : i32
        %dma_start3A_85 = tpu.memref_slice %arg2[%dma_start3A_83, %dma_start3A_84] : memref<1000x1024xf32, #tpu.memory_space<hbm>> -> memref<1000x1024xf32, #tpu.memory_space<hbm>>
        tpu.enqueue_indirect_dma source(%dma_start3A_85 : memref<1000x1024xf32, #tpu.memory_space<hbm>>) target(%arg6 : memref<32x1024xf32, #tpu.memory_space<vmem>>) offsets(%dma_start3A_82 : memref<32xi32, #tpu.memory_space<vmem>>) semaphore(%arg8 : memref<!tpu.dma_semaphore, #tpu.memory_space<semaphore_mem>>)
      } else {
      }
      %mul3A_47 = arith.constant 2 : i32
      %mul3A_48 = arith.muli %mul3A_47, %scan3A_21 : i32
      %add3A_49 = arith.constant 1 : i32
      %add3A_50 = arith.addi %mul3A_48, %add3A_49 : i32
      %mul3A_51 = arith.constant 2 : i32
      %mul3A_52 = arith.muli %mul3A_51, %scan3A_21 : i32
      %add3A_53 = arith.constant 3 : i32
      %add3A_54 = arith.addi %mul3A_52, %add3A_53 : i32
      %lt3A_55 = arith.constant 10 : i32
      %lt3A_56 = arith.cmpi slt, %add3A_54, %lt3A_55 : i32
      %dma_wait3A_57 = arith.constant 0 : i32
      %dma_wait3A_58 = tpu.memref_slice %arg5[%add3A_50, %dma_wait3A_57] : memref<10x32xi32, #tpu.memory_space<vmem>> -> memref<1x32xi32, #tpu.memory_space<vmem>>
      %dma_wait3A_59 = tpu.memref_squeeze %dma_wait3A_58 : memref<1x32xi32, #tpu.memory_space<vmem>> -> memref<32xi32, #tpu.memory_space<vmem>>
      %dma_wait3A_60 = arith.constant 0 : i32
      %dma_wait3A_61 = arith.constant 0 : i32
      %dma_wait3A_62 = tpu.memref_slice %arg2[%dma_wait3A_60, %dma_wait3A_61] : memref<1000x1024xf32, #tpu.memory_space<hbm>> -> memref<1000x1024xf32, #tpu.memory_space<hbm>>
      tpu.wait_indirect_dma semaphore(%arg9 : memref<!tpu.dma_semaphore, #tpu.memory_space<semaphore_mem>>) src(%dma_wait3A_62 : memref<1000x1024xf32, #tpu.memory_space<hbm>>) dst(%arg7 : memref<32x1024xf32, #tpu.memory_space<vmem>>)
      %dma_start3A_63 = arith.constant 0 : i32
      %dma_start3A_64 = tpu.memref_slice %arg4[%add3A_50, %mul3A_2, %dma_start3A_63] : memref<10x1024x1024xf32, #tpu.memory_space<hbm>> -> memref<1x32x1024xf32, #tpu.memory_space<hbm>>
      %dma_start3A_65 = tpu.memref_squeeze %dma_start3A_64 : memref<1x32x1024xf32, #tpu.memory_space<hbm>> -> memref<32x1024xf32, #tpu.memory_space<hbm>>
      %dma_start3A_66 = arith.constant 0 : i32
      %dma_start3A_67 = tpu.memref_slice %arg4[%add3A_50, %mul3A_2, %dma_start3A_66] : memref<10x1024x1024xf32, #tpu.memory_space<hbm>> -> memref<1x32x1024xf32, #tpu.memory_space<hbm>>
      %dma_start3A_68 = tpu.memref_squeeze %dma_start3A_67 : memref<1x32x1024xf32, #tpu.memory_space<hbm>> -> memref<32x1024xf32, #tpu.memory_space<hbm>>
      tpu.enqueue_dma source(%arg7 : memref<32x1024xf32, #tpu.memory_space<vmem>>) target(%dma_start3A_68 : memref<32x1024xf32, #tpu.memory_space<hbm>>) target_semaphore(%arg11 : memref<!tpu.dma_semaphore, #tpu.memory_space<semaphore_mem>>)
      %dma_wait3A_69 = arith.constant 0 : i32
      %dma_wait3A_70 = tpu.memref_slice %arg4[%add3A_50, %mul3A_2, %dma_wait3A_69] : memref<10x1024x1024xf32, #tpu.memory_space<hbm>> -> memref<1x32x1024xf32, #tpu.memory_space<hbm>>
      %dma_wait3A_71 = tpu.memref_squeeze %dma_wait3A_70 : memref<1x32x1024xf32, #tpu.memory_space<hbm>> -> memref<32x1024xf32, #tpu.memory_space<hbm>>
      %dma_wait3A_72 = arith.constant 0 : i32
      %dma_wait3A_73 = tpu.memref_slice %arg4[%add3A_50, %mul3A_2, %dma_wait3A_72] : memref<10x1024x1024xf32, #tpu.memory_space<hbm>> -> memref<1x32x1024xf32, #tpu.memory_space<hbm>>
      %dma_wait3A_74 = tpu.memref_squeeze %dma_wait3A_73 : memref<1x32x1024xf32, #tpu.memory_space<hbm>> -> memref<32x1024xf32, #tpu.memory_space<hbm>>
      tpu.wait_dma2 semaphore(%arg11 : memref<!tpu.dma_semaphore, #tpu.memory_space<semaphore_mem>>) src(%arg7 : memref<32x1024xf32, #tpu.memory_space<vmem>>) dst(%dma_wait3A_74 : memref<32x1024xf32, #tpu.memory_space<hbm>>)
      %convert_element_type3A_75 = arith.extui %lt3A_56 : i1 to i32
      %cond3A_76 = arith.constant 0 : i32
      %cond3A_77 = arith.cmpi ne, %convert_element_type3A_75, %cond3A_76 : i32
      scf.if %cond3A_77 {
        %add3A_78 = arith.constant 2 : i32
        %add3A_79 = arith.addi %add3A_50, %add3A_78 : i32
        %dma_start3A_80 = arith.constant 0 : i32
        %dma_start3A_81 = tpu.memref_slice %arg5[%add3A_79, %dma_start3A_80] : memref<10x32xi32, #tpu.memory_space<vmem>> -> memref<1x32xi32, #tpu.memory_space<vmem>>
        %dma_start3A_82 = tpu.memref_squeeze %dma_start3A_81 : memref<1x32xi32, #tpu.memory_space<vmem>> -> memref<32xi32, #tpu.memory_space<vmem>>
        %dma_start3A_83 = arith.constant 0 : i32
        %dma_start3A_84 = arith.constant 0 : i32
        %dma_start3A_85 = tpu.memref_slice %arg2[%dma_start3A_83, %dma_start3A_84] : memref<1000x1024xf32, #tpu.memory_space<hbm>> -> memref<1000x1024xf32, #tpu.memory_space<hbm>>
        tpu.enqueue_indirect_dma source(%dma_start3A_85 : memref<1000x1024xf32, #tpu.memory_space<hbm>>) target(%arg7 : memref<32x1024xf32, #tpu.memory_space<vmem>>) offsets(%dma_start3A_82 : memref<32xi32, #tpu.memory_space<vmem>>) semaphore(%arg9 : memref<!tpu.dma_semaphore, #tpu.memory_space<semaphore_mem>>)
      } else {
      }
    }
    %scan3A_20 = arith.constant 5 : i32
    return
  }
}

#map = affine_map<(d0, d1) -> (0, 0)>
#map1 = affine_map<(d0, d1) -> (0, 0, 0)>
module attributes {stable_mosaic.version = 14 : i64} {
  func.func @gather_k(%arg0: i32, %arg1: i32, %arg2: memref<1000x1024xf32, #tpu.memory_space<hbm>>, %arg3: memref<32x10x32xi32, #tpu.memory_space<hbm>>, %arg4: memref<10x1024x1024xf32, #tpu.memory_space<hbm>>, %arg5: memref<10x32xi32, #tpu.memory_space<vmem>>, %arg6: memref<32x1024xf32, #tpu.memory_space<vmem>>, %arg7: memref<32x1024xf32, #tpu.memory_space<vmem>>, %arg8: memref<!tpu.dma_semaphore, #tpu.memory_space<semaphore_mem>>, %arg9: memref<!tpu.dma_semaphore, #tpu.memory_space<semaphore_mem>>, %arg10: memref<!tpu.dma_semaphore, #tpu.memory_space<semaphore_mem>>, %arg11: memref<!tpu.dma_semaphore, #tpu.memory_space<semaphore_mem>>) attributes {dimension_semantics = [#tpu.dimension_semantics<core_parallel>, #tpu.dimension_semantics<subcore_parallel>], iteration_bounds = array<i64: 2, 16>, scalar_prefetch = 0 : i64, scratch_operands = 7 : i64, tpu.core_type = #tpu.core_type<sc_vector_subcore>, window_params = [{transform_indices = #map}, {transform_indices = #map1}, {transform_indices = #map1}]} {
    %mul3A = arith.constant 2 : i32
    %mul3A_0 = arith.muli %arg1, %mul3A : i32
    %add3A = arith.addi %mul3A_0, %arg0 : i32
    %mul3A_1 = arith.constant 32 : i32
    %mul3A_2 = arith.muli %add3A, %mul3A_1 : i32
    "tpu.region"() ({
      %run_scoped3A = tpu.sem_alloc : memref<!tpu.dma_semaphore, #tpu.memory_space<semaphore_mem>>
      %dma_start3A_21 = arith.constant 0 : i32
      %dma_start3A_22 = arith.constant 0 : i32
      %dma_start3A_23 = tpu.memref_slice %arg3[%add3A, %dma_start3A_21, %dma_start3A_22] : memref<32x10x32xi32, #tpu.memory_space<hbm>> -> memref<1x10x32xi32, #tpu.memory_space<hbm>>
      %dma_start3A_24 = tpu.memref_squeeze %dma_start3A_23 : memref<1x10x32xi32, #tpu.memory_space<hbm>> -> memref<10x32xi32, #tpu.memory_space<hbm>>
      %dma_start3A_25 = arith.constant 0 : i32
      %dma_start3A_26 = arith.constant 0 : i32
      %dma_start3A_27 = tpu.memref_slice %arg3[%add3A, %dma_start3A_25, %dma_start3A_26] : memref<32x10x32xi32, #tpu.memory_space<hbm>> -> memref<1x10x32xi32, #tpu.memory_space<hbm>>
      %dma_start3A_28 = tpu.memref_squeeze %dma_start3A_27 : memref<1x10x32xi32, #tpu.memory_space<hbm>> -> memref<10x32xi32, #tpu.memory_space<hbm>>
      tpu.enqueue_dma source(%dma_start3A_28 : memref<10x32xi32, #tpu.memory_space<hbm>>) target(%arg5 : memref<10x32xi32, #tpu.memory_space<vmem>>) target_semaphore(%run_scoped3A : memref<!tpu.dma_semaphore, #tpu.memory_space<semaphore_mem>>)
      %dma_wait3A = arith.constant 0 : i32
      %dma_wait3A_29 = arith.constant 0 : i32
      %dma_wait3A_30 = tpu.memref_slice %arg3[%add3A, %dma_wait3A, %dma_wait3A_29] : memref<32x10x32xi32, #tpu.memory_space<hbm>> -> memref<1x10x32xi32, #tpu.memory_space<hbm>>
      %dma_wait3A_31 = tpu.memref_squeeze %dma_wait3A_30 : memref<1x10x32xi32, #tpu.memory_space<hbm>> -> memref<10x32xi32, #tpu.memory_space<hbm>>
      %dma_wait3A_32 = arith.constant 0 : i32
      %dma_wait3A_33 = arith.constant 0 : i32
      %dma_wait3A_34 = tpu.memref_slice %arg3[%add3A, %dma_wait3A_32, %dma_wait3A_33] : memref<32x10x32xi32, #tpu.memory_space<hbm>> -> memref<1x10x32xi32, #tpu.memory_space<hbm>>
      %dma_wait3A_35 = tpu.memref_squeeze %dma_wait3A_34 : memref<1x10x32xi32, #tpu.memory_space<hbm>> -> memref<10x32xi32, #tpu.memory_space<hbm>>
      tpu.wait_dma2 semaphore(%run_scoped3A : memref<!tpu.dma_semaphore, #tpu.memory_space<semaphore_mem>>) src(%dma_wait3A_35 : memref<10x32xi32, #tpu.memory_space<hbm>>) dst(%arg5 : memref<10x32xi32, #tpu.memory_space<vmem>>)
      tpu.yield
    }) : () -> ()
    %dma_start3A = arith.constant 0 : i32
    %dma_start3A_3 = arith.constant 0 : i32
    %dma_start3A_4 = tpu.memref_slice %arg5[%dma_start3A, %dma_start3A_3] : memref<10x32xi32, #tpu.memory_space<vmem>> -> memref<1x32xi32, #tpu.memory_space<vmem>>
    %dma_start3A_5 = tpu.memref_squeeze %dma_start3A_4 : memref<1x32xi32, #tpu.memory_space<vmem>> -> memref<32xi32, #tpu.memory_space<vmem>>
    %dma_start3A_6 = arith.constant 0 : i32
    %dma_start3A_7 = arith.constant 0 : i32
    %dma_start3A_8 = tpu.memref_slice %arg2[%dma_start3A_6, %dma_start3A_7] : memref<1000x1024xf32, #tpu.memory_space<hbm>> -> memref<1000x1024xf32, #tpu.memory_space<hbm>>
    tpu.enqueue_indirect_dma source(%dma_start3A_8 : memref<1000x1024xf32, #tpu.memory_space<hbm>>) target(%arg6 : memref<32x1024xf32, #tpu.memory_space<vmem>>) offsets(%dma_start3A_5 : memref<32xi32, #tpu.memory_space<vmem>>) semaphore(%arg8 : memref<!tpu.dma_semaphore, #tpu.memory_space<semaphore_mem>>)
    %dma_start3A_9 = arith.constant 1 : i32
    %dma_start3A_10 = arith.constant 0 : i32
    %dma_start3A_11 = tpu.memref_slice %arg5[%dma_start3A_9, %dma_start3A_10] : memref<10x32xi32, #tpu.memory_space<vmem>> -> memref<1x32xi32, #tpu.memory_space<vmem>>
    %dma_start3A_12 = tpu.memref_squeeze %dma_start3A_11 : memref<1x32xi32, #tpu.memory_space<vmem>> -> memref<32xi32, #tpu.memory_space<vmem>>
    %dma_start3A_13 = arith.constant 0 : i32
    %dma_start3A_14 = arith.constant 0 : i32
    %dma_start3A_15 = tpu.memref_slice %arg2[%dma_start3A_13, %dma_start3A_14] : memref<1000x1024xf32, #tpu.memory_space<hbm>> -> memref<1000x1024xf32, #tpu.memory_space<hbm>>
    tpu.enqueue_indirect_dma source(%dma_start3A_15 : memref<1000x1024xf32, #tpu.memory_space<hbm>>) target(%arg7 : memref<32x1024xf32, #tpu.memory_space<vmem>>) offsets(%dma_start3A_12 : memref<32xi32, #tpu.memory_space<vmem>>) semaphore(%arg9 : memref<!tpu.dma_semaphore, #tpu.memory_space<semaphore_mem>>)
    %scan3A = arith.constant 0 : i32
    %scan3A_16 = arith.constant 0 : i32
    %scan3A_17 = arith.constant 5 : i32
    %scan3A_18 = arith.addi %scan3A_16, %scan3A_17 : i32
    %scan3A_19 = arith.constant 1 : i32
    scf.for %scan3A_21 = %scan3A_16 to %scan3A_18 step %scan3A_19  : i32 {
      %mul3A_22 = arith.constant 2 : i32
      %mul3A_23 = arith.muli %mul3A_22, %scan3A_21 : i32
      %mul3A_24 = arith.constant 2 : i32
      %mul3A_25 = arith.muli %mul3A_24, %scan3A_21 : i32
      %add3A_26 = arith.constant 2 : i32
      %add3A_27 = arith.addi %mul3A_25, %add3A_26 : i32
      %lt3A = arith.constant 10 : i32
      %lt3A_28 = arith.cmpi slt, %add3A_27, %lt3A : i32
      %dma_wait3A = arith.constant 0 : i32
      %dma_wait3A_29 = tpu.memref_slice %arg5[%mul3A_23, %dma_wait3A] : memref<10x32xi32, #tpu.memory_space<vmem>> -> memref<1x32xi32, #tpu.memory_space<vmem>>
      %dma_wait3A_30 = tpu.memref_squeeze %dma_wait3A_29 : memref<1x32xi32, #tpu.memory_space<vmem>> -> memref<32xi32, #tpu.memory_space<vmem>>
      %dma_wait3A_31 = arith.constant 0 : i32
      %dma_wait3A_32 = arith.constant 0 : i32
      %dma_wait3A_33 = tpu.memref_slice %arg2[%dma_wait3A_31, %dma_wait3A_32] : memref<1000x1024xf32, #tpu.memory_space<hbm>> -> memref<1000x1024xf32, #tpu.memory_space<hbm>>
      tpu.wait_indirect_dma semaphore(%arg8 : memref<!tpu.dma_semaphore, #tpu.memory_space<semaphore_mem>>) src(%dma_wait3A_33 : memref<1000x1024xf32, #tpu.memory_space<hbm>>) dst(%arg6 : memref<32x1024xf32, #tpu.memory_space<vmem>>)
      %dma_start3A_34 = arith.constant 0 : i32
      %dma_start3A_35 = tpu.memref_slice %arg4[%mul3A_23, %mul3A_2, %dma_start3A_34] : memref<10x1024x1024xf32, #tpu.memory_space<hbm>> -> memref<1x32x1024xf32, #tpu.memory_space<hbm>>
      %dma_start3A_36 = tpu.memref_squeeze %dma_start3A_35 : memref<1x32x1024xf32, #tpu.memory_space<hbm>> -> memref<32x1024xf32, #tpu.memory_space<hbm>>
      %dma_start3A_37 = arith.constant 0 : i32
      %dma_start3A_38 = tpu.memref_slice %arg4[%mul3A_23, %mul3A_2, %dma_start3A_37] : memref<10x1024x1024xf32, #tpu.memory_space<hbm>> -> memref<1x32x1024xf32, #tpu.memory_space<hbm>>
      %dma_start3A_39 = tpu.memref_squeeze %dma_start3A_38 : memref<1x32x1024xf32, #tpu.memory_space<hbm>> -> memref<32x1024xf32, #tpu.memory_space<hbm>>
      tpu.enqueue_dma source(%arg6 : memref<32x1024xf32, #tpu.memory_space<vmem>>) target(%dma_start3A_39 : memref<32x1024xf32, #tpu.memory_space<hbm>>) target_semaphore(%arg10 : memref<!tpu.dma_semaphore, #tpu.memory_space<semaphore_mem>>)
      %dma_wait3A_40 = arith.constant 0 : i32
      %dma_wait3A_41 = tpu.memref_slice %arg4[%mul3A_23, %mul3A_2, %dma_wait3A_40] : memref<10x1024x1024xf32, #tpu.memory_space<hbm>> -> memref<1x32x1024xf32, #tpu.memory_space<hbm>>
      %dma_wait3A_42 = tpu.memref_squeeze %dma_wait3A_41 : memref<1x32x1024xf32, #tpu.memory_space<hbm>> -> memref<32x1024xf32, #tpu.memory_space<hbm>>
      %dma_wait3A_43 = arith.constant 0 : i32
      %dma_wait3A_44 = tpu.memref_slice %arg4[%mul3A_23, %mul3A_2, %dma_wait3A_43] : memref<10x1024x1024xf32, #tpu.memory_space<hbm>> -> memref<1x32x1024xf32, #tpu.memory_space<hbm>>
      %dma_wait3A_45 = tpu.memref_squeeze %dma_wait3A_44 : memref<1x32x1024xf32, #tpu.memory_space<hbm>> -> memref<32x1024xf32, #tpu.memory_space<hbm>>
      tpu.wait_dma2 semaphore(%arg10 : memref<!tpu.dma_semaphore, #tpu.memory_space<semaphore_mem>>) src(%arg6 : memref<32x1024xf32, #tpu.memory_space<vmem>>) dst(%dma_wait3A_45 : memref<32x1024xf32, #tpu.memory_space<hbm>>)
      %convert_element_type3A = arith.extui %lt3A_28 : i1 to i32
      %cond3A = arith.constant 0 : i32
      %cond3A_46 = arith.cmpi ne, %convert_element_type3A, %cond3A : i32
      scf.if %cond3A_46 {
        %add3A_78 = arith.constant 2 : i32
        %add3A_79 = arith.addi %mul3A_23, %add3A_78 : i32
        %dma_start3A_80 = arith.constant 0 : i32
        %dma_start3A_81 = tpu.memref_slice %arg5[%add3A_79, %dma_start3A_80] : memref<10x32xi32, #tpu.memory_space<vmem>> -> memref<1x32xi32, #tpu.memory_space<vmem>>
        %dma_start3A_82 = tpu.memref_squeeze %dma_start3A_81 : memref<1x32xi32, #tpu.memory_space<vmem>> -> memref<32xi32, #tpu.memory_space<vmem>>
        %dma_start3A_83 = arith.constant 0 : i32
        %dma_start3A_84 = arith.constant 0 : i32
        %dma_start3A_85 = tpu.memref_slice %arg2[%dma_start3A_83, %dma_start3A_84] : memref<1000x1024xf32, #tpu.memory_space<hbm>> -> memref<1000x1024xf32, #tpu.memory_space<hbm>>
        tpu.enqueue_indirect_dma source(%dma_start3A_85 : memref<1000x1024xf32, #tpu.memory_space<hbm>>) target(%arg6 : memref<32x1024xf32, #tpu.memory_space<vmem>>) offsets(%dma_start3A_82 : memref<32xi32, #tpu.memory_space<vmem>>) semaphore(%arg8 : memref<!tpu.dma_semaphore, #tpu.memory_space<semaphore_mem>>)
      } else {
      }
      %mul3A_47 = arith.constant 2 : i32
      %mul3A_48 = arith.muli %mul3A_47, %scan3A_21 : i32
      %add3A_49 = arith.constant 1 : i32
      %add3A_50 = arith.addi %mul3A_48, %add3A_49 : i32
      %mul3A_51 = arith.constant 2 : i32
      %mul3A_52 = arith.muli %mul3A_51, %scan3A_21 : i32
      %add3A_53 = arith.constant 3 : i32
      %add3A_54 = arith.addi %mul3A_52, %add3A_53 : i32
      %lt3A_55 = arith.constant 10 : i32
      %lt3A_56 = arith.cmpi slt, %add3A_54, %lt3A_55 : i32
      %dma_wait3A_57 = arith.constant 0 : i32
      %dma_wait3A_58 = tpu.memref_slice %arg5[%add3A_50, %dma_wait3A_57] : memref<10x32xi32, #tpu.memory_space<vmem>> -> memref<1x32xi32, #tpu.memory_space<vmem>>
      %dma_wait3A_59 = tpu.memref_squeeze %dma_wait3A_58 : memref<1x32xi32, #tpu.memory_space<vmem>> -> memref<32xi32, #tpu.memory_space<vmem>>
      %dma_wait3A_60 = arith.constant 0 : i32
      %dma_wait3A_61 = arith.constant 0 : i32
      %dma_wait3A_62 = tpu.memref_slice %arg2[%dma_wait3A_60, %dma_wait3A_61] : memref<1000x1024xf32, #tpu.memory_space<hbm>> -> memref<1000x1024xf32, #tpu.memory_space<hbm>>
      tpu.wait_indirect_dma semaphore(%arg9 : memref<!tpu.dma_semaphore, #tpu.memory_space<semaphore_mem>>) src(%dma_wait3A_62 : memref<1000x1024xf32, #tpu.memory_space<hbm>>) dst(%arg7 : memref<32x1024xf32, #tpu.memory_space<vmem>>)
      %dma_start3A_63 = arith.constant 0 : i32
      %dma_start3A_64 = tpu.memref_slice %arg4[%add3A_50, %mul3A_2, %dma_start3A_63] : memref<10x1024x1024xf32, #tpu.memory_space<hbm>> -> memref<1x32x1024xf32, #tpu.memory_space<hbm>>
      %dma_start3A_65 = tpu.memref_squeeze %dma_start3A_64 : memref<1x32x1024xf32, #tpu.memory_space<hbm>> -> memref<32x1024xf32, #tpu.memory_space<hbm>>
      %dma_start3A_66 = arith.constant 0 : i32
      %dma_start3A_67 = tpu.memref_slice %arg4[%add3A_50, %mul3A_2, %dma_start3A_66] : memref<10x1024x1024xf32, #tpu.memory_space<hbm>> -> memref<1x32x1024xf32, #tpu.memory_space<hbm>>
      %dma_start3A_68 = tpu.memref_squeeze %dma_start3A_67 : memref<1x32x1024xf32, #tpu.memory_space<hbm>> -> memref<32x1024xf32, #tpu.memory_space<hbm>>
      tpu.enqueue_dma source(%arg7 : memref<32x1024xf32, #tpu.memory_space<vmem>>) target(%dma_start3A_68 : memref<32x1024xf32, #tpu.memory_space<hbm>>) target_semaphore(%arg11 : memref<!tpu.dma_semaphore, #tpu.memory_space<semaphore_mem>>)
      %dma_wait3A_69 = arith.constant 0 : i32
      %dma_wait3A_70 = tpu.memref_slice %arg4[%add3A_50, %mul3A_2, %dma_wait3A_69] : memref<10x1024x1024xf32, #tpu.memory_space<hbm>> -> memref<1x32x1024xf32, #tpu.memory_space<hbm>>
      %dma_wait3A_71 = tpu.memref_squeeze %dma_wait3A_70 : memref<1x32x1024xf32, #tpu.memory_space<hbm>> -> memref<32x1024xf32, #tpu.memory_space<hbm>>
      %dma_wait3A_72 = arith.constant 0 : i32
      %dma_wait3A_73 = tpu.memref_slice %arg4[%add3A_50, %mul3A_2, %dma_wait3A_72] : memref<10x1024x1024xf32, #tpu.memory_space<hbm>> -> memref<1x32x1024xf32, #tpu.memory_space<hbm>>
      %dma_wait3A_74 = tpu.memref_squeeze %dma_wait3A_73 : memref<1x32x1024xf32, #tpu.memory_space<hbm>> -> memref<32x1024xf32, #tpu.memory_space<hbm>>
      tpu.wait_dma2 semaphore(%arg11 : memref<!tpu.dma_semaphore, #tpu.memory_space<semaphore_mem>>) src(%arg7 : memref<32x1024xf32, #tpu.memory_space<vmem>>) dst(%dma_wait3A_74 : memref<32x1024xf32, #tpu.memory_space<hbm>>)
      %convert_element_type3A_75 = arith.extui %lt3A_56 : i1 to i32
      %cond3A_76 = arith.constant 0 : i32
      %cond3A_77 = arith.cmpi ne, %convert_element_type3A_75, %cond3A_76 : i32
      scf.if %cond3A_77 {
        %add3A_78 = arith.constant 2 : i32
        %add3A_79 = arith.addi %add3A_50, %add3A_78 : i32
        %dma_start3A_80 = arith.constant 0 : i32
        %dma_start3A_81 = tpu.memref_slice %arg5[%add3A_79, %dma_start3A_80] : memref<10x32xi32, #tpu.memory_space<vmem>> -> memref<1x32xi32, #tpu.memory_space<vmem>>
        %dma_start3A_82 = tpu.memref_squeeze %dma_start3A_81 : memref<1x32xi32, #tpu.memory_space<vmem>> -> memref<32xi32, #tpu.memory_space<vmem>>
        %dma_start3A_83 = arith.constant 0 : i32
        %dma_start3A_84 = arith.constant 0 : i32
        %dma_start3A_85 = tpu.memref_slice %arg2[%dma_start3A_83, %dma_start3A_84] : memref<1000x1024xf32, #tpu.memory_space<hbm>> -> memref<1000x1024xf32, #tpu.memory_space<hbm>>
        tpu.enqueue_indirect_dma source(%dma_start3A_85 : memref<1000x1024xf32, #tpu.memory_space<hbm>>) target(%arg7 : memref<32x1024xf32, #tpu.memory_space<vmem>>) offsets(%dma_start3A_82 : memref<32xi32, #tpu.memory_space<vmem>>) semaphore(%arg9 : memref<!tpu.dma_semaphore, #tpu.memory_space<semaphore_mem>>)
      } else {
      }
    }
    %scan3A_20 = arith.constant 5 : i32
    return
  }
}

#map = affine_map<(d0, d1) -> (0, 0)>
#map1 = affine_map<(d0, d1) -> (0, 0, 0)>
module attributes {stable_mosaic.version = 14 : i64} {
  func.func @gather_k(%arg0: i32, %arg1: i32, %arg2: memref<1000x1024xf32, #tpu.memory_space<hbm>>, %arg3: memref<32x10x32xi32, #tpu.memory_space<hbm>>, %arg4: memref<10x1024x1024xf32, #tpu.memory_space<hbm>>, %arg5: memref<10x32xi32, #tpu.memory_space<vmem>>, %arg6: memref<32x1024xf32, #tpu.memory_space<vmem>>, %arg7: memref<32x1024xf32, #tpu.memory_space<vmem>>, %arg8: memref<!tpu.dma_semaphore, #tpu.memory_space<semaphore_mem>>, %arg9: memref<!tpu.dma_semaphore, #tpu.memory_space<semaphore_mem>>, %arg10: memref<!tpu.dma_semaphore, #tpu.memory_space<semaphore_mem>>, %arg11: memref<!tpu.dma_semaphore, #tpu.memory_space<semaphore_mem>>) attributes {dimension_semantics = [#tpu.dimension_semantics<core_parallel>, #tpu.dimension_semantics<subcore_parallel>], iteration_bounds = array<i64: 2, 16>, scalar_prefetch = 0 : i64, scratch_operands = 7 : i64, tpu.core_type = #tpu.core_type<sc_vector_subcore>, window_params = [{transform_indices = #map}, {transform_indices = #map1}, {transform_indices = #map1}]} {
    %mul3A = arith.constant 2 : i32
    %mul3A_0 = arith.muli %arg1, %mul3A : i32
    %add3A = arith.addi %mul3A_0, %arg0 : i32
    %mul3A_1 = arith.constant 32 : i32
    %mul3A_2 = arith.muli %add3A, %mul3A_1 : i32
    "tpu.region"() ({
      %run_scoped3A = tpu.sem_alloc : memref<!tpu.dma_semaphore, #tpu.memory_space<semaphore_mem>>
      %dma_start3A_21 = arith.constant 0 : i32
      %dma_start3A_22 = arith.constant 0 : i32
      %dma_start3A_23 = tpu.memref_slice %arg3[%add3A, %dma_start3A_21, %dma_start3A_22] : memref<32x10x32xi32, #tpu.memory_space<hbm>> -> memref<1x10x32xi32, #tpu.memory_space<hbm>>
      %dma_start3A_24 = tpu.memref_squeeze %dma_start3A_23 : memref<1x10x32xi32, #tpu.memory_space<hbm>> -> memref<10x32xi32, #tpu.memory_space<hbm>>
      %dma_start3A_25 = arith.constant 0 : i32
      %dma_start3A_26 = arith.constant 0 : i32
      %dma_start3A_27 = tpu.memref_slice %arg3[%add3A, %dma_start3A_25, %dma_start3A_26] : memref<32x10x32xi32, #tpu.memory_space<hbm>> -> memref<1x10x32xi32, #tpu.memory_space<hbm>>
      %dma_start3A_28 = tpu.memref_squeeze %dma_start3A_27 : memref<1x10x32xi32, #tpu.memory_space<hbm>> -> memref<10x32xi32, #tpu.memory_space<hbm>>
      tpu.enqueue_dma source(%dma_start3A_28 : memref<10x32xi32, #tpu.memory_space<hbm>>) target(%arg5 : memref<10x32xi32, #tpu.memory_space<vmem>>) target_semaphore(%run_scoped3A : memref<!tpu.dma_semaphore, #tpu.memory_space<semaphore_mem>>)
      %dma_wait3A = arith.constant 0 : i32
      %dma_wait3A_29 = arith.constant 0 : i32
      %dma_wait3A_30 = tpu.memref_slice %arg3[%add3A, %dma_wait3A, %dma_wait3A_29] : memref<32x10x32xi32, #tpu.memory_space<hbm>> -> memref<1x10x32xi32, #tpu.memory_space<hbm>>
      %dma_wait3A_31 = tpu.memref_squeeze %dma_wait3A_30 : memref<1x10x32xi32, #tpu.memory_space<hbm>> -> memref<10x32xi32, #tpu.memory_space<hbm>>
      %dma_wait3A_32 = arith.constant 0 : i32
      %dma_wait3A_33 = arith.constant 0 : i32
      %dma_wait3A_34 = tpu.memref_slice %arg3[%add3A, %dma_wait3A_32, %dma_wait3A_33] : memref<32x10x32xi32, #tpu.memory_space<hbm>> -> memref<1x10x32xi32, #tpu.memory_space<hbm>>
      %dma_wait3A_35 = tpu.memref_squeeze %dma_wait3A_34 : memref<1x10x32xi32, #tpu.memory_space<hbm>> -> memref<10x32xi32, #tpu.memory_space<hbm>>
      tpu.wait_dma2 semaphore(%run_scoped3A : memref<!tpu.dma_semaphore, #tpu.memory_space<semaphore_mem>>) src(%dma_wait3A_35 : memref<10x32xi32, #tpu.memory_space<hbm>>) dst(%arg5 : memref<10x32xi32, #tpu.memory_space<vmem>>)
      tpu.yield
    }) : () -> ()
    %dma_start3A = arith.constant 0 : i32
    %dma_start3A_3 = arith.constant 0 : i32
    %dma_start3A_4 = tpu.memref_slice %arg5[%dma_start3A, %dma_start3A_3] : memref<10x32xi32, #tpu.memory_space<vmem>> -> memref<1x32xi32, #tpu.memory_space<vmem>>
    %dma_start3A_5 = tpu.memref_squeeze %dma_start3A_4 : memref<1x32xi32, #tpu.memory_space<vmem>> -> memref<32xi32, #tpu.memory_space<vmem>>
    %dma_start3A_6 = arith.constant 0 : i32
    %dma_start3A_7 = arith.constant 0 : i32
    %dma_start3A_8 = tpu.memref_slice %arg2[%dma_start3A_6, %dma_start3A_7] : memref<1000x1024xf32, #tpu.memory_space<hbm>> -> memref<1000x1024xf32, #tpu.memory_space<hbm>>
    tpu.enqueue_indirect_dma source(%dma_start3A_8 : memref<1000x1024xf32, #tpu.memory_space<hbm>>) target(%arg6 : memref<32x1024xf32, #tpu.memory_space<vmem>>) offsets(%dma_start3A_5 : memref<32xi32, #tpu.memory_space<vmem>>) semaphore(%arg8 : memref<!tpu.dma_semaphore, #tpu.memory_space<semaphore_mem>>)
    %dma_start3A_9 = arith.constant 1 : i32
    %dma_start3A_10 = arith.constant 0 : i32
    %dma_start3A_11 = tpu.memref_slice %arg5[%dma_start3A_9, %dma_start3A_10] : memref<10x32xi32, #tpu.memory_space<vmem>> -> memref<1x32xi32, #tpu.memory_space<vmem>>
    %dma_start3A_12 = tpu.memref_squeeze %dma_start3A_11 : memref<1x32xi32, #tpu.memory_space<vmem>> -> memref<32xi32, #tpu.memory_space<vmem>>
    %dma_start3A_13 = arith.constant 0 : i32
    %dma_start3A_14 = arith.constant 0 : i32
    %dma_start3A_15 = tpu.memref_slice %arg2[%dma_start3A_13, %dma_start3A_14] : memref<1000x1024xf32, #tpu.memory_space<hbm>> -> memref<1000x1024xf32, #tpu.memory_space<hbm>>
    tpu.enqueue_indirect_dma source(%dma_start3A_15 : memref<1000x1024xf32, #tpu.memory_space<hbm>>) target(%arg7 : memref<32x1024xf32, #tpu.memory_space<vmem>>) offsets(%dma_start3A_12 : memref<32xi32, #tpu.memory_space<vmem>>) semaphore(%arg9 : memref<!tpu.dma_semaphore, #tpu.memory_space<semaphore_mem>>)
    %scan3A = arith.constant 0 : i32
    %scan3A_16 = arith.constant 0 : i32
    %scan3A_17 = arith.constant 5 : i32
    %scan3A_18 = arith.addi %scan3A_16, %scan3A_17 : i32
    %scan3A_19 = arith.constant 1 : i32
    scf.for %scan3A_21 = %scan3A_16 to %scan3A_18 step %scan3A_19  : i32 {
      %mul3A_22 = arith.constant 2 : i32
      %mul3A_23 = arith.muli %mul3A_22, %scan3A_21 : i32
      %mul3A_24 = arith.constant 2 : i32
      %mul3A_25 = arith.muli %mul3A_24, %scan3A_21 : i32
      %add3A_26 = arith.constant 2 : i32
      %add3A_27 = arith.addi %mul3A_25, %add3A_26 : i32
      %lt3A = arith.constant 10 : i32
      %lt3A_28 = arith.cmpi slt, %add3A_27, %lt3A : i32
      %dma_wait3A = arith.constant 0 : i32
      %dma_wait3A_29 = tpu.memref_slice %arg5[%mul3A_23, %dma_wait3A] : memref<10x32xi32, #tpu.memory_space<vmem>> -> memref<1x32xi32, #tpu.memory_space<vmem>>
      %dma_wait3A_30 = tpu.memref_squeeze %dma_wait3A_29 : memref<1x32xi32, #tpu.memory_space<vmem>> -> memref<32xi32, #tpu.memory_space<vmem>>
      %dma_wait3A_31 = arith.constant 0 : i32
      %dma_wait3A_32 = arith.constant 0 : i32
      %dma_wait3A_33 = tpu.memref_slice %arg2[%dma_wait3A_31, %dma_wait3A_32] : memref<1000x1024xf32, #tpu.memory_space<hbm>> -> memref<1000x1024xf32, #tpu.memory_space<hbm>>
      tpu.wait_indirect_dma semaphore(%arg8 : memref<!tpu.dma_semaphore, #tpu.memory_space<semaphore_mem>>) src(%dma_wait3A_33 : memref<1000x1024xf32, #tpu.memory_space<hbm>>) dst(%arg6 : memref<32x1024xf32, #tpu.memory_space<vmem>>)
      %dma_start3A_34 = arith.constant 0 : i32
      %dma_start3A_35 = tpu.memref_slice %arg4[%mul3A_23, %mul3A_2, %dma_start3A_34] : memref<10x1024x1024xf32, #tpu.memory_space<hbm>> -> memref<1x32x1024xf32, #tpu.memory_space<hbm>>
      %dma_start3A_36 = tpu.memref_squeeze %dma_start3A_35 : memref<1x32x1024xf32, #tpu.memory_space<hbm>> -> memref<32x1024xf32, #tpu.memory_space<hbm>>
      %dma_start3A_37 = arith.constant 0 : i32
      %dma_start3A_38 = tpu.memref_slice %arg4[%mul3A_23, %mul3A_2, %dma_start3A_37] : memref<10x1024x1024xf32, #tpu.memory_space<hbm>> -> memref<1x32x1024xf32, #tpu.memory_space<hbm>>
      %dma_start3A_39 = tpu.memref_squeeze %dma_start3A_38 : memref<1x32x1024xf32, #tpu.memory_space<hbm>> -> memref<32x1024xf32, #tpu.memory_space<hbm>>
      tpu.enqueue_dma source(%arg6 : memref<32x1024xf32, #tpu.memory_space<vmem>>) target(%dma_start3A_39 : memref<32x1024xf32, #tpu.memory_space<hbm>>) target_semaphore(%arg10 : memref<!tpu.dma_semaphore, #tpu.memory_space<semaphore_mem>>)
      %dma_wait3A_40 = arith.constant 0 : i32
      %dma_wait3A_41 = tpu.memref_slice %arg4[%mul3A_23, %mul3A_2, %dma_wait3A_40] : memref<10x1024x1024xf32, #tpu.memory_space<hbm>> -> memref<1x32x1024xf32, #tpu.memory_space<hbm>>
      %dma_wait3A_42 = tpu.memref_squeeze %dma_wait3A_41 : memref<1x32x1024xf32, #tpu.memory_space<hbm>> -> memref<32x1024xf32, #tpu.memory_space<hbm>>
      %dma_wait3A_43 = arith.constant 0 : i32
      %dma_wait3A_44 = tpu.memref_slice %arg4[%mul3A_23, %mul3A_2, %dma_wait3A_43] : memref<10x1024x1024xf32, #tpu.memory_space<hbm>> -> memref<1x32x1024xf32, #tpu.memory_space<hbm>>
      %dma_wait3A_45 = tpu.memref_squeeze %dma_wait3A_44 : memref<1x32x1024xf32, #tpu.memory_space<hbm>> -> memref<32x1024xf32, #tpu.memory_space<hbm>>
      tpu.wait_dma2 semaphore(%arg10 : memref<!tpu.dma_semaphore, #tpu.memory_space<semaphore_mem>>) src(%arg6 : memref<32x1024xf32, #tpu.memory_space<vmem>>) dst(%dma_wait3A_45 : memref<32x1024xf32, #tpu.memory_space<hbm>>)
      %convert_element_type3A = arith.extui %lt3A_28 : i1 to i32
      %cond3A = arith.constant 0 : i32
      %cond3A_46 = arith.cmpi ne, %convert_element_type3A, %cond3A : i32
      scf.if %cond3A_46 {
        %add3A_78 = arith.constant 2 : i32
        %add3A_79 = arith.addi %mul3A_23, %add3A_78 : i32
        %dma_start3A_80 = arith.constant 0 : i32
        %dma_start3A_81 = tpu.memref_slice %arg5[%add3A_79, %dma_start3A_80] : memref<10x32xi32, #tpu.memory_space<vmem>> -> memref<1x32xi32, #tpu.memory_space<vmem>>
        %dma_start3A_82 = tpu.memref_squeeze %dma_start3A_81 : memref<1x32xi32, #tpu.memory_space<vmem>> -> memref<32xi32, #tpu.memory_space<vmem>>
        %dma_start3A_83 = arith.constant 0 : i32
        %dma_start3A_84 = arith.constant 0 : i32
        %dma_start3A_85 = tpu.memref_slice %arg2[%dma_start3A_83, %dma_start3A_84] : memref<1000x1024xf32, #tpu.memory_space<hbm>> -> memref<1000x1024xf32, #tpu.memory_space<hbm>>
        tpu.enqueue_indirect_dma source(%dma_start3A_85 : memref<1000x1024xf32, #tpu.memory_space<hbm>>) target(%arg6 : memref<32x1024xf32, #tpu.memory_space<vmem>>) offsets(%dma_start3A_82 : memref<32xi32, #tpu.memory_space<vmem>>) semaphore(%arg8 : memref<!tpu.dma_semaphore, #tpu.memory_space<semaphore_mem>>)
      } else {
      }
      %mul3A_47 = arith.constant 2 : i32
      %mul3A_48 = arith.muli %mul3A_47, %scan3A_21 : i32
      %add3A_49 = arith.constant 1 : i32
      %add3A_50 = arith.addi %mul3A_48, %add3A_49 : i32
      %mul3A_51 = arith.constant 2 : i32
      %mul3A_52 = arith.muli %mul3A_51, %scan3A_21 : i32
      %add3A_53 = arith.constant 3 : i32
      %add3A_54 = arith.addi %mul3A_52, %add3A_53 : i32
      %lt3A_55 = arith.constant 10 : i32
      %lt3A_56 = arith.cmpi slt, %add3A_54, %lt3A_55 : i32
      %dma_wait3A_57 = arith.constant 0 : i32
      %dma_wait3A_58 = tpu.memref_slice %arg5[%add3A_50, %dma_wait3A_57] : memref<10x32xi32, #tpu.memory_space<vmem>> -> memref<1x32xi32, #tpu.memory_space<vmem>>
      %dma_wait3A_59 = tpu.memref_squeeze %dma_wait3A_58 : memref<1x32xi32, #tpu.memory_space<vmem>> -> memref<32xi32, #tpu.memory_space<vmem>>
      %dma_wait3A_60 = arith.constant 0 : i32
      %dma_wait3A_61 = arith.constant 0 : i32
      %dma_wait3A_62 = tpu.memref_slice %arg2[%dma_wait3A_60, %dma_wait3A_61] : memref<1000x1024xf32, #tpu.memory_space<hbm>> -> memref<1000x1024xf32, #tpu.memory_space<hbm>>
      tpu.wait_indirect_dma semaphore(%arg9 : memref<!tpu.dma_semaphore, #tpu.memory_space<semaphore_mem>>) src(%dma_wait3A_62 : memref<1000x1024xf32, #tpu.memory_space<hbm>>) dst(%arg7 : memref<32x1024xf32, #tpu.memory_space<vmem>>)
      %dma_start3A_63 = arith.constant 0 : i32
      %dma_start3A_64 = tpu.memref_slice %arg4[%add3A_50, %mul3A_2, %dma_start3A_63] : memref<10x1024x1024xf32, #tpu.memory_space<hbm>> -> memref<1x32x1024xf32, #tpu.memory_space<hbm>>
      %dma_start3A_65 = tpu.memref_squeeze %dma_start3A_64 : memref<1x32x1024xf32, #tpu.memory_space<hbm>> -> memref<32x1024xf32, #tpu.memory_space<hbm>>
      %dma_start3A_66 = arith.constant 0 : i32
      %dma_start3A_67 = tpu.memref_slice %arg4[%add3A_50, %mul3A_2, %dma_start3A_66] : memref<10x1024x1024xf32, #tpu.memory_space<hbm>> -> memref<1x32x1024xf32, #tpu.memory_space<hbm>>
      %dma_start3A_68 = tpu.memref_squeeze %dma_start3A_67 : memref<1x32x1024xf32, #tpu.memory_space<hbm>> -> memref<32x1024xf32, #tpu.memory_space<hbm>>
      tpu.enqueue_dma source(%arg7 : memref<32x1024xf32, #tpu.memory_space<vmem>>) target(%dma_start3A_68 : memref<32x1024xf32, #tpu.memory_space<hbm>>) target_semaphore(%arg11 : memref<!tpu.dma_semaphore, #tpu.memory_space<semaphore_mem>>)
      %dma_wait3A_69 = arith.constant 0 : i32
      %dma_wait3A_70 = tpu.memref_slice %arg4[%add3A_50, %mul3A_2, %dma_wait3A_69] : memref<10x1024x1024xf32, #tpu.memory_space<hbm>> -> memref<1x32x1024xf32, #tpu.memory_space<hbm>>
      %dma_wait3A_71 = tpu.memref_squeeze %dma_wait3A_70 : memref<1x32x1024xf32, #tpu.memory_space<hbm>> -> memref<32x1024xf32, #tpu.memory_space<hbm>>
      %dma_wait3A_72 = arith.constant 0 : i32
      %dma_wait3A_73 = tpu.memref_slice %arg4[%add3A_50, %mul3A_2, %dma_wait3A_72] : memref<10x1024x1024xf32, #tpu.memory_space<hbm>> -> memref<1x32x1024xf32, #tpu.memory_space<hbm>>
      %dma_wait3A_74 = tpu.memref_squeeze %dma_wait3A_73 : memref<1x32x1024xf32, #tpu.memory_space<hbm>> -> memref<32x1024xf32, #tpu.memory_space<hbm>>
      tpu.wait_dma2 semaphore(%arg11 : memref<!tpu.dma_semaphore, #tpu.memory_space<semaphore_mem>>) src(%arg7 : memref<32x1024xf32, #tpu.memory_space<vmem>>) dst(%dma_wait3A_74 : memref<32x1024xf32, #tpu.memory_space<hbm>>)
      %convert_element_type3A_75 = arith.extui %lt3A_56 : i1 to i32
      %cond3A_76 = arith.constant 0 : i32
      %cond3A_77 = arith.cmpi ne, %convert_element_type3A_75, %cond3A_76 : i32
      scf.if %cond3A_77 {
        %add3A_78 = arith.constant 2 : i32
        %add3A_79 = arith.addi %add3A_50, %add3A_78 : i32
        %dma_start3A_80 = arith.constant 0 : i32
        %dma_start3A_81 = tpu.memref_slice %arg5[%add3A_79, %dma_start3A_80] : memref<10x32xi32, #tpu.memory_space<vmem>> -> memref<1x32xi32, #tpu.memory_space<vmem>>
        %dma_start3A_82 = tpu.memref_squeeze %dma_start3A_81 : memref<1x32xi32, #tpu.memory_space<vmem>> -> memref<32xi32, #tpu.memory_space<vmem>>
        %dma_start3A_83 = arith.constant 0 : i32
        %dma_start3A_84 = arith.constant 0 : i32
        %dma_start3A_85 = tpu.memref_slice %arg2[%dma_start3A_83, %dma_start3A_84] : memref<1000x1024xf32, #tpu.memory_space<hbm>> -> memref<1000x1024xf32, #tpu.memory_space<hbm>>
        tpu.enqueue_indirect_dma source(%dma_start3A_85 : memref<1000x1024xf32, #tpu.memory_space<hbm>>) target(%arg7 : memref<32x1024xf32, #tpu.memory_space<vmem>>) offsets(%dma_start3A_82 : memref<32xi32, #tpu.memory_space<vmem>>) semaphore(%arg9 : memref<!tpu.dma_semaphore, #tpu.memory_space<semaphore_mem>>)
      } else {
      }
    }
    %scan3A_20 = arith.constant 5 : i32
    return
  }
}

#map = affine_map<(d0, d1) -> (0, 0)>
#map1 = affine_map<(d0, d1) -> (0, 0, 0)>
module attributes {stable_mosaic.version = 14 : i64} {
  func.func @gather_k(%arg0: i32, %arg1: i32, %arg2: memref<1000x1024xf32, #tpu.memory_space<hbm>>, %arg3: memref<32x10x32xi32, #tpu.memory_space<hbm>>, %arg4: memref<10x1024x1024xf32, #tpu.memory_space<hbm>>, %arg5: memref<10x32xi32, #tpu.memory_space<vmem>>, %arg6: memref<32x1024xf32, #tpu.memory_space<vmem>>, %arg7: memref<32x1024xf32, #tpu.memory_space<vmem>>, %arg8: memref<!tpu.dma_semaphore, #tpu.memory_space<semaphore_mem>>, %arg9: memref<!tpu.dma_semaphore, #tpu.memory_space<semaphore_mem>>, %arg10: memref<!tpu.dma_semaphore, #tpu.memory_space<semaphore_mem>>, %arg11: memref<!tpu.dma_semaphore, #tpu.memory_space<semaphore_mem>>) attributes {dimension_semantics = [#tpu.dimension_semantics<core_parallel>, #tpu.dimension_semantics<subcore_parallel>], iteration_bounds = array<i64: 2, 16>, scalar_prefetch = 0 : i64, scratch_operands = 7 : i64, tpu.core_type = #tpu.core_type<sc_vector_subcore>, window_params = [{transform_indices = #map}, {transform_indices = #map1}, {transform_indices = #map1}]} {
    %mul3A = arith.constant 2 : i32
    %mul3A_0 = arith.muli %arg1, %mul3A : i32
    %add3A = arith.addi %mul3A_0, %arg0 : i32
    %mul3A_1 = arith.constant 32 : i32
    %mul3A_2 = arith.muli %add3A, %mul3A_1 : i32
    "tpu.region"() ({
      %run_scoped3A = tpu.sem_alloc : memref<!tpu.dma_semaphore, #tpu.memory_space<semaphore_mem>>
      %dma_start3A_21 = arith.constant 0 : i32
      %dma_start3A_22 = arith.constant 0 : i32
      %dma_start3A_23 = tpu.memref_slice %arg3[%add3A, %dma_start3A_21, %dma_start3A_22] : memref<32x10x32xi32, #tpu.memory_space<hbm>> -> memref<1x10x32xi32, #tpu.memory_space<hbm>>
      %dma_start3A_24 = tpu.memref_squeeze %dma_start3A_23 : memref<1x10x32xi32, #tpu.memory_space<hbm>> -> memref<10x32xi32, #tpu.memory_space<hbm>>
      %dma_start3A_25 = arith.constant 0 : i32
      %dma_start3A_26 = arith.constant 0 : i32
      %dma_start3A_27 = tpu.memref_slice %arg3[%add3A, %dma_start3A_25, %dma_start3A_26] : memref<32x10x32xi32, #tpu.memory_space<hbm>> -> memref<1x10x32xi32, #tpu.memory_space<hbm>>
      %dma_start3A_28 = tpu.memref_squeeze %dma_start3A_27 : memref<1x10x32xi32, #tpu.memory_space<hbm>> -> memref<10x32xi32, #tpu.memory_space<hbm>>
      tpu.enqueue_dma source(%dma_start3A_28 : memref<10x32xi32, #tpu.memory_space<hbm>>) target(%arg5 : memref<10x32xi32, #tpu.memory_space<vmem>>) target_semaphore(%run_scoped3A : memref<!tpu.dma_semaphore, #tpu.memory_space<semaphore_mem>>)
      %dma_wait3A = arith.constant 0 : i32
      %dma_wait3A_29 = arith.constant 0 : i32
      %dma_wait3A_30 = tpu.memref_slice %arg3[%add3A, %dma_wait3A, %dma_wait3A_29] : memref<32x10x32xi32, #tpu.memory_space<hbm>> -> memref<1x10x32xi32, #tpu.memory_space<hbm>>
      %dma_wait3A_31 = tpu.memref_squeeze %dma_wait3A_30 : memref<1x10x32xi32, #tpu.memory_space<hbm>> -> memref<10x32xi32, #tpu.memory_space<hbm>>
      %dma_wait3A_32 = arith.constant 0 : i32
      %dma_wait3A_33 = arith.constant 0 : i32
      %dma_wait3A_34 = tpu.memref_slice %arg3[%add3A, %dma_wait3A_32, %dma_wait3A_33] : memref<32x10x32xi32, #tpu.memory_space<hbm>> -> memref<1x10x32xi32, #tpu.memory_space<hbm>>
      %dma_wait3A_35 = tpu.memref_squeeze %dma_wait3A_34 : memref<1x10x32xi32, #tpu.memory_space<hbm>> -> memref<10x32xi32, #tpu.memory_space<hbm>>
      tpu.wait_dma2 semaphore(%run_scoped3A : memref<!tpu.dma_semaphore, #tpu.memory_space<semaphore_mem>>) src(%dma_wait3A_35 : memref<10x32xi32, #tpu.memory_space<hbm>>) dst(%arg5 : memref<10x32xi32, #tpu.memory_space<vmem>>)
      tpu.yield
    }) : () -> ()
    %dma_start3A = arith.constant 0 : i32
    %dma_start3A_3 = arith.constant 0 : i32
    %dma_start3A_4 = tpu.memref_slice %arg5[%dma_start3A, %dma_start3A_3] : memref<10x32xi32, #tpu.memory_space<vmem>> -> memref<1x32xi32, #tpu.memory_space<vmem>>
    %dma_start3A_5 = tpu.memref_squeeze %dma_start3A_4 : memref<1x32xi32, #tpu.memory_space<vmem>> -> memref<32xi32, #tpu.memory_space<vmem>>
    %dma_start3A_6 = arith.constant 0 : i32
    %dma_start3A_7 = arith.constant 0 : i32
    %dma_start3A_8 = tpu.memref_slice %arg2[%dma_start3A_6, %dma_start3A_7] : memref<1000x1024xf32, #tpu.memory_space<hbm>> -> memref<1000x1024xf32, #tpu.memory_space<hbm>>
    tpu.enqueue_indirect_dma source(%dma_start3A_8 : memref<1000x1024xf32, #tpu.memory_space<hbm>>) target(%arg6 : memref<32x1024xf32, #tpu.memory_space<vmem>>) offsets(%dma_start3A_5 : memref<32xi32, #tpu.memory_space<vmem>>) semaphore(%arg8 : memref<!tpu.dma_semaphore, #tpu.memory_space<semaphore_mem>>)
    %dma_start3A_9 = arith.constant 1 : i32
    %dma_start3A_10 = arith.constant 0 : i32
    %dma_start3A_11 = tpu.memref_slice %arg5[%dma_start3A_9, %dma_start3A_10] : memref<10x32xi32, #tpu.memory_space<vmem>> -> memref<1x32xi32, #tpu.memory_space<vmem>>
    %dma_start3A_12 = tpu.memref_squeeze %dma_start3A_11 : memref<1x32xi32, #tpu.memory_space<vmem>> -> memref<32xi32, #tpu.memory_space<vmem>>
    %dma_start3A_13 = arith.constant 0 : i32
    %dma_start3A_14 = arith.constant 0 : i32
    %dma_start3A_15 = tpu.memref_slice %arg2[%dma_start3A_13, %dma_start3A_14] : memref<1000x1024xf32, #tpu.memory_space<hbm>> -> memref<1000x1024xf32, #tpu.memory_space<hbm>>
    tpu.enqueue_indirect_dma source(%dma_start3A_15 : memref<1000x1024xf32, #tpu.memory_space<hbm>>) target(%arg7 : memref<32x1024xf32, #tpu.memory_space<vmem>>) offsets(%dma_start3A_12 : memref<32xi32, #tpu.memory_space<vmem>>) semaphore(%arg9 : memref<!tpu.dma_semaphore, #tpu.memory_space<semaphore_mem>>)
    %scan3A = arith.constant 0 : i32
    %scan3A_16 = arith.constant 0 : i32
    %scan3A_17 = arith.constant 5 : i32
    %scan3A_18 = arith.addi %scan3A_16, %scan3A_17 : i32
    %scan3A_19 = arith.constant 1 : i32
    scf.for %scan3A_21 = %scan3A_16 to %scan3A_18 step %scan3A_19  : i32 {
      %mul3A_22 = arith.constant 2 : i32
      %mul3A_23 = arith.muli %mul3A_22, %scan3A_21 : i32
      %mul3A_24 = arith.constant 2 : i32
      %mul3A_25 = arith.muli %mul3A_24, %scan3A_21 : i32
      %add3A_26 = arith.constant 2 : i32
      %add3A_27 = arith.addi %mul3A_25, %add3A_26 : i32
      %lt3A = arith.constant 10 : i32
      %lt3A_28 = arith.cmpi slt, %add3A_27, %lt3A : i32
      %dma_wait3A = arith.constant 0 : i32
      %dma_wait3A_29 = tpu.memref_slice %arg5[%mul3A_23, %dma_wait3A] : memref<10x32xi32, #tpu.memory_space<vmem>> -> memref<1x32xi32, #tpu.memory_space<vmem>>
      %dma_wait3A_30 = tpu.memref_squeeze %dma_wait3A_29 : memref<1x32xi32, #tpu.memory_space<vmem>> -> memref<32xi32, #tpu.memory_space<vmem>>
      %dma_wait3A_31 = arith.constant 0 : i32
      %dma_wait3A_32 = arith.constant 0 : i32
      %dma_wait3A_33 = tpu.memref_slice %arg2[%dma_wait3A_31, %dma_wait3A_32] : memref<1000x1024xf32, #tpu.memory_space<hbm>> -> memref<1000x1024xf32, #tpu.memory_space<hbm>>
      tpu.wait_indirect_dma semaphore(%arg8 : memref<!tpu.dma_semaphore, #tpu.memory_space<semaphore_mem>>) src(%dma_wait3A_33 : memref<1000x1024xf32, #tpu.memory_space<hbm>>) dst(%arg6 : memref<32x1024xf32, #tpu.memory_space<vmem>>)
      %dma_start3A_34 = arith.constant 0 : i32
      %dma_start3A_35 = tpu.memref_slice %arg4[%mul3A_23, %mul3A_2, %dma_start3A_34] : memref<10x1024x1024xf32, #tpu.memory_space<hbm>> -> memref<1x32x1024xf32, #tpu.memory_space<hbm>>
      %dma_start3A_36 = tpu.memref_squeeze %dma_start3A_35 : memref<1x32x1024xf32, #tpu.memory_space<hbm>> -> memref<32x1024xf32, #tpu.memory_space<hbm>>
      %dma_start3A_37 = arith.constant 0 : i32
      %dma_start3A_38 = tpu.memref_slice %arg4[%mul3A_23, %mul3A_2, %dma_start3A_37] : memref<10x1024x1024xf32, #tpu.memory_space<hbm>> -> memref<1x32x1024xf32, #tpu.memory_space<hbm>>
      %dma_start3A_39 = tpu.memref_squeeze %dma_start3A_38 : memref<1x32x1024xf32, #tpu.memory_space<hbm>> -> memref<32x1024xf32, #tpu.memory_space<hbm>>
      tpu.enqueue_dma source(%arg6 : memref<32x1024xf32, #tpu.memory_space<vmem>>) target(%dma_start3A_39 : memref<32x1024xf32, #tpu.memory_space<hbm>>) target_semaphore(%arg10 : memref<!tpu.dma_semaphore, #tpu.memory_space<semaphore_mem>>)
      %dma_wait3A_40 = arith.constant 0 : i32
      %dma_wait3A_41 = tpu.memref_slice %arg4[%mul3A_23, %mul3A_2, %dma_wait3A_40] : memref<10x1024x1024xf32, #tpu.memory_space<hbm>> -> memref<1x32x1024xf32, #tpu.memory_space<hbm>>
      %dma_wait3A_42 = tpu.memref_squeeze %dma_wait3A_41 : memref<1x32x1024xf32, #tpu.memory_space<hbm>> -> memref<32x1024xf32, #tpu.memory_space<hbm>>
      %dma_wait3A_43 = arith.constant 0 : i32
      %dma_wait3A_44 = tpu.memref_slice %arg4[%mul3A_23, %mul3A_2, %dma_wait3A_43] : memref<10x1024x1024xf32, #tpu.memory_space<hbm>> -> memref<1x32x1024xf32, #tpu.memory_space<hbm>>
      %dma_wait3A_45 = tpu.memref_squeeze %dma_wait3A_44 : memref<1x32x1024xf32, #tpu.memory_space<hbm>> -> memref<32x1024xf32, #tpu.memory_space<hbm>>
      tpu.wait_dma2 semaphore(%arg10 : memref<!tpu.dma_semaphore, #tpu.memory_space<semaphore_mem>>) src(%arg6 : memref<32x1024xf32, #tpu.memory_space<vmem>>) dst(%dma_wait3A_45 : memref<32x1024xf32, #tpu.memory_space<hbm>>)
      %convert_element_type3A = arith.extui %lt3A_28 : i1 to i32
      %cond3A = arith.constant 0 : i32
      %cond3A_46 = arith.cmpi ne, %convert_element_type3A, %cond3A : i32
      scf.if %cond3A_46 {
        %add3A_78 = arith.constant 2 : i32
        %add3A_79 = arith.addi %mul3A_23, %add3A_78 : i32
        %dma_start3A_80 = arith.constant 0 : i32
        %dma_start3A_81 = tpu.memref_slice %arg5[%add3A_79, %dma_start3A_80] : memref<10x32xi32, #tpu.memory_space<vmem>> -> memref<1x32xi32, #tpu.memory_space<vmem>>
        %dma_start3A_82 = tpu.memref_squeeze %dma_start3A_81 : memref<1x32xi32, #tpu.memory_space<vmem>> -> memref<32xi32, #tpu.memory_space<vmem>>
        %dma_start3A_83 = arith.constant 0 : i32
        %dma_start3A_84 = arith.constant 0 : i32
        %dma_start3A_85 = tpu.memref_slice %arg2[%dma_start3A_83, %dma_start3A_84] : memref<1000x1024xf32, #tpu.memory_space<hbm>> -> memref<1000x1024xf32, #tpu.memory_space<hbm>>
        tpu.enqueue_indirect_dma source(%dma_start3A_85 : memref<1000x1024xf32, #tpu.memory_space<hbm>>) target(%arg6 : memref<32x1024xf32, #tpu.memory_space<vmem>>) offsets(%dma_start3A_82 : memref<32xi32, #tpu.memory_space<vmem>>) semaphore(%arg8 : memref<!tpu.dma_semaphore, #tpu.memory_space<semaphore_mem>>)
      } else {
      }
      %mul3A_47 = arith.constant 2 : i32
      %mul3A_48 = arith.muli %mul3A_47, %scan3A_21 : i32
      %add3A_49 = arith.constant 1 : i32
      %add3A_50 = arith.addi %mul3A_48, %add3A_49 : i32
      %mul3A_51 = arith.constant 2 : i32
      %mul3A_52 = arith.muli %mul3A_51, %scan3A_21 : i32
      %add3A_53 = arith.constant 3 : i32
      %add3A_54 = arith.addi %mul3A_52, %add3A_53 : i32
      %lt3A_55 = arith.constant 10 : i32
      %lt3A_56 = arith.cmpi slt, %add3A_54, %lt3A_55 : i32
      %dma_wait3A_57 = arith.constant 0 : i32
      %dma_wait3A_58 = tpu.memref_slice %arg5[%add3A_50, %dma_wait3A_57] : memref<10x32xi32, #tpu.memory_space<vmem>> -> memref<1x32xi32, #tpu.memory_space<vmem>>
      %dma_wait3A_59 = tpu.memref_squeeze %dma_wait3A_58 : memref<1x32xi32, #tpu.memory_space<vmem>> -> memref<32xi32, #tpu.memory_space<vmem>>
      %dma_wait3A_60 = arith.constant 0 : i32
      %dma_wait3A_61 = arith.constant 0 : i32
      %dma_wait3A_62 = tpu.memref_slice %arg2[%dma_wait3A_60, %dma_wait3A_61] : memref<1000x1024xf32, #tpu.memory_space<hbm>> -> memref<1000x1024xf32, #tpu.memory_space<hbm>>
      tpu.wait_indirect_dma semaphore(%arg9 : memref<!tpu.dma_semaphore, #tpu.memory_space<semaphore_mem>>) src(%dma_wait3A_62 : memref<1000x1024xf32, #tpu.memory_space<hbm>>) dst(%arg7 : memref<32x1024xf32, #tpu.memory_space<vmem>>)
      %dma_start3A_63 = arith.constant 0 : i32
      %dma_start3A_64 = tpu.memref_slice %arg4[%add3A_50, %mul3A_2, %dma_start3A_63] : memref<10x1024x1024xf32, #tpu.memory_space<hbm>> -> memref<1x32x1024xf32, #tpu.memory_space<hbm>>
      %dma_start3A_65 = tpu.memref_squeeze %dma_start3A_64 : memref<1x32x1024xf32, #tpu.memory_space<hbm>> -> memref<32x1024xf32, #tpu.memory_space<hbm>>
      %dma_start3A_66 = arith.constant 0 : i32
      %dma_start3A_67 = tpu.memref_slice %arg4[%add3A_50, %mul3A_2, %dma_start3A_66] : memref<10x1024x1024xf32, #tpu.memory_space<hbm>> -> memref<1x32x1024xf32, #tpu.memory_space<hbm>>
      %dma_start3A_68 = tpu.memref_squeeze %dma_start3A_67 : memref<1x32x1024xf32, #tpu.memory_space<hbm>> -> memref<32x1024xf32, #tpu.memory_space<hbm>>
      tpu.enqueue_dma source(%arg7 : memref<32x1024xf32, #tpu.memory_space<vmem>>) target(%dma_start3A_68 : memref<32x1024xf32, #tpu.memory_space<hbm>>) target_semaphore(%arg11 : memref<!tpu.dma_semaphore, #tpu.memory_space<semaphore_mem>>)
      %dma_wait3A_69 = arith.constant 0 : i32
      %dma_wait3A_70 = tpu.memref_slice %arg4[%add3A_50, %mul3A_2, %dma_wait3A_69] : memref<10x1024x1024xf32, #tpu.memory_space<hbm>> -> memref<1x32x1024xf32, #tpu.memory_space<hbm>>
      %dma_wait3A_71 = tpu.memref_squeeze %dma_wait3A_70 : memref<1x32x1024xf32, #tpu.memory_space<hbm>> -> memref<32x1024xf32, #tpu.memory_space<hbm>>
      %dma_wait3A_72 = arith.constant 0 : i32
      %dma_wait3A_73 = tpu.memref_slice %arg4[%add3A_50, %mul3A_2, %dma_wait3A_72] : memref<10x1024x1024xf32, #tpu.memory_space<hbm>> -> memref<1x32x1024xf32, #tpu.memory_space<hbm>>
      %dma_wait3A_74 = tpu.memref_squeeze %dma_wait3A_73 : memref<1x32x1024xf32, #tpu.memory_space<hbm>> -> memref<32x1024xf32, #tpu.memory_space<hbm>>
      tpu.wait_dma2 semaphore(%arg11 : memref<!tpu.dma_semaphore, #tpu.memory_space<semaphore_mem>>) src(%arg7 : memref<32x1024xf32, #tpu.memory_space<vmem>>) dst(%dma_wait3A_74 : memref<32x1024xf32, #tpu.memory_space<hbm>>)
      %convert_element_type3A_75 = arith.extui %lt3A_56 : i1 to i32
      %cond3A_76 = arith.constant 0 : i32
      %cond3A_77 = arith.cmpi ne, %convert_element_type3A_75, %cond3A_76 : i32
      scf.if %cond3A_77 {
        %add3A_78 = arith.constant 2 : i32
        %add3A_79 = arith.addi %add3A_50, %add3A_78 : i32
        %dma_start3A_80 = arith.constant 0 : i32
        %dma_start3A_81 = tpu.memref_slice %arg5[%add3A_79, %dma_start3A_80] : memref<10x32xi32, #tpu.memory_space<vmem>> -> memref<1x32xi32, #tpu.memory_space<vmem>>
        %dma_start3A_82 = tpu.memref_squeeze %dma_start3A_81 : memref<1x32xi32, #tpu.memory_space<vmem>> -> memref<32xi32, #tpu.memory_space<vmem>>
        %dma_start3A_83 = arith.constant 0 : i32
        %dma_start3A_84 = arith.constant 0 : i32
        %dma_start3A_85 = tpu.memref_slice %arg2[%dma_start3A_83, %dma_start3A_84] : memref<1000x1024xf32, #tpu.memory_space<hbm>> -> memref<1000x1024xf32, #tpu.memory_space<hbm>>
        tpu.enqueue_indirect_dma source(%dma_start3A_85 : memref<1000x1024xf32, #tpu.memory_space<hbm>>) target(%arg7 : memref<32x1024xf32, #tpu.memory_space<vmem>>) offsets(%dma_start3A_82 : memref<32xi32, #tpu.memory_space<vmem>>) semaphore(%arg9 : memref<!tpu.dma_semaphore, #tpu.memory_space<semaphore_mem>>)
      } else {
      }
    }
    %scan3A_20 = arith.constant 5 : i32
    return
  }
}

#map = affine_map<(d0, d1) -> (0, 0)>
#map1 = affine_map<(d0, d1) -> (0, 0, 0)>
module attributes {stable_mosaic.version = 14 : i64} {
  func.func @gather_k(%arg0: i32, %arg1: i32, %arg2: memref<1000x1024xf32, #tpu.memory_space<hbm>>, %arg3: memref<32x10x32xi32, #tpu.memory_space<hbm>>, %arg4: memref<10x1024x1024xf32, #tpu.memory_space<hbm>>, %arg5: memref<10x32xi32, #tpu.memory_space<vmem>>, %arg6: memref<32x1024xf32, #tpu.memory_space<vmem>>, %arg7: memref<32x1024xf32, #tpu.memory_space<vmem>>, %arg8: memref<!tpu.dma_semaphore, #tpu.memory_space<semaphore_mem>>, %arg9: memref<!tpu.dma_semaphore, #tpu.memory_space<semaphore_mem>>, %arg10: memref<!tpu.dma_semaphore, #tpu.memory_space<semaphore_mem>>, %arg11: memref<!tpu.dma_semaphore, #tpu.memory_space<semaphore_mem>>) attributes {dimension_semantics = [#tpu.dimension_semantics<core_parallel>, #tpu.dimension_semantics<subcore_parallel>], iteration_bounds = array<i64: 2, 16>, scalar_prefetch = 0 : i64, scratch_operands = 7 : i64, tpu.core_type = #tpu.core_type<sc_vector_subcore>, window_params = [{transform_indices = #map}, {transform_indices = #map1}, {transform_indices = #map1}]} {
    %mul3A = arith.constant 2 : i32
    %mul3A_0 = arith.muli %arg1, %mul3A : i32
    %add3A = arith.addi %mul3A_0, %arg0 : i32
    %mul3A_1 = arith.constant 32 : i32
    %mul3A_2 = arith.muli %add3A, %mul3A_1 : i32
    "tpu.region"() ({
      %run_scoped3A = tpu.sem_alloc : memref<!tpu.dma_semaphore, #tpu.memory_space<semaphore_mem>>
      %dma_start3A_21 = arith.constant 0 : i32
      %dma_start3A_22 = arith.constant 0 : i32
      %dma_start3A_23 = tpu.memref_slice %arg3[%add3A, %dma_start3A_21, %dma_start3A_22] : memref<32x10x32xi32, #tpu.memory_space<hbm>> -> memref<1x10x32xi32, #tpu.memory_space<hbm>>
      %dma_start3A_24 = tpu.memref_squeeze %dma_start3A_23 : memref<1x10x32xi32, #tpu.memory_space<hbm>> -> memref<10x32xi32, #tpu.memory_space<hbm>>
      %dma_start3A_25 = arith.constant 0 : i32
      %dma_start3A_26 = arith.constant 0 : i32
      %dma_start3A_27 = tpu.memref_slice %arg3[%add3A, %dma_start3A_25, %dma_start3A_26] : memref<32x10x32xi32, #tpu.memory_space<hbm>> -> memref<1x10x32xi32, #tpu.memory_space<hbm>>
      %dma_start3A_28 = tpu.memref_squeeze %dma_start3A_27 : memref<1x10x32xi32, #tpu.memory_space<hbm>> -> memref<10x32xi32, #tpu.memory_space<hbm>>
      tpu.enqueue_dma source(%dma_start3A_28 : memref<10x32xi32, #tpu.memory_space<hbm>>) target(%arg5 : memref<10x32xi32, #tpu.memory_space<vmem>>) target_semaphore(%run_scoped3A : memref<!tpu.dma_semaphore, #tpu.memory_space<semaphore_mem>>)
      %dma_wait3A = arith.constant 0 : i32
      %dma_wait3A_29 = arith.constant 0 : i32
      %dma_wait3A_30 = tpu.memref_slice %arg3[%add3A, %dma_wait3A, %dma_wait3A_29] : memref<32x10x32xi32, #tpu.memory_space<hbm>> -> memref<1x10x32xi32, #tpu.memory_space<hbm>>
      %dma_wait3A_31 = tpu.memref_squeeze %dma_wait3A_30 : memref<1x10x32xi32, #tpu.memory_space<hbm>> -> memref<10x32xi32, #tpu.memory_space<hbm>>
      %dma_wait3A_32 = arith.constant 0 : i32
      %dma_wait3A_33 = arith.constant 0 : i32
      %dma_wait3A_34 = tpu.memref_slice %arg3[%add3A, %dma_wait3A_32, %dma_wait3A_33] : memref<32x10x32xi32, #tpu.memory_space<hbm>> -> memref<1x10x32xi32, #tpu.memory_space<hbm>>
      %dma_wait3A_35 = tpu.memref_squeeze %dma_wait3A_34 : memref<1x10x32xi32, #tpu.memory_space<hbm>> -> memref<10x32xi32, #tpu.memory_space<hbm>>
      tpu.wait_dma2 semaphore(%run_scoped3A : memref<!tpu.dma_semaphore, #tpu.memory_space<semaphore_mem>>) src(%dma_wait3A_35 : memref<10x32xi32, #tpu.memory_space<hbm>>) dst(%arg5 : memref<10x32xi32, #tpu.memory_space<vmem>>)
      tpu.yield
    }) : () -> ()
    %dma_start3A = arith.constant 0 : i32
    %dma_start3A_3 = arith.constant 0 : i32
    %dma_start3A_4 = tpu.memref_slice %arg5[%dma_start3A, %dma_start3A_3] : memref<10x32xi32, #tpu.memory_space<vmem>> -> memref<1x32xi32, #tpu.memory_space<vmem>>
    %dma_start3A_5 = tpu.memref_squeeze %dma_start3A_4 : memref<1x32xi32, #tpu.memory_space<vmem>> -> memref<32xi32, #tpu.memory_space<vmem>>
    %dma_start3A_6 = arith.constant 0 : i32
    %dma_start3A_7 = arith.constant 0 : i32
    %dma_start3A_8 = tpu.memref_slice %arg2[%dma_start3A_6, %dma_start3A_7] : memref<1000x1024xf32, #tpu.memory_space<hbm>> -> memref<1000x1024xf32, #tpu.memory_space<hbm>>
    tpu.enqueue_indirect_dma source(%dma_start3A_8 : memref<1000x1024xf32, #tpu.memory_space<hbm>>) target(%arg6 : memref<32x1024xf32, #tpu.memory_space<vmem>>) offsets(%dma_start3A_5 : memref<32xi32, #tpu.memory_space<vmem>>) semaphore(%arg8 : memref<!tpu.dma_semaphore, #tpu.memory_space<semaphore_mem>>)
    %dma_start3A_9 = arith.constant 1 : i32
    %dma_start3A_10 = arith.constant 0 : i32
    %dma_start3A_11 = tpu.memref_slice %arg5[%dma_start3A_9, %dma_start3A_10] : memref<10x32xi32, #tpu.memory_space<vmem>> -> memref<1x32xi32, #tpu.memory_space<vmem>>
    %dma_start3A_12 = tpu.memref_squeeze %dma_start3A_11 : memref<1x32xi32, #tpu.memory_space<vmem>> -> memref<32xi32, #tpu.memory_space<vmem>>
    %dma_start3A_13 = arith.constant 0 : i32
    %dma_start3A_14 = arith.constant 0 : i32
    %dma_start3A_15 = tpu.memref_slice %arg2[%dma_start3A_13, %dma_start3A_14] : memref<1000x1024xf32, #tpu.memory_space<hbm>> -> memref<1000x1024xf32, #tpu.memory_space<hbm>>
    tpu.enqueue_indirect_dma source(%dma_start3A_15 : memref<1000x1024xf32, #tpu.memory_space<hbm>>) target(%arg7 : memref<32x1024xf32, #tpu.memory_space<vmem>>) offsets(%dma_start3A_12 : memref<32xi32, #tpu.memory_space<vmem>>) semaphore(%arg9 : memref<!tpu.dma_semaphore, #tpu.memory_space<semaphore_mem>>)
    %scan3A = arith.constant 0 : i32
    %scan3A_16 = arith.constant 0 : i32
    %scan3A_17 = arith.constant 5 : i32
    %scan3A_18 = arith.addi %scan3A_16, %scan3A_17 : i32
    %scan3A_19 = arith.constant 1 : i32
    scf.for %scan3A_21 = %scan3A_16 to %scan3A_18 step %scan3A_19  : i32 {
      %mul3A_22 = arith.constant 2 : i32
      %mul3A_23 = arith.muli %mul3A_22, %scan3A_21 : i32
      %mul3A_24 = arith.constant 2 : i32
      %mul3A_25 = arith.muli %mul3A_24, %scan3A_21 : i32
      %add3A_26 = arith.constant 2 : i32
      %add3A_27 = arith.addi %mul3A_25, %add3A_26 : i32
      %lt3A = arith.constant 10 : i32
      %lt3A_28 = arith.cmpi slt, %add3A_27, %lt3A : i32
      %dma_wait3A = arith.constant 0 : i32
      %dma_wait3A_29 = tpu.memref_slice %arg5[%mul3A_23, %dma_wait3A] : memref<10x32xi32, #tpu.memory_space<vmem>> -> memref<1x32xi32, #tpu.memory_space<vmem>>
      %dma_wait3A_30 = tpu.memref_squeeze %dma_wait3A_29 : memref<1x32xi32, #tpu.memory_space<vmem>> -> memref<32xi32, #tpu.memory_space<vmem>>
      %dma_wait3A_31 = arith.constant 0 : i32
      %dma_wait3A_32 = arith.constant 0 : i32
      %dma_wait3A_33 = tpu.memref_slice %arg2[%dma_wait3A_31, %dma_wait3A_32] : memref<1000x1024xf32, #tpu.memory_space<hbm>> -> memref<1000x1024xf32, #tpu.memory_space<hbm>>
      tpu.wait_indirect_dma semaphore(%arg8 : memref<!tpu.dma_semaphore, #tpu.memory_space<semaphore_mem>>) src(%dma_wait3A_33 : memref<1000x1024xf32, #tpu.memory_space<hbm>>) dst(%arg6 : memref<32x1024xf32, #tpu.memory_space<vmem>>)
      %dma_start3A_34 = arith.constant 0 : i32
      %dma_start3A_35 = tpu.memref_slice %arg4[%mul3A_23, %mul3A_2, %dma_start3A_34] : memref<10x1024x1024xf32, #tpu.memory_space<hbm>> -> memref<1x32x1024xf32, #tpu.memory_space<hbm>>
      %dma_start3A_36 = tpu.memref_squeeze %dma_start3A_35 : memref<1x32x1024xf32, #tpu.memory_space<hbm>> -> memref<32x1024xf32, #tpu.memory_space<hbm>>
      %dma_start3A_37 = arith.constant 0 : i32
      %dma_start3A_38 = tpu.memref_slice %arg4[%mul3A_23, %mul3A_2, %dma_start3A_37] : memref<10x1024x1024xf32, #tpu.memory_space<hbm>> -> memref<1x32x1024xf32, #tpu.memory_space<hbm>>
      %dma_start3A_39 = tpu.memref_squeeze %dma_start3A_38 : memref<1x32x1024xf32, #tpu.memory_space<hbm>> -> memref<32x1024xf32, #tpu.memory_space<hbm>>
      tpu.enqueue_dma source(%arg6 : memref<32x1024xf32, #tpu.memory_space<vmem>>) target(%dma_start3A_39 : memref<32x1024xf32, #tpu.memory_space<hbm>>) target_semaphore(%arg10 : memref<!tpu.dma_semaphore, #tpu.memory_space<semaphore_mem>>)
      %dma_wait3A_40 = arith.constant 0 : i32
      %dma_wait3A_41 = tpu.memref_slice %arg4[%mul3A_23, %mul3A_2, %dma_wait3A_40] : memref<10x1024x1024xf32, #tpu.memory_space<hbm>> -> memref<1x32x1024xf32, #tpu.memory_space<hbm>>
      %dma_wait3A_42 = tpu.memref_squeeze %dma_wait3A_41 : memref<1x32x1024xf32, #tpu.memory_space<hbm>> -> memref<32x1024xf32, #tpu.memory_space<hbm>>
      %dma_wait3A_43 = arith.constant 0 : i32
      %dma_wait3A_44 = tpu.memref_slice %arg4[%mul3A_23, %mul3A_2, %dma_wait3A_43] : memref<10x1024x1024xf32, #tpu.memory_space<hbm>> -> memref<1x32x1024xf32, #tpu.memory_space<hbm>>
      %dma_wait3A_45 = tpu.memref_squeeze %dma_wait3A_44 : memref<1x32x1024xf32, #tpu.memory_space<hbm>> -> memref<32x1024xf32, #tpu.memory_space<hbm>>
      tpu.wait_dma2 semaphore(%arg10 : memref<!tpu.dma_semaphore, #tpu.memory_space<semaphore_mem>>) src(%arg6 : memref<32x1024xf32, #tpu.memory_space<vmem>>) dst(%dma_wait3A_45 : memref<32x1024xf32, #tpu.memory_space<hbm>>)
      %convert_element_type3A = arith.extui %lt3A_28 : i1 to i32
      %cond3A = arith.constant 0 : i32
      %cond3A_46 = arith.cmpi ne, %convert_element_type3A, %cond3A : i32
      scf.if %cond3A_46 {
        %add3A_78 = arith.constant 2 : i32
        %add3A_79 = arith.addi %mul3A_23, %add3A_78 : i32
        %dma_start3A_80 = arith.constant 0 : i32
        %dma_start3A_81 = tpu.memref_slice %arg5[%add3A_79, %dma_start3A_80] : memref<10x32xi32, #tpu.memory_space<vmem>> -> memref<1x32xi32, #tpu.memory_space<vmem>>
        %dma_start3A_82 = tpu.memref_squeeze %dma_start3A_81 : memref<1x32xi32, #tpu.memory_space<vmem>> -> memref<32xi32, #tpu.memory_space<vmem>>
        %dma_start3A_83 = arith.constant 0 : i32
        %dma_start3A_84 = arith.constant 0 : i32
        %dma_start3A_85 = tpu.memref_slice %arg2[%dma_start3A_83, %dma_start3A_84] : memref<1000x1024xf32, #tpu.memory_space<hbm>> -> memref<1000x1024xf32, #tpu.memory_space<hbm>>
        tpu.enqueue_indirect_dma source(%dma_start3A_85 : memref<1000x1024xf32, #tpu.memory_space<hbm>>) target(%arg6 : memref<32x1024xf32, #tpu.memory_space<vmem>>) offsets(%dma_start3A_82 : memref<32xi32, #tpu.memory_space<vmem>>) semaphore(%arg8 : memref<!tpu.dma_semaphore, #tpu.memory_space<semaphore_mem>>)
      } else {
      }
      %mul3A_47 = arith.constant 2 : i32
      %mul3A_48 = arith.muli %mul3A_47, %scan3A_21 : i32
      %add3A_49 = arith.constant 1 : i32
      %add3A_50 = arith.addi %mul3A_48, %add3A_49 : i32
      %mul3A_51 = arith.constant 2 : i32
      %mul3A_52 = arith.muli %mul3A_51, %scan3A_21 : i32
      %add3A_53 = arith.constant 3 : i32
      %add3A_54 = arith.addi %mul3A_52, %add3A_53 : i32
      %lt3A_55 = arith.constant 10 : i32
      %lt3A_56 = arith.cmpi slt, %add3A_54, %lt3A_55 : i32
      %dma_wait3A_57 = arith.constant 0 : i32
      %dma_wait3A_58 = tpu.memref_slice %arg5[%add3A_50, %dma_wait3A_57] : memref<10x32xi32, #tpu.memory_space<vmem>> -> memref<1x32xi32, #tpu.memory_space<vmem>>
      %dma_wait3A_59 = tpu.memref_squeeze %dma_wait3A_58 : memref<1x32xi32, #tpu.memory_space<vmem>> -> memref<32xi32, #tpu.memory_space<vmem>>
      %dma_wait3A_60 = arith.constant 0 : i32
      %dma_wait3A_61 = arith.constant 0 : i32
      %dma_wait3A_62 = tpu.memref_slice %arg2[%dma_wait3A_60, %dma_wait3A_61] : memref<1000x1024xf32, #tpu.memory_space<hbm>> -> memref<1000x1024xf32, #tpu.memory_space<hbm>>
      tpu.wait_indirect_dma semaphore(%arg9 : memref<!tpu.dma_semaphore, #tpu.memory_space<semaphore_mem>>) src(%dma_wait3A_62 : memref<1000x1024xf32, #tpu.memory_space<hbm>>) dst(%arg7 : memref<32x1024xf32, #tpu.memory_space<vmem>>)
      %dma_start3A_63 = arith.constant 0 : i32
      %dma_start3A_64 = tpu.memref_slice %arg4[%add3A_50, %mul3A_2, %dma_start3A_63] : memref<10x1024x1024xf32, #tpu.memory_space<hbm>> -> memref<1x32x1024xf32, #tpu.memory_space<hbm>>
      %dma_start3A_65 = tpu.memref_squeeze %dma_start3A_64 : memref<1x32x1024xf32, #tpu.memory_space<hbm>> -> memref<32x1024xf32, #tpu.memory_space<hbm>>
      %dma_start3A_66 = arith.constant 0 : i32
      %dma_start3A_67 = tpu.memref_slice %arg4[%add3A_50, %mul3A_2, %dma_start3A_66] : memref<10x1024x1024xf32, #tpu.memory_space<hbm>> -> memref<1x32x1024xf32, #tpu.memory_space<hbm>>
      %dma_start3A_68 = tpu.memref_squeeze %dma_start3A_67 : memref<1x32x1024xf32, #tpu.memory_space<hbm>> -> memref<32x1024xf32, #tpu.memory_space<hbm>>
      tpu.enqueue_dma source(%arg7 : memref<32x1024xf32, #tpu.memory_space<vmem>>) target(%dma_start3A_68 : memref<32x1024xf32, #tpu.memory_space<hbm>>) target_semaphore(%arg11 : memref<!tpu.dma_semaphore, #tpu.memory_space<semaphore_mem>>)
      %dma_wait3A_69 = arith.constant 0 : i32
      %dma_wait3A_70 = tpu.memref_slice %arg4[%add3A_50, %mul3A_2, %dma_wait3A_69] : memref<10x1024x1024xf32, #tpu.memory_space<hbm>> -> memref<1x32x1024xf32, #tpu.memory_space<hbm>>
      %dma_wait3A_71 = tpu.memref_squeeze %dma_wait3A_70 : memref<1x32x1024xf32, #tpu.memory_space<hbm>> -> memref<32x1024xf32, #tpu.memory_space<hbm>>
      %dma_wait3A_72 = arith.constant 0 : i32
      %dma_wait3A_73 = tpu.memref_slice %arg4[%add3A_50, %mul3A_2, %dma_wait3A_72] : memref<10x1024x1024xf32, #tpu.memory_space<hbm>> -> memref<1x32x1024xf32, #tpu.memory_space<hbm>>
      %dma_wait3A_74 = tpu.memref_squeeze %dma_wait3A_73 : memref<1x32x1024xf32, #tpu.memory_space<hbm>> -> memref<32x1024xf32, #tpu.memory_space<hbm>>
      tpu.wait_dma2 semaphore(%arg11 : memref<!tpu.dma_semaphore, #tpu.memory_space<semaphore_mem>>) src(%arg7 : memref<32x1024xf32, #tpu.memory_space<vmem>>) dst(%dma_wait3A_74 : memref<32x1024xf32, #tpu.memory_space<hbm>>)
      %convert_element_type3A_75 = arith.extui %lt3A_56 : i1 to i32
      %cond3A_76 = arith.constant 0 : i32
      %cond3A_77 = arith.cmpi ne, %convert_element_type3A_75, %cond3A_76 : i32
      scf.if %cond3A_77 {
        %add3A_78 = arith.constant 2 : i32
        %add3A_79 = arith.addi %add3A_50, %add3A_78 : i32
        %dma_start3A_80 = arith.constant 0 : i32
        %dma_start3A_81 = tpu.memref_slice %arg5[%add3A_79, %dma_start3A_80] : memref<10x32xi32, #tpu.memory_space<vmem>> -> memref<1x32xi32, #tpu.memory_space<vmem>>
        %dma_start3A_82 = tpu.memref_squeeze %dma_start3A_81 : memref<1x32xi32, #tpu.memory_space<vmem>> -> memref<32xi32, #tpu.memory_space<vmem>>
        %dma_start3A_83 = arith.constant 0 : i32
        %dma_start3A_84 = arith.constant 0 : i32
        %dma_start3A_85 = tpu.memref_slice %arg2[%dma_start3A_83, %dma_start3A_84] : memref<1000x1024xf32, #tpu.memory_space<hbm>> -> memref<1000x1024xf32, #tpu.memory_space<hbm>>
        tpu.enqueue_indirect_dma source(%dma_start3A_85 : memref<1000x1024xf32, #tpu.memory_space<hbm>>) target(%arg7 : memref<32x1024xf32, #tpu.memory_space<vmem>>) offsets(%dma_start3A_82 : memref<32xi32, #tpu.memory_space<vmem>>) semaphore(%arg9 : memref<!tpu.dma_semaphore, #tpu.memory_space<semaphore_mem>>)
      } else {
      }
    }
    %scan3A_20 = arith.constant 5 : i32
    return
  }
}

module attributes {stable_mosaic.version = 14 : i64} {
  func.func @mm(%arg0: memref<1000x64xf32, #tpu.memory_space<vmem>>, %arg1: memref<1024x64xf32, #tpu.memory_space<vmem>>, %arg2: memref<1x1024xf32, #tpu.memory_space<vmem>>, %arg3: memref<1000x1024xf32, #tpu.memory_space<vmem>>) attributes {dimension_semantics = [], scalar_prefetch = 0 : i64, scratch_operands = 0 : i64, tpu.core_type = #tpu.core_type<tc>} {
    %get3A = arith.constant 0 : index
    %get3A_0 = arith.constant 0 : index
    %get3A_1 = vector.load %arg0[%get3A, %get3A_0] : memref<1000x64xf32, #tpu.memory_space<vmem>>, vector<1000x64xf32>
    %get3A_2 = arith.constant 0 : index
    %get3A_3 = arith.constant 0 : index
    %get3A_4 = vector.load %arg1[%get3A_2, %get3A_3] : memref<1024x64xf32, #tpu.memory_space<vmem>>, vector<1024x64xf32>
    %dot_general3A = arith.constant dense<0.000000e+00> : vector<1000x1024xf32>
    %dot_general3A_5 = tpu.matmul %get3A_1, %get3A_4, %dot_general3A {dimension_numbers = #tpu.dot_dimension_numbers<[1], [1], [0], [0], [0, 0, 1, 0], [], []>, transpose_lhs_hint = false} : vector<1000x64xf32>, vector<1024x64xf32>, vector<1000x1024xf32> -> vector<1000x1024xf32>
    %get3A_6 = arith.constant 0 : index
    %get3A_7 = arith.constant 0 : index
    %get3A_8 = vector.load %arg2[%get3A_6, %get3A_7] : memref<1x1024xf32, #tpu.memory_space<vmem>>, vector<1x1024xf32>
    %add3A = vector.broadcast %get3A_8 : vector<1x1024xf32> to vector<1000x1024xf32>
    %add3A_9 = arith.addf %dot_general3A_5, %add3A : vector<1000x1024xf32>
    %swap3A = arith.constant 0 : index
    %swap3A_10 = arith.constant 0 : index
    %swap3A_11 = vector.load %arg3[%swap3A, %swap3A_10] : memref<1000x1024xf32, #tpu.memory_space<vmem>>, vector<1000x1024xf32>
    tpu.vector_store %arg3[%swap3A, %swap3A_10], %add3A_9 {strides = array<i32>} : memref<1000x1024xf32, #tpu.memory_space<vmem>>, vector<1000x1024xf32>,
    return
  }
}

module attributes {stable_mosaic.version = 14 : i64} {
  func.func @tr(%arg0: i32, %arg1: i32, %arg2: memref<1x1xf32, #tpu.memory_space<any>>, %arg3: memref<1x1024x1024xf32, #tpu.memory_space<vmem>>, %arg4: memref<1x1000x1024xf32, #tpu.memory_space<vmem>>) attributes {dimension_semantics = [#tpu.dimension_semantics<arbitrary>, #tpu.dimension_semantics<arbitrary>], iteration_bounds = array<i64: 10, 1>, scalar_prefetch = 0 : i64, scratch_operands = 0 : i64, tpu.core_type = #tpu.core_type<tc>, window_params = [{}, {transform_indices = @transform_1, window_bounds = array<i64: 1, 1024, 1024>}, {transform_indices = @transform_2, window_bounds = array<i64: 1, 1000, 1024>}]} {
    %get3A = arith.constant 0 : index
    %get3A_0 = arith.constant 0 : index
    %get3A_1 = arith.constant 0 : index
    %get3A_2 = vector.load %arg3[%get3A, %get3A_0, %get3A_1] : memref<1x1024x1024xf32, #tpu.memory_space<vmem>>, vector<1x1024x1024xf32>
    %get3A_3 = vector.shape_cast %get3A_2 : vector<1x1024x1024xf32> to vector<1024x1024xf32>
    %transpose3A = tpu.transpose %get3A_3, [1, 0] : vector<1024x1024xf32> -> vector<1024x1024xf32>
    %slice3A = vector.extract_strided_slice %transpose3A {offsets = [0, 0], sizes = [1000, 1024], strides = [1, 1]} : vector<1024x1024xf32> to vector<1000x1024xf32>
    %swap3A = arith.constant 0 : index
    %swap3A_4 = arith.constant 0 : index
    %swap3A_5 = arith.constant 0 : index
    %swap3A_6 = vector.load %arg4[%swap3A, %swap3A_4, %swap3A_5] : memref<1x1000x1024xf32, #tpu.memory_space<vmem>>, vector<1x1000x1024xf32>
    %swap3A_7 = vector.shape_cast %swap3A_6 : vector<1x1000x1024xf32> to vector<1000x1024xf32>
    %swap3A_8 = vector.shape_cast %slice3A : vector<1000x1024xf32> to vector<1x1000x1024xf32>
    tpu.vector_store %arg4[%swap3A, %swap3A_4, %swap3A_5], %swap3A_8 {strides = array<i32>} : memref<1x1000x1024xf32, #tpu.memory_space<vmem>>, vector<1x1000x1024xf32>,
    return
  }
  func.func @transform_1(%arg0: i32, %arg1: i32) -> (i32, i32, i32) {
    %c0_i32 = arith.constant 0 : i32
    %c0_i32_0 = arith.constant 0 : i32
    return %arg0, %arg1, %c0_i32 : i32, i32, i32
  }
  func.func @transform_2(%arg0: i32, %arg1: i32) -> (i32, i32, i32) {
    %add3A = arith.constant 0 : i32
    %add3A_0 = arith.addi %add3A, %arg0 : i32
    %c0_i32 = arith.constant 0 : i32
    %c0_i32_1 = arith.constant 0 : i32
    return %add3A_0, %c0_i32, %arg1 : i32, i32, i32
  }
}

module attributes {stable_mosaic.version = 14 : i64} {
  func.func @tr(%arg0: i32, %arg1: i32, %arg2: memref<50x1000x1024xf32, #tpu.memory_space<any>>, %arg3: memref<1x1024x1024xf32, #tpu.memory_space<vmem>>, %arg4: memref<1x1000x1024xf32, #tpu.memory_space<vmem>>) attributes {dimension_semantics = [#tpu.dimension_semantics<arbitrary>, #tpu.dimension_semantics<arbitrary>], iteration_bounds = array<i64: 10, 1>, scalar_prefetch = 0 : i64, scratch_operands = 0 : i64, tpu.core_type = #tpu.core_type<tc>, window_params = [{}, {transform_indices = @transform_1, window_bounds = array<i64: 1, 1024, 1024>}, {transform_indices = @transform_2, window_bounds = array<i64: 1, 1000, 1024>}]} {
    %get3A = arith.constant 0 : index
    %get3A_0 = arith.constant 0 : index
    %get3A_1 = arith.constant 0 : index
    %get3A_2 = vector.load %arg3[%get3A, %get3A_0, %get3A_1] : memref<1x1024x1024xf32, #tpu.memory_space<vmem>>, vector<1x1024x1024xf32>
    %get3A_3 = vector.shape_cast %get3A_2 : vector<1x1024x1024xf32> to vector<1024x1024xf32>
    %transpose3A = tpu.transpose %get3A_3, [1, 0] : vector<1024x1024xf32> -> vector<1024x1024xf32>
    %slice3A = vector.extract_strided_slice %transpose3A {offsets = [0, 0], sizes = [1000, 1024], strides = [1, 1]} : vector<1024x1024xf32> to vector<1000x1024xf32>
    %swap3A = arith.constant 0 : index
    %swap3A_4 = arith.constant 0 : index
    %swap3A_5 = arith.constant 0 : index
    %swap3A_6 = vector.load %arg4[%swap3A, %swap3A_4, %swap3A_5] : memref<1x1000x1024xf32, #tpu.memory_space<vmem>>, vector<1x1000x1024xf32>
    %swap3A_7 = vector.shape_cast %swap3A_6 : vector<1x1000x1024xf32> to vector<1000x1024xf32>
    %swap3A_8 = vector.shape_cast %slice3A : vector<1000x1024xf32> to vector<1x1000x1024xf32>
    tpu.vector_store %arg4[%swap3A, %swap3A_4, %swap3A_5], %swap3A_8 {strides = array<i32>} : memref<1x1000x1024xf32, #tpu.memory_space<vmem>>, vector<1x1000x1024xf32>,
    return
  }
  func.func @transform_1(%arg0: i32, %arg1: i32) -> (i32, i32, i32) {
    %c0_i32 = arith.constant 0 : i32
    %c0_i32_0 = arith.constant 0 : i32
    return %arg0, %arg1, %c0_i32 : i32, i32, i32
  }
  func.func @transform_2(%arg0: i32, %arg1: i32) -> (i32, i32, i32) {
    %add3A = arith.constant 10 : i32
    %add3A_0 = arith.addi %add3A, %arg0 : i32
    %c0_i32 = arith.constant 0 : i32
    %c0_i32_1 = arith.constant 0 : i32
    return %add3A_0, %c0_i32, %arg1 : i32, i32, i32
  }
}

module attributes {stable_mosaic.version = 14 : i64} {
  func.func @tr(%arg0: i32, %arg1: i32, %arg2: memref<50x1000x1024xf32, #tpu.memory_space<any>>, %arg3: memref<1x1024x1024xf32, #tpu.memory_space<vmem>>, %arg4: memref<1x1000x1024xf32, #tpu.memory_space<vmem>>) attributes {dimension_semantics = [#tpu.dimension_semantics<arbitrary>, #tpu.dimension_semantics<arbitrary>], iteration_bounds = array<i64: 10, 1>, scalar_prefetch = 0 : i64, scratch_operands = 0 : i64, tpu.core_type = #tpu.core_type<tc>, window_params = [{}, {transform_indices = @transform_1, window_bounds = array<i64: 1, 1024, 1024>}, {transform_indices = @transform_2, window_bounds = array<i64: 1, 1000, 1024>}]} {
    %get3A = arith.constant 0 : index
    %get3A_0 = arith.constant 0 : index
    %get3A_1 = arith.constant 0 : index
    %get3A_2 = vector.load %arg3[%get3A, %get3A_0, %get3A_1] : memref<1x1024x1024xf32, #tpu.memory_space<vmem>>, vector<1x1024x1024xf32>
    %get3A_3 = vector.shape_cast %get3A_2 : vector<1x1024x1024xf32> to vector<1024x1024xf32>
    %transpose3A = tpu.transpose %get3A_3, [1, 0] : vector<1024x1024xf32> -> vector<1024x1024xf32>
    %slice3A = vector.extract_strided_slice %transpose3A {offsets = [0, 0], sizes = [1000, 1024], strides = [1, 1]} : vector<1024x1024xf32> to vector<1000x1024xf32>
    %swap3A = arith.constant 0 : index
    %swap3A_4 = arith.constant 0 : index
    %swap3A_5 = arith.constant 0 : index
    %swap3A_6 = vector.load %arg4[%swap3A, %swap3A_4, %swap3A_5] : memref<1x1000x1024xf32, #tpu.memory_space<vmem>>, vector<1x1000x1024xf32>
    %swap3A_7 = vector.shape_cast %swap3A_6 : vector<1x1000x1024xf32> to vector<1000x1024xf32>
    %swap3A_8 = vector.shape_cast %slice3A : vector<1000x1024xf32> to vector<1x1000x1024xf32>
    tpu.vector_store %arg4[%swap3A, %swap3A_4, %swap3A_5], %swap3A_8 {strides = array<i32>} : memref<1x1000x1024xf32, #tpu.memory_space<vmem>>, vector<1x1000x1024xf32>,
    return
  }
  func.func @transform_1(%arg0: i32, %arg1: i32) -> (i32, i32, i32) {
    %c0_i32 = arith.constant 0 : i32
    %c0_i32_0 = arith.constant 0 : i32
    return %arg0, %arg1, %c0_i32 : i32, i32, i32
  }
  func.func @transform_2(%arg0: i32, %arg1: i32) -> (i32, i32, i32) {
    %add3A = arith.constant 20 : i32
    %add3A_0 = arith.addi %add3A, %arg0 : i32
    %c0_i32 = arith.constant 0 : i32
    %c0_i32_1 = arith.constant 0 : i32
    return %add3A_0, %c0_i32, %arg1 : i32, i32, i32
  }
}

module attributes {stable_mosaic.version = 14 : i64} {
  func.func @tr(%arg0: i32, %arg1: i32, %arg2: memref<50x1000x1024xf32, #tpu.memory_space<any>>, %arg3: memref<1x1024x1024xf32, #tpu.memory_space<vmem>>, %arg4: memref<1x1000x1024xf32, #tpu.memory_space<vmem>>) attributes {dimension_semantics = [#tpu.dimension_semantics<arbitrary>, #tpu.dimension_semantics<arbitrary>], iteration_bounds = array<i64: 10, 1>, scalar_prefetch = 0 : i64, scratch_operands = 0 : i64, tpu.core_type = #tpu.core_type<tc>, window_params = [{}, {transform_indices = @transform_1, window_bounds = array<i64: 1, 1024, 1024>}, {transform_indices = @transform_2, window_bounds = array<i64: 1, 1000, 1024>}]} {
    %get3A = arith.constant 0 : index
    %get3A_0 = arith.constant 0 : index
    %get3A_1 = arith.constant 0 : index
    %get3A_2 = vector.load %arg3[%get3A, %get3A_0, %get3A_1] : memref<1x1024x1024xf32, #tpu.memory_space<vmem>>, vector<1x1024x1024xf32>
    %get3A_3 = vector.shape_cast %get3A_2 : vector<1x1024x1024xf32> to vector<1024x1024xf32>
    %transpose3A = tpu.transpose %get3A_3, [1, 0] : vector<1024x1024xf32> -> vector<1024x1024xf32>
    %slice3A = vector.extract_strided_slice %transpose3A {offsets = [0, 0], sizes = [1000, 1024], strides = [1, 1]} : vector<1024x1024xf32> to vector<1000x1024xf32>
    %swap3A = arith.constant 0 : index
    %swap3A_4 = arith.constant 0 : index
    %swap3A_5 = arith.constant 0 : index
    %swap3A_6 = vector.load %arg4[%swap3A, %swap3A_4, %swap3A_5] : memref<1x1000x1024xf32, #tpu.memory_space<vmem>>, vector<1x1000x1024xf32>
    %swap3A_7 = vector.shape_cast %swap3A_6 : vector<1x1000x1024xf32> to vector<1000x1024xf32>
    %swap3A_8 = vector.shape_cast %slice3A : vector<1000x1024xf32> to vector<1x1000x1024xf32>
    tpu.vector_store %arg4[%swap3A, %swap3A_4, %swap3A_5], %swap3A_8 {strides = array<i32>} : memref<1x1000x1024xf32, #tpu.memory_space<vmem>>, vector<1x1000x1024xf32>,
    return
  }
  func.func @transform_1(%arg0: i32, %arg1: i32) -> (i32, i32, i32) {
    %c0_i32 = arith.constant 0 : i32
    %c0_i32_0 = arith.constant 0 : i32
    return %arg0, %arg1, %c0_i32 : i32, i32, i32
  }
  func.func @transform_2(%arg0: i32, %arg1: i32) -> (i32, i32, i32) {
    %add3A = arith.constant 30 : i32
    %add3A_0 = arith.addi %add3A, %arg0 : i32
    %c0_i32 = arith.constant 0 : i32
    %c0_i32_1 = arith.constant 0 : i32
    return %add3A_0, %c0_i32, %arg1 : i32, i32, i32
  }
}

module attributes {stable_mosaic.version = 14 : i64} {
  func.func @tr(%arg0: i32, %arg1: i32, %arg2: memref<50x1000x1024xf32, #tpu.memory_space<any>>, %arg3: memref<1x1024x1024xf32, #tpu.memory_space<vmem>>, %arg4: memref<1x1000x1024xf32, #tpu.memory_space<vmem>>) attributes {dimension_semantics = [#tpu.dimension_semantics<arbitrary>, #tpu.dimension_semantics<arbitrary>], iteration_bounds = array<i64: 10, 1>, scalar_prefetch = 0 : i64, scratch_operands = 0 : i64, tpu.core_type = #tpu.core_type<tc>, window_params = [{}, {transform_indices = @transform_1, window_bounds = array<i64: 1, 1024, 1024>}, {transform_indices = @transform_2, window_bounds = array<i64: 1, 1000, 1024>}]} {
    %get3A = arith.constant 0 : index
    %get3A_0 = arith.constant 0 : index
    %get3A_1 = arith.constant 0 : index
    %get3A_2 = vector.load %arg3[%get3A, %get3A_0, %get3A_1] : memref<1x1024x1024xf32, #tpu.memory_space<vmem>>, vector<1x1024x1024xf32>
    %get3A_3 = vector.shape_cast %get3A_2 : vector<1x1024x1024xf32> to vector<1024x1024xf32>
    %transpose3A = tpu.transpose %get3A_3, [1, 0] : vector<1024x1024xf32> -> vector<1024x1024xf32>
    %slice3A = vector.extract_strided_slice %transpose3A {offsets = [0, 0], sizes = [1000, 1024], strides = [1, 1]} : vector<1024x1024xf32> to vector<1000x1024xf32>
    %swap3A = arith.constant 0 : index
    %swap3A_4 = arith.constant 0 : index
    %swap3A_5 = arith.constant 0 : index
    %swap3A_6 = vector.load %arg4[%swap3A, %swap3A_4, %swap3A_5] : memref<1x1000x1024xf32, #tpu.memory_space<vmem>>, vector<1x1000x1024xf32>
    %swap3A_7 = vector.shape_cast %swap3A_6 : vector<1x1000x1024xf32> to vector<1000x1024xf32>
    %swap3A_8 = vector.shape_cast %slice3A : vector<1000x1024xf32> to vector<1x1000x1024xf32>
    tpu.vector_store %arg4[%swap3A, %swap3A_4, %swap3A_5], %swap3A_8 {strides = array<i32>} : memref<1x1000x1024xf32, #tpu.memory_space<vmem>>, vector<1x1000x1024xf32>,
    return
  }
  func.func @transform_1(%arg0: i32, %arg1: i32) -> (i32, i32, i32) {
    %c0_i32 = arith.constant 0 : i32
    %c0_i32_0 = arith.constant 0 : i32
    return %arg0, %arg1, %c0_i32 : i32, i32, i32
  }
  func.func @transform_2(%arg0: i32, %arg1: i32) -> (i32, i32, i32) {
    %add3A = arith.constant 40 : i32
    %add3A_0 = arith.addi %add3A, %arg0 : i32
    %c0_i32 = arith.constant 0 : i32
    %c0_i32_1 = arith.constant 0 : i32
    return %add3A_0, %c0_i32, %arg1 : i32, i32, i32
  }
}

</mosaic_0001>

<sc_bundles>
// kernel: kernel.13.cloned.1.call-start
scs
__scs_entry_jumppad:
0x0: {  	(pc) =	sbr.rel $0x88, $3  }
0x1: {  	(tag) =	ssettag $0x0;
	lr =	simm.s32 $0x1  }
0x2: {  	[smem:$0x3F9D] =	sst lr;
	_ =	strace $0xD0000000  }
0x3: {  	_ = 	snop  }
0x4: {  	_ = 	snop  }
0x5: {  	_ = 	snop  }
0x6: {  	_ = 	snop  }
0x7: {  	_ = 	snop  }
__scs_overlays_trampoline_lowered:
0x8: {  	[smem:$0x3FAC] =	sst s0  }
0x9: {  	[smem:$0x3FAD] =	sst s1  }
0xa: {  	[smem:$0x3FAE] =	sst s2  }
0xb: {  	[smem:$0x3FAF] =	sst s3  }
0xc: {  	[smem:$0x3FB0] =	sst s4  }
0xd: {  	[smem:$0x3FB1] =	sst s5  }
0xe: {  	[smem:$0x3FB2] =	sst s6  }
0xf: {  	[smem:$0x3FB3] =	sst s7  }
0x10: {  	[smem:$0x3FB4] =	sst s8  }
0x11: {  	[smem:$0x3FB5] =	sst s9;
	s0 =	simm.s32 @!p0 $0x0  }
0x12: {  	s1 =	sld [smem:$0x3F9B];
	s0 =	simm.s32 @p0 $0x1  }
0x13: {  	[smem:$0x3FB6] =	sst s0;
	s0 =	simm.s32 @!p1 $0x0  }
0x14: {  	s2 =	sld [smem:$0x3F9A];
	s0 =	simm.s32 @p1 $0x1  }
0x15: {  	[smem:$0x3FB7] =	sst s0;
	s0 =	simm.s32 @!p2 $0x0  }
0x16: {  	s3 =	sld [smem:$0x3FDB];
	s0 =	simm.s32 @p2 $0x1  }
0x17: {  	s4 =	simm.s32 $0x1BF5;
	[smem:$0x3FB9] =	sst s0  }
0x18: {  	s0 =	sld [smem:$0x3F9C];
	_ =	swait.ge [sflag:s4], $0x0  }
0x19: {  	s7 =	sld [smem:$0x3F9D]  }
0x1a: {  	s8 =	sadd.s32 $0xFFFFE003, lr  }
0x1b: {  	s9 =	sadd.s32 $0xFFFFFEF7, lr;
	s5 =	simm.s32 $0xFFFFFFFF;
	p2 =	slt.u32 s8, $0xFFFFF086  }
0x1c: {  	p1 =	slt.u32 s9, $0xF7A;
	s5 =	simm.s32 @!p2 $0x0  }
0x1d: {  	s5 =	simm.s32 @p1 $0x1;
	p0 =	seq.s32 s7, s2  }
0x1e: {  	s7 =	smul.u32 @!p0 $0xF7A, s2;
	p2 =	seq.s32 @!p0 s5, $0x0  }
0x1f: {  	s9 =	smul.u32 $0xF7A, s1;
	s8 =	simm.s32 @!p0 $0x1BF5;
	p2 =	por !p2, p0  }
0x20: {  	[sflag:s8] =	ssyncset.s32 @!p0 $0xFFFFF086;
	s6 =	sadd.s32 @!p0 s3, s7;
	s7 =	simm.s32 @!p0 $0x108  }
0x21: {  	s3 =	sadd.s32 s3, s9;
	s6 =	sadd.s32 @!p0 $0x88, s6;
	s7 =	simm.s32 @p2 $0x1082  }
0x22: {  	[simem:s7], [sflag:s8] =	dma.local @!p0 [hbm:s6], $0xF7A  }
0x23: {  	s9 =	sor.u32 $0xD0000000, s2;
	s6 =	simm.s32 $0x108;
	_ =	swait.ge @!p0 [sflag:s8], $0x0  }
0x24: {  	s3 =	sadd.s32 $0x88, s3;
	s6 =	simm.s32 @!p1 $0x1082;
	[sflag:s4] =	ssyncset.s32 $0xFFFFF086  }
0x25: {  	[simem:s6], [sflag:s4] =	dma.local [hbm:s3], $0xF7A  }
0x26: {  	[smem:$0x3F9D] =	sst s1;
	(tag) =	ssettag s2;
	_ =	strace s9  }
0x27: {  	s1 =	sld [smem:$0x3FAD]  }
0x28: {  	s2 =	sld [smem:$0x3FAE]  }
0x29: {  	s4 =	sld [smem:$0x3FB0]  }
0x2a: {  	p0 =	seq.s32 s5, $0x0;
	s5 =	sld [smem:$0x3FB1]  }
0x2b: {  	s6 =	sld [smem:$0x3FB2]  }
0x2c: {  	s7 =	sld [smem:$0x3FB3]  }
0x2d: {  	s3 =	simm.s32 $0x108;
	s8 =	sld [smem:$0x3FB4]  }
0x2e: {  	s3 =	simm.s32 @!p0 $0x1082;
	s9 =	sld [smem:$0x3FB5]  }
0x2f: {  	lr =	sadd.s32 s0, s3;
	s0 =	sld [smem:$0x3FAC]  }
0x30: {  	s3 =	sld [smem:$0x3FAF]  }
0x31: {  	[smem:$0x3FB8] =	sst s10  }
0x32: {  	s10 =	sld [smem:$0x3FB6];
	_ =	sdelay $0x3  }
0x33: {  	p0 =	seq.s32 s10, $0x1;
	s10 =	sld [smem:$0x3FB8];
	_ =	sdelay $0x3  }
0x34: {  	[smem:$0x3FB8] =	sst s10  }
0x35: {  	s10 =	sld [smem:$0x3FB7];
	_ =	sdelay $0x3  }
0x36: {  	p1 =	seq.s32 s10, $0x1;
	s10 =	sld [smem:$0x3FB8];
	_ =	sdelay $0x3  }
0x37: {  	[smem:$0x3FB8] =	sst s10  }
0x38: {  	s10 =	sld [smem:$0x3FB9]  }
0x39: {  	_ = 	snop;
	(pc) =	sbr.ind lr, $3  }
0x3a: {  	_ = 	snop  }
0x3b: {  	_ = 	snop  }
0x3c: {  	p2 =	seq.s32 s10, $0x1;
	s10 =	sld [smem:$0x3FB8]  }
0x3d: {  	_ =	shalt  }
0x3e: {  	_ =	shalt  }
0x3f: {  	_ =	shalt  }
0x40: {  	_ =	shalt  }
0x41: {  	_ =	shalt  }
0x42: {  	_ =	shalt  }
0x43: {  	_ =	shalt  }
0x44: {  	_ =	shalt  }
0x45: {  	_ =	shalt  }
0x46: {  	_ =	shalt  }
0x47: {  	_ =	shalt  }
0x48: {  	_ =	shalt  }
0x49: {  	_ =	shalt  }
0x4a: {  	_ =	shalt  }
0x4b: {  	_ =	shalt  }
0x4c: {  	_ =	shalt  }
0x4d: {  	_ =	shalt  }
0x4e: {  	_ =	shalt  }
0x4f: {  	_ =	shalt  }
0x50: {  	_ =	shalt  }
0x51: {  	_ =	shalt  }
0x52: {  	_ =	shalt  }
0x53: {  	_ =	shalt  }
0x54: {  	_ =	shalt  }
0x55: {  	_ =	shalt  }
0x56: {  	_ =	shalt  }
0x57: {  	_ =	shalt  }
0x58: {  	_ =	shalt  }
0x59: {  	_ =	shalt  }
0x5a: {  	_ =	shalt  }
0x5b: {  	_ =	shalt  }
0x5c: {  	_ =	shalt  }
0x5d: {  	_ =	shalt  }
0x5e: {  	_ =	shalt  }
0x5f: {  	_ =	shalt  }
0x60: {  	_ =	shalt  }
0x61: {  	_ =	shalt  }
0x62: {  	_ =	shalt  }
0x63: {  	_ =	shalt  }
0x64: {  	_ =	shalt  }
0x65: {  	_ =	shalt  }
0x66: {  	_ =	shalt  }
0x67: {  	_ =	shalt  }
0x68: {  	_ =	shalt  }
0x69: {  	_ =	shalt  }
0x6a: {  	_ =	shalt  }
0x6b: {  	_ =	shalt  }
0x6c: {  	_ =	shalt  }
0x6d: {  	_ =	shalt  }
0x6e: {  	_ =	shalt  }
0x6f: {  	_ =	shalt  }
0x70: {  	_ =	shalt  }
0x71: {  	_ =	shalt  }
0x72: {  	_ =	shalt  }
0x73: {  	_ =	shalt  }
0x74: {  	_ =	shalt  }
0x75: {  	_ =	shalt  }
0x76: {  	_ =	shalt  }
0x77: {  	_ =	shalt  }
0x78: {  	_ =	shalt  }
0x79: {  	_ =	shalt  }
0x7a: {  	_ =	shalt  }
0x7b: {  	_ =	shalt  }
0x7c: {  	_ =	shalt  }
0x7d: {  	_ =	shalt  }
0x7e: {  	_ =	shalt  }
0x7f: {  	_ =	shalt  }
0x80: {  	_ =	shalt  }
0x81: {  	_ =	shalt  }
0x82: {  	_ =	shalt  }
0x83: {  	_ =	shalt  }
0x84: {  	_ =	shalt  }
0x85: {  	_ =	shalt  }
0x86: {  	_ =	shalt  }
0x87: {  	_ =	shalt  }
.Lfunc_end0:
.L_simem_size_0:
called_computation_lowered:
.L_overlay_start_0:
0x88: {  	s2 =	sld [smem:$0x3FD9]  }
0x89: {  	s3 =	sld [smem:$0x3FFE];
	_ =	sdelay $0x1  }
0x8a: {  	s1 =	srdreg.scid  }
0x8b: {  	s0 =	sand.u32 $0x1, s1  }
0x8c: {  	s17 =	sshll.u32 s0, $0xA;
	s2 =	sadd.s32 s3, s2  }
0x8d: {  	s2 =	sadd.s32 s2, s17  }
0x8e: {  	[smem:$0x3FC4] =	sst s2  }
0x8f: {  	_ = 	snop  }
0x90: {  	s2 =	sld [smem:$0x3FD0];
	(tm) =	ssettm $0x1  }
0x91: {  	s18 =	sld [smem:$0x3FFB];
	_ =	sdelay $0x3  }
0x92: {  	_ =	strace s18  }
0x93: {  	s3 =	sld [smem:$0x3FFC];
	_ =	sdelay $0x3  }
0x94: {  	_ =	strace s3  }
0x95: {  	s3 =	sld [smem:$0x3FFD];
	_ =	sdelay $0x3  }
0x96: {  	_ =	strace s3  }
0x97: {  	_ =	strace $0x8FFFFFFF  }
0x98: {  	s19 =	sld [smem:$0x3FDB];
	_ =	sdelay $0x1  }
0x99: {  	s4 =	simm.s32 $_scs_section_size  }
0x9a: {  	s5 =	simm.s32 $_size__tile_overlayer_lowered;
	s6 =	simm.s32 $_tile_overlayer_lowered  }
0x9b: {  	s22 =	simm.s32 $0x1BFF;
	s21 =	sshll.u32 s6, $0x1;
	s3 =	sadd.s32 s4, s19  }
0x9c: {  	s7 =	simm.s32 $0x0;
	s20 =	sshll.u32 s5, $0x1;
	s5 =	sadd.s32 s21, s3  }
0x9d: {  	[timem:s7], [sflag:s22] =	dma.local [hbm:s5], s20  }
0x9e: {  	_ =	swait.ge [sflag:s22], s20  }
0x9f: {  	s4 =	ssub.s32 $0x0, s20;
	[sflag:s22] =	ssyncset.done $0x0  }
0xa0: {  	[sflag:s22] =	ssyncadd.s32 s4;
	_ =	sdelay $0x1  }
0xa1: {  	s23 =	simm.s32 $0x1B8B  }
0xa2: {  	_ =	swait.ge [sflag:s23], $0x1  }
0xa3: {  	[sflag:s23] =	ssyncset.done $0x0  }
0xa4: {  	s25 =	simm.s32 $0x1B8E;
	s24 =	sld [smem:$0x3FFE];
	[sflag:s23] =	ssyncadd.s32 $0xFFFFFFFF  }
0xa5: {  	s26 =	simm.s32 $execute0_lowered;
	[smem:$0x3FD2] =	sst s25  }
0xa6: {  	s5 =	sshll.u32 s26, $0x1;
	_ =	strace $0x80000046;
	[dreg:$0x1] =	wrdreg $0xFFFFFFFF  }
0xa7: {  	s28 =	simm.s32 $_size_execute0_lowered;
	s3 =	sadd.s32 s3, s5;
	[dreg:$0x0] =	wrdreg $0x0  }
0xa8: {  	s5 =	sshll.u32 s28, $0x1;
	[dreg:$0x2] =	wrdreg s3  }
0xa9: {  	[dreg:$0x3] =	wrdreg s5  }
0xaa: {  	[dreg:$0x4] =	wrdreg $0xC0  }
0xab: {  	_ =	task [dreg:s7], $0x5FFFF  }
0xac: {  	[dreg:$0x1] =	wrdreg $0xFFFFFFFF  }
0xad: {  	[dreg:$0x0] =	wrdreg $0x60  }
0xae: {  	[dreg:$0x2] =	wrdreg s24  }
0xaf: {  	[dreg:$0x3] =	wrdreg s2  }
0xb0: {  	[dreg:$0x4] =	wrdreg $0x9  }
0xb1: {  	_ =	task.clear_ibuf [dreg:s7], $0x5FFFF;
	_ =	strace $0x90000046  }
0xb2: {  	s29 =	simm.s32 $0x9;
	_ =	strace $0x80000048  }
0xb3: {  	_ =	swait.ge [sflag:s29], $0x1  }
0xb4: {  	[sflag:s29] =	ssyncadd.s32 $0xFFFFFFFF  }
0xb5: {  	_ =	strace $0x90000048  }
0xb6: {  	_ =	sfence  }
0xb7: {  	s30 =	sld [smem:$0x0];
	_ =	sdelay $0x2  }
0xb8: {  	s31 =	sshll.u32 s1, $0xD;
	s1 =	sshrl.u32 s1, $0x2  }
0xb9: {  	s3 =	sand.u32 $0x4000, s31;
	s1 =	sadd.s32 s1, s30  }
0xba: {  	s0 =	sor.u32 s3, s0;
	s1 =	sshll.u32 s1, $0x11  }
0xbb: {  	s0 =	sor.u32 s1, s0  }
0xbc: {  	s0 =	sadd.s32 $0x8F2B, s0  }
0xbd: {  	[sflag:s0] =	ssyncadd.remote.s32 $0x1  }
0xbe: {  	_ =	sfence.sel $0xFFFF  }
0xbf: {  	[dreg:$0x0] =	wrdreg $0xFFFFFFFF;
	(pc) =	sbr.abs _section_cstart, $3  }
0xc0: {  	[dreg:$0x1] =	wrdreg $0xFFFFFFFF  }
0xc1: {  	_ =	task.clear_ibuf [dreg:s7], $0x2FFFF;
	_ =	strace $0x9FFFFFFF  }
0xc2: {  	(tm) =	ssettm $0x7FFFFFFF  }
0xc3: {  	_ =	shalt  }
tec
execute0_lowered:
.L_overlay_start_1:
0x0: {  	(tag) =	ssettag $0x1  }
0x1: {  	s0 =	rddreg [dreg:$0x0]  }
0x2: {  	s2 =	rddreg [dreg:$0x1];
	s1 =	simm.s32 $0x0;
	s4 =	srdreg.scid  }
0x3: {  	s8 =	stileid.u32;
	s28 =	simm.s32 $0x8800;
	s29 =	simm.s32 $0x9000  }
0x4: {  	s30 =	simm.s32 $0x9800;
	s31 =	simm.s32 $0xA000;
	s12 =	simm.s32 $0xB800  }
0x5: {  	s13 =	simm.s32 $0xC000;
	s14 =	simm.s32 $0xC800;
	s15 =	simm.s32 $0xD000  }
0x6: {  	s16 =	simm.s32 $0xD800;
	s17 =	simm.s32 $0xE000;
	s18 =	simm.s32 $0xE800  }
0x7: {  	s19 =	simm.s32 $0xF000;
	s20 =	simm.s32 $0xF800;
	s21 =	simm.s32 $0x10000  }
0x8: {  	s22 =	simm.s32 $0x1;
	s23 =	simm.s32 $0x3;
	[smem:$0x7FF] =	sst s1  }
0x9: {  	s3 =	sadd.s32 $0x9800, s0;
	s4 =	sand.u32 $0x1, s4;
	s6 =	sshll.u32 s8, $0x9  }
0xa: {  	s8 =	sshll.u32 s8, $0xD;
	_ =	strace $0x80000047;
	s5 =	ssub.s32 $0x2, s4  }
0xb: {  	s7 =	sshll.u32 s4, $0x8;
	s8 =	sadd.s32 s8, s0;
	s24 =	sshll.u32 s4, $0xC  }
0xc: {  	s9 =	sshrl.u32 s5, $0x1;
	s6 =	sor.u32 s7, s6;
	s7 =	sadd.s32 $0x9B00, s0  }
.Ltmp0:
0xd: {  	s26 =	sadd.s32 s24, s8;
	s24 =	simm.s32 $0x2;
	(pc) =	sbr.rel .LBB2_1-.Ltmp0, $4  }
0xe: {  	s8 =	simm.s32 $0x0;
	s9 =	ssub.s32 s5, s9;
	s2 =	sadd.s32 s2, s6  }
0xf: {  	v2 =	vlaneseq.u32;
	s5 =	sadd.s32 $0x9900, s0;
	s6 =	sadd.s32 $0x9A00, s0;
	s0 =	simm.s32 $0xA800  }
0x10: {  	vm0 =	vmmov $0xffff;
	v1 =	vshrl.u32 v2, $0x3;
	[dreg:$0x3] =	wrdreg s2;
	s25 =	smax.u32 s9, $0x1;
	s9 =	sadd.s32 $0x28C00, s26  }
0x11: {  	v0 =	vand.u32 $0x7, v2;
	v2 =	vor.u32 $0x8, v2;
	v1 =	vmul.u32 $0x8, v1;
	s2 =	simm.s32 $0xB000;
	[dreg:$0x4] =	wrdreg s25;
	s25 =	simm.s32 $0x4  }
.LBB2_4:
0x12: {  	s8 =	rddreg [dreg:$0x5]  }
0x13: {  	s4 =	rddreg [dreg:$0x4];
	s8 =	sadd.s32 $0x1, s8  }
0x14: {  	p0 =	sne.s32 s8, s4  }
.Ltmp1:
0x15: {  	_ = 	snop;
	(pc) =	sbr.rel @!p0 .LBB2_5-.Ltmp1, $1  }
0x16: {  	_ =	sdelay $0x3  }
.LBB2_1:
0x17: {  	[dreg:$0x5] =	wrdreg s8  }
0x18: {  	s4 =	rddreg [dreg:$0x3];
	s26 =	simm.s32 $0x5  }
0x19: {  	[tilespmem:s1], [sflag:$0x5] =	stream.linear.gather [hbm4b:s4+s1], $0x500, $0x38;
	[tilespmem:$0x10800] =	vst v63  }
0x1a: {  	_ =	swait.ge [sflag:s26], $0x500  }
0x1b: {  	[sflag:s26] =	ssyncset.done $0x0  }
0x1c: {  	[sflag:s26] =	ssyncadd.s32 $0xFFFFFB00  }
0x1d: {  	v3 =	vld [tilespmem:$0x0];
	_ =	sdelay $0x4  }
0x1e: {  	v4 =	vshll.u32 v3, $0x3  }
0x1f: {  	v3 =	vand.u32 $0x7, v3;
	v4 =	vand.u32 $0xFFFFFFC0, v4  }
0x20: {  	v3 =	vor.u32 v3, v4  }
0x21: {  	v4 =	vperm.xlane v3, v0;
	_ =	sdelay $0x1  }
0x22: {  	v4 =	vadd.s32 v1, v4;
	_ =	sdelay $0x3  }
0x23: {  	s8 =	simm.s32 $0x800  }
0x24: {  	[tilespmem:s8], [sflag:$0x1] =	stream.indirect_vreg.gather [hbm4b:s3+s1], $0x80, v4, vm0, $0xb8;
	[tilespmem:$0x10800] =	vst v63  }
0x25: {  	s10 =	simm.s32 $0x1000;
	v3 =	vperm.xlane v3, v2  }
0x26: {  	[tilespmem:s10], [sflag:$0x1] =	stream.indirect_vreg.gather [hbm4b:s5+s1], $0x80, v4, vm0, $0xb8;
	[tilespmem:$0x10800] =	vst v63  }
0x27: {  	s11 =	simm.s32 $0x1800;
	v3 =	vadd.s32 v1, v3  }
0x28: {  	[tilespmem:s11], [sflag:$0x1] =	stream.indirect_vreg.gather [hbm4b:s6+s1], $0x80, v4, vm0, $0xb8;
	[tilespmem:$0x10800] =	vst v63  }
0x29: {  	s26 =	simm.s32 $0x2000  }
0x2a: {  	[tilespmem:s26], [sflag:$0x1] =	stream.indirect_vreg.gather [hbm4b:s7+s1], $0x80, v4, vm0, $0xb8;
	[tilespmem:$0x10800] =	vst v63  }
0x2b: {  	s8 =	simm.s32 $0x2800  }
0x2c: {  	[tilespmem:s8], [sflag:$0x1] =	stream.indirect_vreg.gather [hbm4b:s3+s1], $0x80, v3, vm0, $0xb8;
	[tilespmem:$0x10800] =	vst v63  }
0x2d: {  	s10 =	simm.s32 $0x3000  }
0x2e: {  	[tilespmem:s10], [sflag:$0x1] =	stream.indirect_vreg.gather [hbm4b:s5+s1], $0x80, v3, vm0, $0xb8;
	[tilespmem:$0x10800] =	vst v63  }
0x2f: {  	s11 =	simm.s32 $0x3800  }
0x30: {  	[tilespmem:s11], [sflag:$0x1] =	stream.indirect_vreg.gather [hbm4b:s6+s1], $0x80, v3, vm0, $0xb8;
	[tilespmem:$0x10800] =	vst v63  }
0x31: {  	s26 =	simm.s32 $0x4000  }
0x32: {  	[tilespmem:s26], [sflag:$0x1] =	stream.indirect_vreg.gather [hbm4b:s7+s1], $0x80, v3, vm0, $0xb8;
	[tilespmem:$0x10800] =	vst v63  }
0x33: {  	v3 =	vld [tilespmem:$0x10];
	_ =	sdelay $0x4  }
0x34: {  	v61 =	vshll.u32 v3, $0x3  }
0x35: {  	v3 =	vand.u32 $0x7, v3;
	v4 =	vand.u32 $0xFFFFFFC0, v61  }
0x36: {  	v3 =	vor.u32 v3, v4  }
0x37: {  	v4 =	vperm.xlane v3, v0;
	_ =	sdelay $0x1  }
0x38: {  	v4 =	vadd.s32 v1, v4;
	_ =	sdelay $0x3  }
0x39: {  	s8 =	simm.s32 $0x4800  }
0x3a: {  	[tilespmem:s8], [sflag:$0x1] =	stream.indirect_vreg.gather [hbm4b:s3+s1], $0x80, v4, vm0, $0xb8;
	[tilespmem:$0x10800] =	vst v63  }
0x3b: {  	s10 =	simm.s32 $0x5000;
	v3 =	vperm.xlane v3, v2  }
0x3c: {  	[tilespmem:s10], [sflag:$0x1] =	stream.indirect_vreg.gather [hbm4b:s5+s1], $0x80, v4, vm0, $0xb8;
	[tilespmem:$0x10800] =	vst v63  }
0x3d: {  	s11 =	simm.s32 $0x5800;
	v3 =	vadd.s32 v1, v3  }
0x3e: {  	[tilespmem:s11], [sflag:$0x1] =	stream.indirect_vreg.gather [hbm4b:s6+s1], $0x80, v4, vm0, $0xb8;
	[tilespmem:$0x10800] =	vst v63  }
0x3f: {  	s26 =	simm.s32 $0x6000  }
0x40: {  	[tilespmem:s26], [sflag:$0x1] =	stream.indirect_vreg.gather [hbm4b:s7+s1], $0x80, v4, vm0, $0xb8;
	[tilespmem:$0x10800] =	vst v63  }
0x41: {  	s8 =	simm.s32 $0x6800  }
0x42: {  	[tilespmem:s8], [sflag:$0x1] =	stream.indirect_vreg.gather [hbm4b:s3+s1], $0x80, v3, vm0, $0xb8;
	[tilespmem:$0x10800] =	vst v63  }
0x43: {  	s10 =	simm.s32 $0x7000  }
0x44: {  	[tilespmem:s10], [sflag:$0x1] =	stream.indirect_vreg.gather [hbm4b:s5+s1], $0x80, v3, vm0, $0xb8;
	[tilespmem:$0x10800] =	vst v63  }
0x45: {  	s11 =	simm.s32 $0x7800  }
0x46: {  	[tilespmem:s11], [sflag:$0x1] =	stream.indirect_vreg.gather [hbm4b:s6+s1], $0x80, v3, vm0, $0xb8;
	[tilespmem:$0x10800] =	vst v63  }
0x47: {  	s26 =	simm.s32 $0x8000  }
0x48: {  	[tilespmem:s26], [sflag:$0x1] =	stream.indirect_vreg.gather [hbm4b:s7+s1], $0x80, v3, vm0, $0xb8;
	[tilespmem:$0x10800] =	vst v63  }
0x49: {  	v3 =	vld [tilespmem:$0x80];
	_ =	sdelay $0x4  }
0x4a: {  	v62 =	vshll.u32 v3, $0x3  }
0x4b: {  	v3 =	vand.u32 $0x7, v3;
	v4 =	vand.u32 $0xFFFFFFC0, v62  }
0x4c: {  	v3 =	vor.u32 v3, v4  }
0x4d: {  	v4 =	vperm.xlane v3, v0;
	_ =	sdelay $0x1  }
0x4e: {  	v4 =	vadd.s32 v1, v4;
	_ =	sdelay $0x4  }
0x4f: {  	[tilespmem:s28], [sflag:$0x2] =	stream.indirect_vreg.gather [hbm4b:s3+s1], $0x80, v4, vm0, $0xb8;
	[tilespmem:$0x10800] =	vst v63  }
0x50: {  	v3 =	vperm.xlane v3, v2  }
0x51: {  	[tilespmem:s29], [sflag:$0x2] =	stream.indirect_vreg.gather [hbm4b:s5+s1], $0x80, v4, vm0, $0xb8;
	[tilespmem:$0x10800] =	vst v63  }
0x52: {  	v3 =	vadd.s32 v1, v3  }
0x53: {  	[tilespmem:s30], [sflag:$0x2] =	stream.indirect_vreg.gather [hbm4b:s6+s1], $0x80, v4, vm0, $0xb8;
	[tilespmem:$0x10800] =	vst v63  }
0x54: {  	_ = 	snop  }
0x55: {  	[tilespmem:s31], [sflag:$0x2] =	stream.indirect_vreg.gather [hbm4b:s7+s1], $0x80, v4, vm0, $0xb8;
	[tilespmem:$0x10800] =	vst v63  }
0x56: {  	_ = 	snop  }
0x57: {  	[tilespmem:s0], [sflag:$0x2] =	stream.indirect_vreg.gather [hbm4b:s3+s1], $0x80, v3, vm0, $0xb8;
	[tilespmem:$0x10800] =	vst v63  }
0x58: {  	_ = 	snop  }
0x59: {  	[tilespmem:s2], [sflag:$0x2] =	stream.indirect_vreg.gather [hbm4b:s5+s1], $0x80, v3, vm0, $0xb8;
	[tilespmem:$0x10800] =	vst v63  }
0x5a: {  	_ = 	snop  }
0x5b: {  	[tilespmem:s12], [sflag:$0x2] =	stream.indirect_vreg.gather [hbm4b:s6+s1], $0x80, v3, vm0, $0xb8;
	[tilespmem:$0x10800] =	vst v63  }
0x5c: {  	_ = 	snop  }
0x5d: {  	[tilespmem:s13], [sflag:$0x2] =	stream.indirect_vreg.gather [hbm4b:s7+s1], $0x80, v3, vm0, $0xb8;
	[tilespmem:$0x10800] =	vst v63  }
0x5e: {  	v3 =	vld [tilespmem:$0x90];
	_ =	sdelay $0x4  }
0x5f: {  	v63 =	vshll.u32 v3, $0x3  }
0x60: {  	v3 =	vand.u32 $0x7, v3;
	v4 =	vand.u32 $0xFFFFFFC0, v63  }
0x61: {  	v3 =	vor.u32 v3, v4  }
0x62: {  	v4 =	vperm.xlane v3, v0;
	_ =	sdelay $0x1  }
0x63: {  	v4 =	vadd.s32 v1, v4;
	_ =	sdelay $0x4  }
0x64: {  	[tilespmem:s14], [sflag:$0x2] =	stream.indirect_vreg.gather [hbm4b:s3+s1], $0x80, v4, vm0, $0xb8;
	[tilespmem:$0x10800] =	vst v63  }
0x65: {  	v3 =	vperm.xlane v3, v2  }
0x66: {  	[tilespmem:s15], [sflag:$0x2] =	stream.indirect_vreg.gather [hbm4b:s5+s1], $0x80, v4, vm0, $0xb8;
	[tilespmem:$0x10800] =	vst v63  }
0x67: {  	v3 =	vadd.s32 v1, v3  }
0x68: {  	[tilespmem:s16], [sflag:$0x2] =	stream.indirect_vreg.gather [hbm4b:s6+s1], $0x80, v4, vm0, $0xb8;
	[tilespmem:$0x10800] =	vst v63  }
0x69: {  	_ = 	snop  }
0x6a: {  	[tilespmem:s17], [sflag:$0x2] =	stream.indirect_vreg.gather [hbm4b:s7+s1], $0x80, v4, vm0, $0xb8;
	[tilespmem:$0x10800] =	vst v63  }
0x6b: {  	_ = 	snop  }
0x6c: {  	[tilespmem:s18], [sflag:$0x2] =	stream.indirect_vreg.gather [hbm4b:s3+s1], $0x80, v3, vm0, $0xb8;
	[tilespmem:$0x10800] =	vst v63  }
0x6d: {  	_ = 	snop  }
0x6e: {  	[tilespmem:s19], [sflag:$0x2] =	stream.indirect_vreg.gather [hbm4b:s5+s1], $0x80, v3, vm0, $0xb8;
	[tilespmem:$0x10800] =	vst v63  }
0x6f: {  	_ = 	snop  }
0x70: {  	[tilespmem:s20], [sflag:$0x2] =	stream.indirect_vreg.gather [hbm4b:s6+s1], $0x80, v3, vm0, $0xb8;
	[tilespmem:$0x10800] =	vst v63  }
0x71: {  	s4 =	simm.s32 $0x190;
	s8 =	simm.s32 $0x0  }
0x72: {  	[tilespmem:s21], [sflag:$0x2] =	stream.indirect_vreg.gather [hbm4b:s7+s1], $0x80, v3, vm0, $0xb8;
	[tilespmem:$0x10800] =	vst v63  }
.LBB2_2:
0x73: {  	_ =	swait.ge [sflag:s22], $0x8000  }
0x74: {  	[sflag:s22] =	ssyncset.done $0x0  }
0x75: {  	s10 =	sadd.s32 s8, s9;
	s11 =	simm.s32 $0x800;
	[sflag:s22] =	ssyncadd.s32 $0xFFFF8000  }
0x76: {  	[hbm4b:s10+s1] =	stream.linear.scatter [tilespmem:s11], [sflag:$0x3], $0x8000, $0x38;
	[tilespmem:$0x10800] =	vst v63  }
0x77: {  	_ =	swait.ge [sflag:s23], $0x8000  }
0x78: {  	[sflag:s23] =	ssyncset.done $0x0  }
0x79: {  	p0 =	seq.s32 s8, $0x100000;
	[sflag:s23] =	ssyncadd.s32 $0xFFFF8000  }
0x7a: {  	v3 =	vld @!p0 [tilespmem:s4+$0xFFFFFF70];
	_ =	sdelay $0x4  }
0x7b: {  	v4 =	vshll.u32 @!p0 v3, $0x3  }
0x7c: {  	v5 =	vlaneseq.u32 @!p0;
	v3 =	vand.u32 @!p0 $0x7, v3;
	v4 =	vand.u32 @!p0 $0xFFFFFFC0, v4  }
0x7d: {  	v6 =	vshrl.u32 @!p0 v5, $0x3;
	v3 =	vor.u32 @!p0 v3, v4;
	v4 =	vand.u32 @!p0 $0x7, v5  }
0x7e: {  	v6 =	vmul.u32 @!p0 $0x8, v6;
	v7 =	vperm.xlane @!p0 v3, v4;
	_ =	sdelay $0x1  }
0x7f: {  	v7 =	vadd.s32 @!p0 v6, v7;
	_ =	sdelay $0x3  }
0x80: {  	vm1 =	vmmov @!p0 $0xffff;
	s26 =	simm.s32 @!p0 $0x0;
	s11 =	simm.s32 @!p0 $0x800  }
0x81: {  	v5 =	vor.u32 @!p0 $0x8, v5;
	[tilespmem:s11], [sflag:$0x1] =	stream.indirect_vreg.gather @!p0 [hbm4b:s3+s26], $0x80, v7, vm1, $0xb8;
	[tilespmem:$0x10800] =	vst v63  }
0x82: {  	v3 =	vperm.xlane @!p0 v3, v5;
	s11 =	simm.s32 @!p0 $0x1000  }
0x83: {  	[tilespmem:s11], [sflag:$0x1] =	stream.indirect_vreg.gather @!p0 [hbm4b:s5+s26], $0x80, v7, vm1, $0xb8;
	[tilespmem:$0x10800] =	vst v63  }
0x84: {  	v3 =	vadd.s32 @!p0 v6, v3;
	s11 =	simm.s32 @!p0 $0x1800  }
0x85: {  	[tilespmem:s11], [sflag:$0x1] =	stream.indirect_vreg.gather @!p0 [hbm4b:s6+s26], $0x80, v7, vm1, $0xb8;
	[tilespmem:$0x10800] =	vst v63  }
0x86: {  	s11 =	simm.s32 @!p0 $0x2000  }
0x87: {  	[tilespmem:s11], [sflag:$0x1] =	stream.indirect_vreg.gather @!p0 [hbm4b:s7+s26], $0x80, v7, vm1, $0xb8;
	[tilespmem:$0x10800] =	vst v63  }
0x88: {  	s11 =	simm.s32 @!p0 $0x2800  }
0x89: {  	[tilespmem:s11], [sflag:$0x1] =	stream.indirect_vreg.gather @!p0 [hbm4b:s3+s26], $0x80, v3, vm1, $0xb8;
	[tilespmem:$0x10800] =	vst v63  }
0x8a: {  	s11 =	simm.s32 @!p0 $0x3000  }
0x8b: {  	[tilespmem:s11], [sflag:$0x1] =	stream.indirect_vreg.gather @!p0 [hbm4b:s5+s26], $0x80, v3, vm1, $0xb8;
	[tilespmem:$0x10800] =	vst v63  }
0x8c: {  	s11 =	simm.s32 @!p0 $0x3800  }
0x8d: {  	[tilespmem:s11], [sflag:$0x1] =	stream.indirect_vreg.gather @!p0 [hbm4b:s6+s26], $0x80, v3, vm1, $0xb8;
	[tilespmem:$0x10800] =	vst v63  }
0x8e: {  	s11 =	simm.s32 @!p0 $0x4000  }
0x8f: {  	[tilespmem:s11], [sflag:$0x1] =	stream.indirect_vreg.gather @!p0 [hbm4b:s7+s26], $0x80, v3, vm1, $0xb8;
	[tilespmem:$0x10800] =	vst v63  }
0x90: {  	v3 =	vld @!p0 [tilespmem:s4+$0xFFFFFF80];
	_ =	sdelay $0x4  }
0x91: {  	v7 =	vshll.u32 @!p0 v3, $0x3  }
0x92: {  	v3 =	vand.u32 @!p0 $0x7, v3;
	v7 =	vand.u32 @!p0 $0xFFFFFFC0, v7  }
0x93: {  	v3 =	vor.u32 @!p0 v3, v7  }
0x94: {  	v4 =	vperm.xlane @!p0 v3, v4;
	_ =	sdelay $0x1  }
0x95: {  	v4 =	vadd.s32 @!p0 v6, v4;
	_ =	sdelay $0x3  }
0x96: {  	s11 =	simm.s32 @!p0 $0x4800  }
0x97: {  	[tilespmem:s11], [sflag:$0x1] =	stream.indirect_vreg.gather @!p0 [hbm4b:s3+s26], $0x80, v4, vm1, $0xb8;
	[tilespmem:$0x10800] =	vst v63  }
0x98: {  	v3 =	vperm.xlane @!p0 v3, v5;
	s11 =	simm.s32 @!p0 $0x5000  }
0x99: {  	[tilespmem:s11], [sflag:$0x1] =	stream.indirect_vreg.gather @!p0 [hbm4b:s5+s26], $0x80, v4, vm1, $0xb8;
	[tilespmem:$0x10800] =	vst v63  }
0x9a: {  	v3 =	vadd.s32 @!p0 v6, v3;
	s11 =	simm.s32 @!p0 $0x5800  }
0x9b: {  	[tilespmem:s11], [sflag:$0x1] =	stream.indirect_vreg.gather @!p0 [hbm4b:s6+s26], $0x80, v4, vm1, $0xb8;
	[tilespmem:$0x10800] =	vst v63  }
0x9c: {  	s11 =	simm.s32 @!p0 $0x6000  }
0x9d: {  	[tilespmem:s11], [sflag:$0x1] =	stream.indirect_vreg.gather @!p0 [hbm4b:s7+s26], $0x80, v4, vm1, $0xb8;
	[tilespmem:$0x10800] =	vst v63  }
0x9e: {  	s11 =	simm.s32 @!p0 $0x6800  }
0x9f: {  	[tilespmem:s11], [sflag:$0x1] =	stream.indirect_vreg.gather @!p0 [hbm4b:s3+s26], $0x80, v3, vm1, $0xb8;
	[tilespmem:$0x10800] =	vst v63  }
0xa0: {  	s11 =	simm.s32 @!p0 $0x7000  }
0xa1: {  	[tilespmem:s11], [sflag:$0x1] =	stream.indirect_vreg.gather @!p0 [hbm4b:s5+s26], $0x80, v3, vm1, $0xb8;
	[tilespmem:$0x10800] =	vst v63  }
0xa2: {  	s11 =	simm.s32 @!p0 $0x7800  }
0xa3: {  	[tilespmem:s11], [sflag:$0x1] =	stream.indirect_vreg.gather @!p0 [hbm4b:s6+s26], $0x80, v3, vm1, $0xb8;
	[tilespmem:$0x10800] =	vst v63  }
0xa4: {  	s11 =	simm.s32 @!p0 $0x8000  }
0xa5: {  	[tilespmem:s11], [sflag:$0x1] =	stream.indirect_vreg.gather @!p0 [hbm4b:s7+s26], $0x80, v3, vm1, $0xb8;
	[tilespmem:$0x10800] =	vst v63  }
0xa6: {  	_ =	swait.ge [sflag:s24], $0x8000  }
0xa7: {  	[sflag:s24] =	ssyncset.done $0x0  }
.Ltmp2:
0xa8: {  	s10 =	sadd.s32 $0x20000, s10;
	[sflag:s24] =	ssyncadd.s32 $0xFFFF8000;
	(pc) =	sbr.rel @p0 .LBB2_4-.Ltmp2, $4  }
0xa9: {  	[hbm4b:s10+s1] =	stream.linear.scatter [tilespmem:s28], [sflag:$0x4], $0x8000, $0x38;
	[tilespmem:$0x10800] =	vst v63  }
0xaa: {  	_ =	swait.ge [sflag:s25], $0x8000  }
0xab: {  	[sflag:s25] =	ssyncset.done $0x0  }
0xac: {  	[sflag:s25] =	ssyncadd.s32 $0xFFFF8000  }
0xad: {  	v3 =	vld [tilespmem:s4+$0xFFFFFFF0];
	_ =	sdelay $0x4  }
0xae: {  	v4 =	vshll.u32 v3, $0x3  }
0xaf: {  	v3 =	vand.u32 $0x7, v3;
	v4 =	vand.u32 $0xFFFFFFC0, v4  }
0xb0: {  	v3 =	vor.u32 v3, v4  }
0xb1: {  	v4 =	vperm.xlane v3, v0;
	_ =	sdelay $0x1  }
0xb2: {  	v4 =	vadd.s32 v1, v4;
	_ =	sdelay $0x4  }
0xb3: {  	[tilespmem:s28], [sflag:$0x2] =	stream.indirect_vreg.gather [hbm4b:s3+s1], $0x80, v4, vm0, $0xb8;
	[tilespmem:$0x10800] =	vst v63  }
0xb4: {  	v3 =	vperm.xlane v3, v2  }
0xb5: {  	[tilespmem:s29], [sflag:$0x2] =	stream.indirect_vreg.gather [hbm4b:s5+s1], $0x80, v4, vm0, $0xb8;
	[tilespmem:$0x10800] =	vst v63  }
0xb6: {  	v3 =	vadd.s32 v1, v3  }
0xb7: {  	[tilespmem:s30], [sflag:$0x2] =	stream.indirect_vreg.gather [hbm4b:s6+s1], $0x80, v4, vm0, $0xb8;
	[tilespmem:$0x10800] =	vst v63  }
0xb8: {  	_ = 	snop  }
0xb9: {  	[tilespmem:s31], [sflag:$0x2] =	stream.indirect_vreg.gather [hbm4b:s7+s1], $0x80, v4, vm0, $0xb8;
	[tilespmem:$0x10800] =	vst v63  }
0xba: {  	_ = 	snop  }
0xbb: {  	[tilespmem:s0], [sflag:$0x2] =	stream.indirect_vreg.gather [hbm4b:s3+s1], $0x80, v3, vm0, $0xb8;
	[tilespmem:$0x10800] =	vst v63  }
0xbc: {  	_ = 	snop  }
0xbd: {  	[tilespmem:s2], [sflag:$0x2] =	stream.indirect_vreg.gather [hbm4b:s5+s1], $0x80, v3, vm0, $0xb8;
	[tilespmem:$0x10800] =	vst v63  }
0xbe: {  	_ = 	snop  }
0xbf: {  	[tilespmem:s12], [sflag:$0x2] =	stream.indirect_vreg.gather [hbm4b:s6+s1], $0x80, v3, vm0, $0xb8;
	[tilespmem:$0x10800] =	vst v63  }
0xc0: {  	_ = 	snop  }
0xc1: {  	[tilespmem:s13], [sflag:$0x2] =	stream.indirect_vreg.gather [hbm4b:s7+s1], $0x80, v3, vm0, $0xb8;
	[tilespmem:$0x10800] =	vst v63  }
0xc2: {  	v3 =	vld [tilespmem:s4+$0x0];
	_ =	sdelay $0x4  }
0xc3: {  	v63 =	vshll.u32 v3, $0x3  }
0xc4: {  	v3 =	vand.u32 $0x7, v3;
	v4 =	vand.u32 $0xFFFFFFC0, v63  }
0xc5: {  	v3 =	vor.u32 v3, v4  }
0xc6: {  	v4 =	vperm.xlane v3, v0;
	_ =	sdelay $0x1  }
0xc7: {  	v4 =	vadd.s32 v1, v4;
	_ =	sdelay $0x4  }
0xc8: {  	[tilespmem:s14], [sflag:$0x2] =	stream.indirect_vreg.gather [hbm4b:s3+s1], $0x80, v4, vm0, $0xb8;
	[tilespmem:$0x10800] =	vst v63  }
0xc9: {  	v3 =	vperm.xlane v3, v2  }
0xca: {  	[tilespmem:s15], [sflag:$0x2] =	stream.indirect_vreg.gather [hbm4b:s5+s1], $0x80, v4, vm0, $0xb8;
	[tilespmem:$0x10800] =	vst v63  }
0xcb: {  	v3 =	vadd.s32 v1, v3  }
0xcc: {  	[tilespmem:s16], [sflag:$0x2] =	stream.indirect_vreg.gather [hbm4b:s6+s1], $0x80, v4, vm0, $0xb8;
	[tilespmem:$0x10800] =	vst v63  }
0xcd: {  	_ = 	snop  }
0xce: {  	[tilespmem:s17], [sflag:$0x2] =	stream.indirect_vreg.gather [hbm4b:s7+s1], $0x80, v4, vm0, $0xb8;
	[tilespmem:$0x10800] =	vst v63  }
0xcf: {  	_ = 	snop  }
0xd0: {  	[tilespmem:s18], [sflag:$0x2] =	stream.indirect_vreg.gather [hbm4b:s3+s1], $0x80, v3, vm0, $0xb8;
	[tilespmem:$0x10800] =	vst v63  }
0xd1: {  	_ = 	snop  }
0xd2: {  	[tilespmem:s19], [sflag:$0x2] =	stream.indirect_vreg.gather [hbm4b:s5+s1], $0x80, v3, vm0, $0xb8;
	[tilespmem:$0x10800] =	vst v63  }
.Ltmp3:
0xd3: {  	_ = 	snop;
	(pc) =	sbr.rel .LBB2_2-.Ltmp3, $4  }
0xd4: {  	_ = 	snop  }
0xd5: {  	[tilespmem:s20], [sflag:$0x2] =	stream.indirect_vreg.gather [hbm4b:s6+s1], $0x80, v3, vm0, $0xb8;
	[tilespmem:$0x10800] =	vst v63  }
0xd6: {  	s8 =	sadd.s32 $0x40000, s8;
	s4 =	sadd.s32 $0x100, s4  }
0xd7: {  	[tilespmem:s21], [sflag:$0x2] =	stream.indirect_vreg.gather [hbm4b:s7+s1], $0x80, v3, vm0, $0xb8;
	[tilespmem:$0x10800] =	vst v63  }
.LBB2_5:
0xd8: {  	_ =	sfence.sel $0x180000  }
0xd9: {  	[bflag:$0x0] =	sbarrier.arrive $0xFFFF  }
0xda: {  	_ =	strace $0x90000047  }
0xdb: {  	s0 =	stileid.u32;
	[bflag:$0x2] =	sbarrier.arrive $0xFFFF  }
0xdc: {  	p0 =	sne.s32 s0, $0x0;
	s0 =	rddreg [dreg:$0x2]  }
0xdd: {  	s0 =	sadd.s32 @!p0 $0x100000, s0  }
0xde: {  	[sflag:s0] =	ssyncadd.tile.s32 @!p0 $0x1;
	_ =	shalt  }
.Lfunc_end2:
_tile_overlayer_lowered:
.L_overlay_start_2:
0xdf: {  	(tag) =	ssettag $0x2  }
0xe0: {  	s0 =	rddreg [dreg:$0x0];
	s2 =	stileid.u32  }
0xe1: {  	s1 =	rddreg [dreg:$0x1];
	p0 =	sne.s32 s2, $0x0  }
0xe2: {  	s3 =	rddreg [dreg:$0x2];
	[bflag:$0x3] =	sbarrier.arrive $0xFFFF;
	s2 =	simm.s32 @!p0 $0x1C05  }
0xe3: {  	[timem:s3], [sflag:s2] =	dma.local @!p0 [hbm:s0], s1  }
0xe4: {  	s0 =	simm.s32 @!p0 $0x5  }
0xe5: {  	_ =	swait.ge @!p0 [sflag:s0], s1  }
0xe6: {  	s1 =	ssub.s32 @!p0 $0x0, s1;
	[sflag:s0] =	ssyncset.done @!p0 $0x0  }
0xe7: {  	[sflag:s0] =	ssyncadd.s32 @!p0 s1  }
0xe8: {  	[bflag:$0x3] =	sbarrier.arrive $0xFFFF  }
0xe9: {  	_ =	shalt  }

// kernel: kernel.16.cloned.1.call-start
scs
__scs_entry_jumppad:
0x0: {  	(pc) =	sbr.rel $0x88, $3  }
0x1: {  	(tag) =	ssettag $0x0;
	lr =	simm.s32 $0x1  }
0x2: {  	[smem:$0x3F9D] =	sst lr;
	_ =	strace $0xD0000000  }
0x3: {  	_ = 	snop  }
0x4: {  	_ = 	snop  }
0x5: {  	_ = 	snop  }
0x6: {  	_ = 	snop  }
0x7: {  	_ = 	snop  }
__scs_overlays_trampoline_lowered:
0x8: {  	[smem:$0x3FAC] =	sst s0  }
0x9: {  	[smem:$0x3FAD] =	sst s1  }
0xa: {  	[smem:$0x3FAE] =	sst s2  }
0xb: {  	[smem:$0x3FAF] =	sst s3  }
0xc: {  	[smem:$0x3FB0] =	sst s4  }
0xd: {  	[smem:$0x3FB1] =	sst s5  }
0xe: {  	[smem:$0x3FB2] =	sst s6  }
0xf: {  	[smem:$0x3FB3] =	sst s7  }
0x10: {  	[smem:$0x3FB4] =	sst s8  }
0x11: {  	[smem:$0x3FB5] =	sst s9;
	s0 =	simm.s32 @!p0 $0x0  }
0x12: {  	s1 =	sld [smem:$0x3F9B];
	s0 =	simm.s32 @p0 $0x1  }
0x13: {  	[smem:$0x3FB6] =	sst s0;
	s0 =	simm.s32 @!p1 $0x0  }
0x14: {  	s2 =	sld [smem:$0x3F9A];
	s0 =	simm.s32 @p1 $0x1  }
0x15: {  	[smem:$0x3FB7] =	sst s0;
	s0 =	simm.s32 @!p2 $0x0  }
0x16: {  	s3 =	sld [smem:$0x3FDB];
	s0 =	simm.s32 @p2 $0x1  }
0x17: {  	s4 =	simm.s32 $0x1BF5;
	[smem:$0x3FB9] =	sst s0  }
0x18: {  	s0 =	sld [smem:$0x3F9C];
	_ =	swait.ge [sflag:s4], $0x0  }
0x19: {  	s7 =	sld [smem:$0x3F9D]  }
0x1a: {  	s8 =	sadd.s32 $0xFFFFE003, lr  }
0x1b: {  	s9 =	sadd.s32 $0xFFFFFEF7, lr;
	s5 =	simm.s32 $0xFFFFFFFF;
	p2 =	slt.u32 s8, $0xFFFFF086  }
0x1c: {  	p1 =	slt.u32 s9, $0xF7A;
	s5 =	simm.s32 @!p2 $0x0  }
0x1d: {  	s5 =	simm.s32 @p1 $0x1;
	p0 =	seq.s32 s7, s2  }
0x1e: {  	s7 =	smul.u32 @!p0 $0xF7A, s2;
	p2 =	seq.s32 @!p0 s5, $0x0  }
0x1f: {  	s9 =	smul.u32 $0xF7A, s1;
	s8 =	simm.s32 @!p0 $0x1BF5;
	p2 =	por !p2, p0  }
0x20: {  	[sflag:s8] =	ssyncset.s32 @!p0 $0xFFFFF086;
	s6 =	sadd.s32 @!p0 s3, s7;
	s7 =	simm.s32 @!p0 $0x108  }
0x21: {  	s3 =	sadd.s32 s3, s9;
	s6 =	sadd.s32 @!p0 $0x88, s6;
	s7 =	simm.s32 @p2 $0x1082  }
0x22: {  	[simem:s7], [sflag:s8] =	dma.local @!p0 [hbm:s6], $0xF7A  }
0x23: {  	s9 =	sor.u32 $0xD0000000, s2;
	s6 =	simm.s32 $0x108;
	_ =	swait.ge @!p0 [sflag:s8], $0x0  }
0x24: {  	s3 =	sadd.s32 $0x88, s3;
	s6 =	simm.s32 @!p1 $0x1082;
	[sflag:s4] =	ssyncset.s32 $0xFFFFF086  }
0x25: {  	[simem:s6], [sflag:s4] =	dma.local [hbm:s3], $0xF7A  }
0x26: {  	[smem:$0x3F9D] =	sst s1;
	(tag) =	ssettag s2;
	_ =	strace s9  }
0x27: {  	s1 =	sld [smem:$0x3FAD]  }
0x28: {  	s2 =	sld [smem:$0x3FAE]  }
0x29: {  	s4 =	sld [smem:$0x3FB0]  }
0x2a: {  	p0 =	seq.s32 s5, $0x0;
	s5 =	sld [smem:$0x3FB1]  }
0x2b: {  	s6 =	sld [smem:$0x3FB2]  }
0x2c: {  	s7 =	sld [smem:$0x3FB3]  }
0x2d: {  	s3 =	simm.s32 $0x108;
	s8 =	sld [smem:$0x3FB4]  }
0x2e: {  	s3 =	simm.s32 @!p0 $0x1082;
	s9 =	sld [smem:$0x3FB5]  }
0x2f: {  	lr =	sadd.s32 s0, s3;
	s0 =	sld [smem:$0x3FAC]  }
0x30: {  	s3 =	sld [smem:$0x3FAF]  }
0x31: {  	[smem:$0x3FB8] =	sst s10  }
0x32: {  	s10 =	sld [smem:$0x3FB6];
	_ =	sdelay $0x3  }
0x33: {  	p0 =	seq.s32 s10, $0x1;
	s10 =	sld [smem:$0x3FB8];
	_ =	sdelay $0x3  }
0x34: {  	[smem:$0x3FB8] =	sst s10  }
0x35: {  	s10 =	sld [smem:$0x3FB7];
	_ =	sdelay $0x3  }
0x36: {  	p1 =	seq.s32 s10, $0x1;
	s10 =	sld [smem:$0x3FB8];
	_ =	sdelay $0x3  }
0x37: {  	[smem:$0x3FB8] =	sst s10  }
0x38: {  	s10 =	sld [smem:$0x3FB9]  }
0x39: {  	_ = 	snop;
	(pc) =	sbr.ind lr, $3  }
0x3a: {  	_ = 	snop  }
0x3b: {  	_ = 	snop  }
0x3c: {  	p2 =	seq.s32 s10, $0x1;
	s10 =	sld [smem:$0x3FB8]  }
0x3d: {  	_ =	shalt  }
0x3e: {  	_ =	shalt  }
0x3f: {  	_ =	shalt  }
0x40: {  	_ =	shalt  }
0x41: {  	_ =	shalt  }
0x42: {  	_ =	shalt  }
0x43: {  	_ =	shalt  }
0x44: {  	_ =	shalt  }
0x45: {  	_ =	shalt  }
0x46: {  	_ =	shalt  }
0x47: {  	_ =	shalt  }
0x48: {  	_ =	shalt  }
0x49: {  	_ =	shalt  }
0x4a: {  	_ =	shalt  }
0x4b: {  	_ =	shalt  }
0x4c: {  	_ =	shalt  }
0x4d: {  	_ =	shalt  }
0x4e: {  	_ =	shalt  }
0x4f: {  	_ =	shalt  }
0x50: {  	_ =	shalt  }
0x51: {  	_ =	shalt  }
0x52: {  	_ =	shalt  }
0x53: {  	_ =	shalt  }
0x54: {  	_ =	shalt  }
0x55: {  	_ =	shalt  }
0x56: {  	_ =	shalt  }
0x57: {  	_ =	shalt  }
0x58: {  	_ =	shalt  }
0x59: {  	_ =	shalt  }
0x5a: {  	_ =	shalt  }
0x5b: {  	_ =	shalt  }
0x5c: {  	_ =	shalt  }
0x5d: {  	_ =	shalt  }
0x5e: {  	_ =	shalt  }
0x5f: {  	_ =	shalt  }
0x60: {  	_ =	shalt  }
0x61: {  	_ =	shalt  }
0x62: {  	_ =	shalt  }
0x63: {  	_ =	shalt  }
0x64: {  	_ =	shalt  }
0x65: {  	_ =	shalt  }
0x66: {  	_ =	shalt  }
0x67: {  	_ =	shalt  }
0x68: {  	_ =	shalt  }
0x69: {  	_ =	shalt  }
0x6a: {  	_ =	shalt  }
0x6b: {  	_ =	shalt  }
0x6c: {  	_ =	shalt  }
0x6d: {  	_ =	shalt  }
0x6e: {  	_ =	shalt  }
0x6f: {  	_ =	shalt  }
0x70: {  	_ =	shalt  }
0x71: {  	_ =	shalt  }
0x72: {  	_ =	shalt  }
0x73: {  	_ =	shalt  }
0x74: {  	_ =	shalt  }
0x75: {  	_ =	shalt  }
0x76: {  	_ =	shalt  }
0x77: {  	_ =	shalt  }
0x78: {  	_ =	shalt  }
0x79: {  	_ =	shalt  }
0x7a: {  	_ =	shalt  }
0x7b: {  	_ =	shalt  }
0x7c: {  	_ =	shalt  }
0x7d: {  	_ =	shalt  }
0x7e: {  	_ =	shalt  }
0x7f: {  	_ =	shalt  }
0x80: {  	_ =	shalt  }
0x81: {  	_ =	shalt  }
0x82: {  	_ =	shalt  }
0x83: {  	_ =	shalt  }
0x84: {  	_ =	shalt  }
0x85: {  	_ =	shalt  }
0x86: {  	_ =	shalt  }
0x87: {  	_ =	shalt  }
.Lfunc_end0:
.L_simem_size_0:
called_computation.1_lowered:
.L_overlay_start_0:
0x88: {  	s2 =	sld [smem:$0x3FD9]  }
0x89: {  	s3 =	sld [smem:$0x3FFE];
	_ =	sdelay $0x1  }
0x8a: {  	s1 =	srdreg.scid  }
0x8b: {  	s0 =	sand.u32 $0x1, s1  }
0x8c: {  	s17 =	sshll.u32 s0, $0xA;
	s2 =	sadd.s32 s3, s2  }
0x8d: {  	s2 =	sadd.s32 s2, s17  }
0x8e: {  	[smem:$0x3FC4] =	sst s2  }
0x8f: {  	_ = 	snop  }
0x90: {  	(tm) =	ssettm $0x1  }
0x91: {  	s18 =	sld [smem:$0x3FFB];
	_ =	sdelay $0x3  }
0x92: {  	_ =	strace s18  }
0x93: {  	s2 =	sld [smem:$0x3FFC];
	_ =	sdelay $0x3  }
0x94: {  	_ =	strace s2  }
0x95: {  	s2 =	sld [smem:$0x3FFD];
	_ =	sdelay $0x3  }
0x96: {  	_ =	strace s2  }
0x97: {  	_ =	strace $0x8FFFFFFF  }
0x98: {  	s19 =	sld [smem:$0x3FDB];
	_ =	sdelay $0x1  }
0x99: {  	s20 =	simm.s32 $_scs_section_size  }
0x9a: {  	s4 =	simm.s32 $_size__tile_overlayer_lowered;
	s5 =	simm.s32 $_tile_overlayer_lowered  }
0x9b: {  	s6 =	simm.s32 $0x1BFF;
	s21 =	sshll.u32 s5, $0x1;
	s3 =	sadd.s32 s20, s19  }
0x9c: {  	s22 =	simm.s32 $0x0;
	s4 =	sshll.u32 s4, $0x1;
	s5 =	sadd.s32 s21, s3  }
0x9d: {  	[timem:s22], [sflag:s6] =	dma.local [hbm:s5], s4  }
0x9e: {  	_ =	swait.ge [sflag:s6], s4  }
0x9f: {  	s4 =	ssub.s32 $0x0, s4;
	[sflag:s6] =	ssyncset.done $0x0  }
0xa0: {  	[sflag:s6] =	ssyncadd.s32 s4;
	_ =	sdelay $0x1  }
0xa1: {  	s23 =	simm.s32 $0x1B8B  }
0xa2: {  	_ =	swait.ge [sflag:s23], $0x1  }
0xa3: {  	[sflag:s23] =	ssyncset.done $0x0  }
0xa4: {  	[sflag:s23] =	ssyncadd.s32 $0xFFFFFFFF  }
0xa5: {  	s4 =	sld [smem:$0x0]  }
0xa6: {  	s5 =	sand.u32 $0xFFFFFFFE, s1  }
0xa7: {  	p0 =	sne.s32 s1, s5  }
0xa8: {  	s5 =	sshll.u32 @p0 s5, $0xE  }
0xa9: {  	s5 =	sadd.s32 @p0 $0x11B8D, s5;
	s6 =	sshll.u32 @p0 s4, $0x11  }
0xaa: {  	s5 =	sor.u32 @p0 s6, s5  }
0xab: {  	[sflag:s5] =	ssyncadd.remote.s32 @p0 $0x1;
	_ =	sdelay $0x1  }
0xac: {  	s5 =	simm.s32 @p0 $0x1B8D  }
0xad: {  	_ =	swait.eq @p0 [sflag:s5], $0x1  }
0xae: {  	[sflag:s5] =	ssyncadd.s32 @p0 $0xFFFFFFFF  }
0xaf: {  	s6 =	sshll.u32 @!p0 s1, $0xE  }
0xb0: {  	s6 =	sor.u32 @!p0 $0x4000, s6;
	s5 =	simm.s32 @!p0 $0x1B8D  }
0xb1: {  	s4 =	sshll.u32 @!p0 s4, $0x11;
	s6 =	sadd.s32 @!p0 $0x11B8D, s6;
	_ =	swait.eq @!p0 [sflag:s5], $0x1  }
0xb2: {  	s4 =	sor.u32 @!p0 s4, s6;
	[sflag:s5] =	ssyncadd.s32 @!p0 $0xFFFFFFFF  }
0xb3: {  	s25 =	simm.s32 $0x1B8E;
	s24 =	sld [smem:$0x3FFE];
	[sflag:s4] =	ssyncadd.remote.s32 @!p0 $0x1  }
0xb4: {  	s26 =	simm.s32 $execute0_lowered;
	[smem:$0x3FD2] =	sst s25  }
0xb5: {  	s5 =	sshll.u32 s26, $0x1;
	_ =	strace $0x80000049;
	[dreg:$0x1] =	wrdreg $0xFFFFFFFF  }
0xb6: {  	s28 =	simm.s32 $_size_execute0_lowered;
	s3 =	sadd.s32 s3, s5;
	[dreg:$0x0] =	wrdreg $0x0  }
0xb7: {  	s5 =	sshll.u32 s28, $0x1;
	[dreg:$0x2] =	wrdreg s3  }
0xb8: {  	[dreg:$0x3] =	wrdreg s5  }
0xb9: {  	[dreg:$0x4] =	wrdreg $0xC0  }
0xba: {  	_ =	task [dreg:s22], $0x5FFFF  }
0xbb: {  	[dreg:$0x1] =	wrdreg $0xFFFFFFFF  }
0xbc: {  	[dreg:$0x0] =	wrdreg $0x60  }
0xbd: {  	[dreg:$0x2] =	wrdreg s24  }
0xbe: {  	[dreg:$0x3] =	wrdreg $0xA  }
0xbf: {  	_ =	task.clear_ibuf [dreg:s22], $0x4FFFF;
	_ =	strace $0x90000049  }
0xc0: {  	s29 =	simm.s32 $0xA;
	_ =	strace $0x8000004B  }
0xc1: {  	_ =	swait.ge [sflag:s29], $0x1  }
0xc2: {  	[sflag:s29] =	ssyncadd.s32 $0xFFFFFFFF  }
0xc3: {  	_ =	strace $0x9000004B  }
0xc4: {  	_ =	sfence  }
0xc5: {  	s30 =	sld [smem:$0x0];
	_ =	sdelay $0x2  }
0xc6: {  	s31 =	sshll.u32 s1, $0xD;
	s1 =	sshrl.u32 s1, $0x2  }
0xc7: {  	s4 =	sand.u32 $0x4000, s31;
	s1 =	sadd.s32 s1, s30  }
0xc8: {  	s0 =	sor.u32 s4, s0;
	s1 =	sshll.u32 s1, $0x11  }
0xc9: {  	s0 =	sor.u32 s1, s0  }
0xca: {  	s0 =	sadd.s32 $0x8F2B, s0  }
0xcb: {  	[sflag:s0] =	ssyncadd.remote.s32 $0x1  }
0xcc: {  	_ =	sfence.sel $0xFFFF  }
0xcd: {  	[dreg:$0x0] =	wrdreg $0xFFFFFFFF;
	(pc) =	sbr.abs _section_cstart, $3  }
0xce: {  	[dreg:$0x1] =	wrdreg $0xFFFFFFFF  }
0xcf: {  	_ =	task.clear_ibuf [dreg:s22], $0x2FFFF;
	_ =	strace $0x9FFFFFFF  }
0xd0: {  	(tm) =	ssettm $0x7FFFFFFF  }
0xd1: {  	_ =	shalt  }
tec
execute0_lowered:
.L_overlay_start_1:
0x0: {  	(tag) =	ssettag $0x1  }
0x1: {  	s0 =	rddreg [dreg:$0x0]  }
0x2: {  	s2 =	simm.s32 $0x0;
	s1 =	srdreg.scid;
	s6 =	stileid.u32  }
0x3: {  	s28 =	simm.s32 $0x8800;
	s29 =	simm.s32 $0x9000;
	s30 =	simm.s32 $0x9800  }
0x4: {  	s31 =	simm.s32 $0xA000;
	s12 =	simm.s32 $0xB800;
	s13 =	simm.s32 $0xC000  }
0x5: {  	s14 =	simm.s32 $0xC800;
	s15 =	simm.s32 $0xD000;
	s16 =	simm.s32 $0xD800  }
0x6: {  	s17 =	simm.s32 $0xE000;
	s18 =	simm.s32 $0xE800;
	s19 =	simm.s32 $0xF000  }
0x7: {  	s20 =	simm.s32 $0xF800;
	s21 =	simm.s32 $0x10000;
	s22 =	simm.s32 $0x1  }
0x8: {  	s23 =	simm.s32 $0x3;
	[smem:$0x7FF] =	sst s2;
	s1 =	sand.u32 $0x1, s1  }
0x9: {  	s4 =	sshll.u32 s6, $0x9;
	s3 =	sadd.s32 $0x9800, s0;
	s6 =	sshll.u32 s6, $0xD  }
0xa: {  	_ =	strace $0x8000004A;
	s5 =	sshll.u32 s1, $0x8;
	s24 =	ssub.s32 $0x2, s1  }
0xb: {  	s8 =	sadd.s32 s6, s0;
	s6 =	sadd.s32 $0x9A00, s0;
	s1 =	sshll.u32 s1, $0xC  }
0xc: {  	s4 =	sor.u32 s5, s4;
	s7 =	sshrl.u32 s24, $0x1;
	s5 =	sadd.s32 $0x9900, s0  }
.Ltmp0:
0xd: {  	s26 =	sadd.s32 s1, s8;
	s1 =	simm.s32 $0xB000;
	(pc) =	sbr.rel .LBB2_1-.Ltmp0, $4  }
0xe: {  	s8 =	simm.s32 $0x0;
	s4 =	sadd.s32 s4, s0;
	s9 =	ssub.s32 s24, s7  }
0xf: {  	v2 =	vlaneseq.u32;
	s7 =	sadd.s32 $0x9B00, s0;
	s0 =	simm.s32 $0xA800;
	s4 =	sadd.s32 $0x1800, s4  }
0x10: {  	vm0 =	vmmov $0xffff;
	v1 =	vshrl.u32 v2, $0x3;
	s24 =	simm.s32 $0x2;
	s25 =	smax.u32 s9, $0x1;
	[dreg:$0x2] =	wrdreg s4  }
0x11: {  	v0 =	vand.u32 $0x7, v2;
	v2 =	vor.u32 $0x8, v2;
	v1 =	vmul.u32 $0x8, v1;
	s9 =	sadd.s32 $0x168C00, s26;
	[dreg:$0x3] =	wrdreg s25;
	s25 =	simm.s32 $0x4  }
.LBB2_4:
0x12: {  	s8 =	rddreg [dreg:$0x4]  }
0x13: {  	s4 =	rddreg [dreg:$0x3];
	s8 =	sadd.s32 $0x1, s8  }
0x14: {  	p0 =	sne.s32 s8, s4  }
.Ltmp1:
0x15: {  	_ = 	snop;
	(pc) =	sbr.rel @!p0 .LBB2_5-.Ltmp1, $1  }
0x16: {  	_ =	sdelay $0x3  }
.LBB2_1:
0x17: {  	[dreg:$0x4] =	wrdreg s8  }
0x18: {  	s4 =	rddreg [dreg:$0x2];
	s26 =	simm.s32 $0x5  }
0x19: {  	[tilespmem:s2], [sflag:$0x5] =	stream.linear.gather [hbm4b:s4+s2], $0x500, $0x38;
	[tilespmem:$0x10800] =	vst v63  }
0x1a: {  	_ =	swait.ge [sflag:s26], $0x500  }
0x1b: {  	[sflag:s26] =	ssyncset.done $0x0  }
0x1c: {  	[sflag:s26] =	ssyncadd.s32 $0xFFFFFB00  }
0x1d: {  	v3 =	vld [tilespmem:$0x0];
	_ =	sdelay $0x4  }
0x1e: {  	v4 =	vshll.u32 v3, $0x3  }
0x1f: {  	v3 =	vand.u32 $0x7, v3;
	v4 =	vand.u32 $0xFFFFFFC0, v4  }
0x20: {  	v3 =	vor.u32 v3, v4  }
0x21: {  	v4 =	vperm.xlane v3, v0;
	_ =	sdelay $0x1  }
0x22: {  	v4 =	vadd.s32 v1, v4;
	_ =	sdelay $0x3  }
0x23: {  	s8 =	simm.s32 $0x800  }
0x24: {  	[tilespmem:s8], [sflag:$0x1] =	stream.indirect_vreg.gather [hbm4b:s3+s2], $0x80, v4, vm0, $0xb8;
	[tilespmem:$0x10800] =	vst v63  }
0x25: {  	s10 =	simm.s32 $0x1000;
	v3 =	vperm.xlane v3, v2  }
0x26: {  	[tilespmem:s10], [sflag:$0x1] =	stream.indirect_vreg.gather [hbm4b:s5+s2], $0x80, v4, vm0, $0xb8;
	[tilespmem:$0x10800] =	vst v63  }
0x27: {  	s11 =	simm.s32 $0x1800;
	v3 =	vadd.s32 v1, v3  }
0x28: {  	[tilespmem:s11], [sflag:$0x1] =	stream.indirect_vreg.gather [hbm4b:s6+s2], $0x80, v4, vm0, $0xb8;
	[tilespmem:$0x10800] =	vst v63  }
0x29: {  	s26 =	simm.s32 $0x2000  }
0x2a: {  	[tilespmem:s26], [sflag:$0x1] =	stream.indirect_vreg.gather [hbm4b:s7+s2], $0x80, v4, vm0, $0xb8;
	[tilespmem:$0x10800] =	vst v63  }
0x2b: {  	s8 =	simm.s32 $0x2800  }
0x2c: {  	[tilespmem:s8], [sflag:$0x1] =	stream.indirect_vreg.gather [hbm4b:s3+s2], $0x80, v3, vm0, $0xb8;
	[tilespmem:$0x10800] =	vst v63  }
0x2d: {  	s10 =	simm.s32 $0x3000  }
0x2e: {  	[tilespmem:s10], [sflag:$0x1] =	stream.indirect_vreg.gather [hbm4b:s5+s2], $0x80, v3, vm0, $0xb8;
	[tilespmem:$0x10800] =	vst v63  }
0x2f: {  	s11 =	simm.s32 $0x3800  }
0x30: {  	[tilespmem:s11], [sflag:$0x1] =	stream.indirect_vreg.gather [hbm4b:s6+s2], $0x80, v3, vm0, $0xb8;
	[tilespmem:$0x10800] =	vst v63  }
0x31: {  	s26 =	simm.s32 $0x4000  }
0x32: {  	[tilespmem:s26], [sflag:$0x1] =	stream.indirect_vreg.gather [hbm4b:s7+s2], $0x80, v3, vm0, $0xb8;
	[tilespmem:$0x10800] =	vst v63  }
0x33: {  	v3 =	vld [tilespmem:$0x10];
	_ =	sdelay $0x4  }
0x34: {  	v61 =	vshll.u32 v3, $0x3  }
0x35: {  	v3 =	vand.u32 $0x7, v3;
	v4 =	vand.u32 $0xFFFFFFC0, v61  }
0x36: {  	v3 =	vor.u32 v3, v4  }
0x37: {  	v4 =	vperm.xlane v3, v0;
	_ =	sdelay $0x1  }
0x38: {  	v4 =	vadd.s32 v1, v4;
	_ =	sdelay $0x3  }
0x39: {  	s8 =	simm.s32 $0x4800  }
0x3a: {  	[tilespmem:s8], [sflag:$0x1] =	stream.indirect_vreg.gather [hbm4b:s3+s2], $0x80, v4, vm0, $0xb8;
	[tilespmem:$0x10800] =	vst v63  }
0x3b: {  	s10 =	simm.s32 $0x5000;
	v3 =	vperm.xlane v3, v2  }
0x3c: {  	[tilespmem:s10], [sflag:$0x1] =	stream.indirect_vreg.gather [hbm4b:s5+s2], $0x80, v4, vm0, $0xb8;
	[tilespmem:$0x10800] =	vst v63  }
0x3d: {  	s11 =	simm.s32 $0x5800;
	v3 =	vadd.s32 v1, v3  }
0x3e: {  	[tilespmem:s11], [sflag:$0x1] =	stream.indirect_vreg.gather [hbm4b:s6+s2], $0x80, v4, vm0, $0xb8;
	[tilespmem:$0x10800] =	vst v63  }
0x3f: {  	s26 =	simm.s32 $0x6000  }
0x40: {  	[tilespmem:s26], [sflag:$0x1] =	stream.indirect_vreg.gather [hbm4b:s7+s2], $0x80, v4, vm0, $0xb8;
	[tilespmem:$0x10800] =	vst v63  }
0x41: {  	s8 =	simm.s32 $0x6800  }
0x42: {  	[tilespmem:s8], [sflag:$0x1] =	stream.indirect_vreg.gather [hbm4b:s3+s2], $0x80, v3, vm0, $0xb8;
	[tilespmem:$0x10800] =	vst v63  }
0x43: {  	s10 =	simm.s32 $0x7000  }
0x44: {  	[tilespmem:s10], [sflag:$0x1] =	stream.indirect_vreg.gather [hbm4b:s5+s2], $0x80, v3, vm0, $0xb8;
	[tilespmem:$0x10800] =	vst v63  }
0x45: {  	s11 =	simm.s32 $0x7800  }
0x46: {  	[tilespmem:s11], [sflag:$0x1] =	stream.indirect_vreg.gather [hbm4b:s6+s2], $0x80, v3, vm0, $0xb8;
	[tilespmem:$0x10800] =	vst v63  }
0x47: {  	s26 =	simm.s32 $0x8000  }
0x48: {  	[tilespmem:s26], [sflag:$0x1] =	stream.indirect_vreg.gather [hbm4b:s7+s2], $0x80, v3, vm0, $0xb8;
	[tilespmem:$0x10800] =	vst v63  }
0x49: {  	v3 =	vld [tilespmem:$0x80];
	_ =	sdelay $0x4  }
0x4a: {  	v62 =	vshll.u32 v3, $0x3  }
0x4b: {  	v3 =	vand.u32 $0x7, v3;
	v4 =	vand.u32 $0xFFFFFFC0, v62  }
0x4c: {  	v3 =	vor.u32 v3, v4  }
0x4d: {  	v4 =	vperm.xlane v3, v0;
	_ =	sdelay $0x1  }
0x4e: {  	v4 =	vadd.s32 v1, v4;
	_ =	sdelay $0x4  }
0x4f: {  	[tilespmem:s28], [sflag:$0x2] =	stream.indirect_vreg.gather [hbm4b:s3+s2], $0x80, v4, vm0, $0xb8;
	[tilespmem:$0x10800] =	vst v63  }
0x50: {  	v3 =	vperm.xlane v3, v2  }
0x51: {  	[tilespmem:s29], [sflag:$0x2] =	stream.indirect_vreg.gather [hbm4b:s5+s2], $0x80, v4, vm0, $0xb8;
	[tilespmem:$0x10800] =	vst v63  }
0x52: {  	v3 =	vadd.s32 v1, v3  }
0x53: {  	[tilespmem:s30], [sflag:$0x2] =	stream.indirect_vreg.gather [hbm4b:s6+s2], $0x80, v4, vm0, $0xb8;
	[tilespmem:$0x10800] =	vst v63  }
0x54: {  	_ = 	snop  }
0x55: {  	[tilespmem:s31], [sflag:$0x2] =	stream.indirect_vreg.gather [hbm4b:s7+s2], $0x80, v4, vm0, $0xb8;
	[tilespmem:$0x10800] =	vst v63  }
0x56: {  	_ = 	snop  }
0x57: {  	[tilespmem:s0], [sflag:$0x2] =	stream.indirect_vreg.gather [hbm4b:s3+s2], $0x80, v3, vm0, $0xb8;
	[tilespmem:$0x10800] =	vst v63  }
0x58: {  	_ = 	snop  }
0x59: {  	[tilespmem:s1], [sflag:$0x2] =	stream.indirect_vreg.gather [hbm4b:s5+s2], $0x80, v3, vm0, $0xb8;
	[tilespmem:$0x10800] =	vst v63  }
0x5a: {  	_ = 	snop  }
0x5b: {  	[tilespmem:s12], [sflag:$0x2] =	stream.indirect_vreg.gather [hbm4b:s6+s2], $0x80, v3, vm0, $0xb8;
	[tilespmem:$0x10800] =	vst v63  }
0x5c: {  	_ = 	snop  }
0x5d: {  	[tilespmem:s13], [sflag:$0x2] =	stream.indirect_vreg.gather [hbm4b:s7+s2], $0x80, v3, vm0, $0xb8;
	[tilespmem:$0x10800] =	vst v63  }
0x5e: {  	v3 =	vld [tilespmem:$0x90];
	_ =	sdelay $0x4  }
0x5f: {  	v63 =	vshll.u32 v3, $0x3  }
0x60: {  	v3 =	vand.u32 $0x7, v3;
	v4 =	vand.u32 $0xFFFFFFC0, v63  }
0x61: {  	v3 =	vor.u32 v3, v4  }
0x62: {  	v4 =	vperm.xlane v3, v0;
	_ =	sdelay $0x1  }
0x63: {  	v4 =	vadd.s32 v1, v4;
	_ =	sdelay $0x4  }
0x64: {  	[tilespmem:s14], [sflag:$0x2] =	stream.indirect_vreg.gather [hbm4b:s3+s2], $0x80, v4, vm0, $0xb8;
	[tilespmem:$0x10800] =	vst v63  }
0x65: {  	v3 =	vperm.xlane v3, v2  }
0x66: {  	[tilespmem:s15], [sflag:$0x2] =	stream.indirect_vreg.gather [hbm4b:s5+s2], $0x80, v4, vm0, $0xb8;
	[tilespmem:$0x10800] =	vst v63  }
0x67: {  	v3 =	vadd.s32 v1, v3  }
0x68: {  	[tilespmem:s16], [sflag:$0x2] =	stream.indirect_vreg.gather [hbm4b:s6+s2], $0x80, v4, vm0, $0xb8;
	[tilespmem:$0x10800] =	vst v63  }
0x69: {  	_ = 	snop  }
0x6a: {  	[tilespmem:s17], [sflag:$0x2] =	stream.indirect_vreg.gather [hbm4b:s7+s2], $0x80, v4, vm0, $0xb8;
	[tilespmem:$0x10800] =	vst v63  }
0x6b: {  	_ = 	snop  }
0x6c: {  	[tilespmem:s18], [sflag:$0x2] =	stream.indirect_vreg.gather [hbm4b:s3+s2], $0x80, v3, vm0, $0xb8;
	[tilespmem:$0x10800] =	vst v63  }
0x6d: {  	_ = 	snop  }
0x6e: {  	[tilespmem:s19], [sflag:$0x2] =	stream.indirect_vreg.gather [hbm4b:s5+s2], $0x80, v3, vm0, $0xb8;
	[tilespmem:$0x10800] =	vst v63  }
0x6f: {  	_ = 	snop  }
0x70: {  	[tilespmem:s20], [sflag:$0x2] =	stream.indirect_vreg.gather [hbm4b:s6+s2], $0x80, v3, vm0, $0xb8;
	[tilespmem:$0x10800] =	vst v63  }
0x71: {  	s4 =	simm.s32 $0x190;
	s8 =	simm.s32 $0x0  }
0x72: {  	[tilespmem:s21], [sflag:$0x2] =	stream.indirect_vreg.gather [hbm4b:s7+s2], $0x80, v3, vm0, $0xb8;
	[tilespmem:$0x10800] =	vst v63  }
.LBB2_2:
0x73: {  	_ =	swait.ge [sflag:s22], $0x8000  }
0x74: {  	[sflag:s22] =	ssyncset.done $0x0  }
0x75: {  	s10 =	sadd.s32 s8, s9;
	s11 =	simm.s32 $0x800;
	[sflag:s22] =	ssyncadd.s32 $0xFFFF8000  }
0x76: {  	[hbm4b:s10+s2] =	stream.linear.scatter [tilespmem:s11], [sflag:$0x3], $0x8000, $0x38;
	[tilespmem:$0x10800] =	vst v63  }
0x77: {  	_ =	swait.ge [sflag:s23], $0x8000  }
0x78: {  	[sflag:s23] =	ssyncset.done $0x0  }
0x79: {  	p0 =	seq.s32 s8, $0x100000;
	[sflag:s23] =	ssyncadd.s32 $0xFFFF8000  }
0x7a: {  	v3 =	vld @!p0 [tilespmem:s4+$0xFFFFFF70];
	_ =	sdelay $0x4  }
0x7b: {  	v4 =	vshll.u32 @!p0 v3, $0x3  }
0x7c: {  	v5 =	vlaneseq.u32 @!p0;
	v3 =	vand.u32 @!p0 $0x7, v3;
	v4 =	vand.u32 @!p0 $0xFFFFFFC0, v4  }
0x7d: {  	v6 =	vshrl.u32 @!p0 v5, $0x3;
	v3 =	vor.u32 @!p0 v3, v4;
	v4 =	vand.u32 @!p0 $0x7, v5  }
0x7e: {  	v6 =	vmul.u32 @!p0 $0x8, v6;
	v7 =	vperm.xlane @!p0 v3, v4;
	_ =	sdelay $0x1  }
0x7f: {  	v7 =	vadd.s32 @!p0 v6, v7;
	_ =	sdelay $0x3  }
0x80: {  	vm1 =	vmmov @!p0 $0xffff;
	s26 =	simm.s32 @!p0 $0x0;
	s11 =	simm.s32 @!p0 $0x800  }
0x81: {  	v5 =	vor.u32 @!p0 $0x8, v5;
	[tilespmem:s11], [sflag:$0x1] =	stream.indirect_vreg.gather @!p0 [hbm4b:s3+s26], $0x80, v7, vm1, $0xb8;
	[tilespmem:$0x10800] =	vst v63  }
0x82: {  	v3 =	vperm.xlane @!p0 v3, v5;
	s11 =	simm.s32 @!p0 $0x1000  }
0x83: {  	[tilespmem:s11], [sflag:$0x1] =	stream.indirect_vreg.gather @!p0 [hbm4b:s5+s26], $0x80, v7, vm1, $0xb8;
	[tilespmem:$0x10800] =	vst v63  }
0x84: {  	v3 =	vadd.s32 @!p0 v6, v3;
	s11 =	simm.s32 @!p0 $0x1800  }
0x85: {  	[tilespmem:s11], [sflag:$0x1] =	stream.indirect_vreg.gather @!p0 [hbm4b:s6+s26], $0x80, v7, vm1, $0xb8;
	[tilespmem:$0x10800] =	vst v63  }
0x86: {  	s11 =	simm.s32 @!p0 $0x2000  }
0x87: {  	[tilespmem:s11], [sflag:$0x1] =	stream.indirect_vreg.gather @!p0 [hbm4b:s7+s26], $0x80, v7, vm1, $0xb8;
	[tilespmem:$0x10800] =	vst v63  }
0x88: {  	s11 =	simm.s32 @!p0 $0x2800  }
0x89: {  	[tilespmem:s11], [sflag:$0x1] =	stream.indirect_vreg.gather @!p0 [hbm4b:s3+s26], $0x80, v3, vm1, $0xb8;
	[tilespmem:$0x10800] =	vst v63  }
0x8a: {  	s11 =	simm.s32 @!p0 $0x3000  }
0x8b: {  	[tilespmem:s11], [sflag:$0x1] =	stream.indirect_vreg.gather @!p0 [hbm4b:s5+s26], $0x80, v3, vm1, $0xb8;
	[tilespmem:$0x10800] =	vst v63  }
0x8c: {  	s11 =	simm.s32 @!p0 $0x3800  }
0x8d: {  	[tilespmem:s11], [sflag:$0x1] =	stream.indirect_vreg.gather @!p0 [hbm4b:s6+s26], $0x80, v3, vm1, $0xb8;
	[tilespmem:$0x10800] =	vst v63  }
0x8e: {  	s11 =	simm.s32 @!p0 $0x4000  }
0x8f: {  	[tilespmem:s11], [sflag:$0x1] =	stream.indirect_vreg.gather @!p0 [hbm4b:s7+s26], $0x80, v3, vm1, $0xb8;
	[tilespmem:$0x10800] =	vst v63  }
0x90: {  	v3 =	vld @!p0 [tilespmem:s4+$0xFFFFFF80];
	_ =	sdelay $0x4  }
0x91: {  	v7 =	vshll.u32 @!p0 v3, $0x3  }
0x92: {  	v3 =	vand.u32 @!p0 $0x7, v3;
	v7 =	vand.u32 @!p0 $0xFFFFFFC0, v7  }
0x93: {  	v3 =	vor.u32 @!p0 v3, v7  }
0x94: {  	v4 =	vperm.xlane @!p0 v3, v4;
	_ =	sdelay $0x1  }
0x95: {  	v4 =	vadd.s32 @!p0 v6, v4;
	_ =	sdelay $0x3  }
0x96: {  	s11 =	simm.s32 @!p0 $0x4800  }
0x97: {  	[tilespmem:s11], [sflag:$0x1] =	stream.indirect_vreg.gather @!p0 [hbm4b:s3+s26], $0x80, v4, vm1, $0xb8;
	[tilespmem:$0x10800] =	vst v63  }
0x98: {  	v3 =	vperm.xlane @!p0 v3, v5;
	s11 =	simm.s32 @!p0 $0x5000  }
0x99: {  	[tilespmem:s11], [sflag:$0x1] =	stream.indirect_vreg.gather @!p0 [hbm4b:s5+s26], $0x80, v4, vm1, $0xb8;
	[tilespmem:$0x10800] =	vst v63  }
0x9a: {  	v3 =	vadd.s32 @!p0 v6, v3;
	s11 =	simm.s32 @!p0 $0x5800  }
0x9b: {  	[tilespmem:s11], [sflag:$0x1] =	stream.indirect_vreg.gather @!p0 [hbm4b:s6+s26], $0x80, v4, vm1, $0xb8;
	[tilespmem:$0x10800] =	vst v63  }
0x9c: {  	s11 =	simm.s32 @!p0 $0x6000  }
0x9d: {  	[tilespmem:s11], [sflag:$0x1] =	stream.indirect_vreg.gather @!p0 [hbm4b:s7+s26], $0x80, v4, vm1, $0xb8;
	[tilespmem:$0x10800] =	vst v63  }
0x9e: {  	s11 =	simm.s32 @!p0 $0x6800  }
0x9f: {  	[tilespmem:s11], [sflag:$0x1] =	stream.indirect_vreg.gather @!p0 [hbm4b:s3+s26], $0x80, v3, vm1, $0xb8;
	[tilespmem:$0x10800] =	vst v63  }
0xa0: {  	s11 =	simm.s32 @!p0 $0x7000  }
0xa1: {  	[tilespmem:s11], [sflag:$0x1] =	stream.indirect_vreg.gather @!p0 [hbm4b:s5+s26], $0x80, v3, vm1, $0xb8;
	[tilespmem:$0x10800] =	vst v63  }
0xa2: {  	s11 =	simm.s32 @!p0 $0x7800  }
0xa3: {  	[tilespmem:s11], [sflag:$0x1] =	stream.indirect_vreg.gather @!p0 [hbm4b:s6+s26], $0x80, v3, vm1, $0xb8;
	[tilespmem:$0x10800] =	vst v63  }
0xa4: {  	s11 =	simm.s32 @!p0 $0x8000  }
0xa5: {  	[tilespmem:s11], [sflag:$0x1] =	stream.indirect_vreg.gather @!p0 [hbm4b:s7+s26], $0x80, v3, vm1, $0xb8;
	[tilespmem:$0x10800] =	vst v63  }
0xa6: {  	_ =	swait.ge [sflag:s24], $0x8000  }
0xa7: {  	[sflag:s24] =	ssyncset.done $0x0  }
.Ltmp2:
0xa8: {  	s10 =	sadd.s32 $0x20000, s10;
	[sflag:s24] =	ssyncadd.s32 $0xFFFF8000;
	(pc) =	sbr.rel @p0 .LBB2_4-.Ltmp2, $4  }
0xa9: {  	[hbm4b:s10+s2] =	stream.linear.scatter [tilespmem:s28], [sflag:$0x4], $0x8000, $0x38;
	[tilespmem:$0x10800] =	vst v63  }
0xaa: {  	_ =	swait.ge [sflag:s25], $0x8000  }
0xab: {  	[sflag:s25] =	ssyncset.done $0x0  }
0xac: {  	[sflag:s25] =	ssyncadd.s32 $0xFFFF8000  }
0xad: {  	v3 =	vld [tilespmem:s4+$0xFFFFFFF0];
	_ =	sdelay $0x4  }
0xae: {  	v4 =	vshll.u32 v3, $0x3  }
0xaf: {  	v3 =	vand.u32 $0x7, v3;
	v4 =	vand.u32 $0xFFFFFFC0, v4  }
0xb0: {  	v3 =	vor.u32 v3, v4  }
0xb1: {  	v4 =	vperm.xlane v3, v0;
	_ =	sdelay $0x1  }
0xb2: {  	v4 =	vadd.s32 v1, v4;
	_ =	sdelay $0x4  }
0xb3: {  	[tilespmem:s28], [sflag:$0x2] =	stream.indirect_vreg.gather [hbm4b:s3+s2], $0x80, v4, vm0, $0xb8;
	[tilespmem:$0x10800] =	vst v63  }
0xb4: {  	v3 =	vperm.xlane v3, v2  }
0xb5: {  	[tilespmem:s29], [sflag:$0x2] =	stream.indirect_vreg.gather [hbm4b:s5+s2], $0x80, v4, vm0, $0xb8;
	[tilespmem:$0x10800] =	vst v63  }
0xb6: {  	v3 =	vadd.s32 v1, v3  }
0xb7: {  	[tilespmem:s30], [sflag:$0x2] =	stream.indirect_vreg.gather [hbm4b:s6+s2], $0x80, v4, vm0, $0xb8;
	[tilespmem:$0x10800] =	vst v63  }
0xb8: {  	_ = 	snop  }
0xb9: {  	[tilespmem:s31], [sflag:$0x2] =	stream.indirect_vreg.gather [hbm4b:s7+s2], $0x80, v4, vm0, $0xb8;
	[tilespmem:$0x10800] =	vst v63  }
0xba: {  	_ = 	snop  }
0xbb: {  	[tilespmem:s0], [sflag:$0x2] =	stream.indirect_vreg.gather [hbm4b:s3+s2], $0x80, v3, vm0, $0xb8;
	[tilespmem:$0x10800] =	vst v63  }
0xbc: {  	_ = 	snop  }
0xbd: {  	[tilespmem:s1], [sflag:$0x2] =	stream.indirect_vreg.gather [hbm4b:s5+s2], $0x80, v3, vm0, $0xb8;
	[tilespmem:$0x10800] =	vst v63  }
0xbe: {  	_ = 	snop  }
0xbf: {  	[tilespmem:s12], [sflag:$0x2] =	stream.indirect_vreg.gather [hbm4b:s6+s2], $0x80, v3, vm0, $0xb8;
	[tilespmem:$0x10800] =	vst v63  }
0xc0: {  	_ = 	snop  }
0xc1: {  	[tilespmem:s13], [sflag:$0x2] =	stream.indirect_vreg.gather [hbm4b:s7+s2], $0x80, v3, vm0, $0xb8;
	[tilespmem:$0x10800] =	vst v63  }
0xc2: {  	v3 =	vld [tilespmem:s4+$0x0];
	_ =	sdelay $0x4  }
0xc3: {  	v63 =	vshll.u32 v3, $0x3  }
0xc4: {  	v3 =	vand.u32 $0x7, v3;
	v4 =	vand.u32 $0xFFFFFFC0, v63  }
0xc5: {  	v3 =	vor.u32 v3, v4  }
0xc6: {  	v4 =	vperm.xlane v3, v0;
	_ =	sdelay $0x1  }
0xc7: {  	v4 =	vadd.s32 v1, v4;
	_ =	sdelay $0x4  }
0xc8: {  	[tilespmem:s14], [sflag:$0x2] =	stream.indirect_vreg.gather [hbm4b:s3+s2], $0x80, v4, vm0, $0xb8;
	[tilespmem:$0x10800] =	vst v63  }
0xc9: {  	v3 =	vperm.xlane v3, v2  }
0xca: {  	[tilespmem:s15], [sflag:$0x2] =	stream.indirect_vreg.gather [hbm4b:s5+s2], $0x80, v4, vm0, $0xb8;
	[tilespmem:$0x10800] =	vst v63  }
0xcb: {  	v3 =	vadd.s32 v1, v3  }
0xcc: {  	[tilespmem:s16], [sflag:$0x2] =	stream.indirect_vreg.gather [hbm4b:s6+s2], $0x80, v4, vm0, $0xb8;
	[tilespmem:$0x10800] =	vst v63  }
0xcd: {  	_ = 	snop  }
0xce: {  	[tilespmem:s17], [sflag:$0x2] =	stream.indirect_vreg.gather [hbm4b:s7+s2], $0x80, v4, vm0, $0xb8;
	[tilespmem:$0x10800] =	vst v63  }
0xcf: {  	_ = 	snop  }
0xd0: {  	[tilespmem:s18], [sflag:$0x2] =	stream.indirect_vreg.gather [hbm4b:s3+s2], $0x80, v3, vm0, $0xb8;
	[tilespmem:$0x10800] =	vst v63  }
0xd1: {  	_ = 	snop  }
0xd2: {  	[tilespmem:s19], [sflag:$0x2] =	stream.indirect_vreg.gather [hbm4b:s5+s2], $0x80, v3, vm0, $0xb8;
	[tilespmem:$0x10800] =	vst v63  }
.Ltmp3:
0xd3: {  	_ = 	snop;
	(pc) =	sbr.rel .LBB2_2-.Ltmp3, $4  }
0xd4: {  	_ = 	snop  }
0xd5: {  	[tilespmem:s20], [sflag:$0x2] =	stream.indirect_vreg.gather [hbm4b:s6+s2], $0x80, v3, vm0, $0xb8;
	[tilespmem:$0x10800] =	vst v63  }
0xd6: {  	s8 =	sadd.s32 $0x40000, s8;
	s4 =	sadd.s32 $0x100, s4  }
0xd7: {  	[tilespmem:s21], [sflag:$0x2] =	stream.indirect_vreg.gather [hbm4b:s7+s2], $0x80, v3, vm0, $0xb8;
	[tilespmem:$0x10800] =	vst v63  }
.LBB2_5:
0xd8: {  	_ =	sfence.sel $0x180000  }
0xd9: {  	[bflag:$0x0] =	sbarrier.arrive $0xFFFF  }
0xda: {  	_ =	strace $0x9000004A  }
0xdb: {  	s0 =	stileid.u32;
	[bflag:$0x2] =	sbarrier.arrive $0xFFFF  }
0xdc: {  	p0 =	sne.s32 s0, $0x0;
	s0 =	rddreg [dreg:$0x1]  }
0xdd: {  	s0 =	sadd.s32 @!p0 $0x100000, s0  }
0xde: {  	[sflag:s0] =	ssyncadd.tile.s32 @!p0 $0x1;
	_ =	shalt  }
.Lfunc_end2:
_tile_overlayer_lowered:
.L_overlay_start_2:
0xdf: {  	(tag) =	ssettag $0x2  }
0xe0: {  	s0 =	rddreg [dreg:$0x0];
	s2 =	stileid.u32  }
0xe1: {  	s1 =	rddreg [dreg:$0x1];
	p0 =	sne.s32 s2, $0x0  }
0xe2: {  	s3 =	rddreg [dreg:$0x2];
	[bflag:$0x3] =	sbarrier.arrive $0xFFFF;
	s2 =	simm.s32 @!p0 $0x1C05  }
0xe3: {  	[timem:s3], [sflag:s2] =	dma.local @!p0 [hbm:s0], s1  }
0xe4: {  	s0 =	simm.s32 @!p0 $0x5  }
0xe5: {  	_ =	swait.ge @!p0 [sflag:s0], s1  }
0xe6: {  	s1 =	ssub.s32 @!p0 $0x0, s1;
	[sflag:s0] =	ssyncset.done @!p0 $0x0  }
0xe7: {  	[sflag:s0] =	ssyncadd.s32 @!p0 s1  }
0xe8: {  	[bflag:$0x3] =	sbarrier.arrive $0xFFFF  }
0xe9: {  	_ =	shalt  }

// kernel: kernel.19.cloned.1.call-start
scs
__scs_entry_jumppad:
0x0: {  	(pc) =	sbr.rel $0x88, $3  }
0x1: {  	(tag) =	ssettag $0x0;
	lr =	simm.s32 $0x1  }
0x2: {  	[smem:$0x3F9D] =	sst lr;
	_ =	strace $0xD0000000  }
0x3: {  	_ = 	snop  }
0x4: {  	_ = 	snop  }
0x5: {  	_ = 	snop  }
0x6: {  	_ = 	snop  }
0x7: {  	_ = 	snop  }
__scs_overlays_trampoline_lowered:
0x8: {  	[smem:$0x3FAC] =	sst s0  }
0x9: {  	[smem:$0x3FAD] =	sst s1  }
0xa: {  	[smem:$0x3FAE] =	sst s2  }
0xb: {  	[smem:$0x3FAF] =	sst s3  }
0xc: {  	[smem:$0x3FB0] =	sst s4  }
0xd: {  	[smem:$0x3FB1] =	sst s5  }
0xe: {  	[smem:$0x3FB2] =	sst s6  }
0xf: {  	[smem:$0x3FB3] =	sst s7  }
0x10: {  	[smem:$0x3FB4] =	sst s8  }
0x11: {  	[smem:$0x3FB5] =	sst s9;
	s0 =	simm.s32 @!p0 $0x0  }
0x12: {  	s1 =	sld [smem:$0x3F9B];
	s0 =	simm.s32 @p0 $0x1  }
0x13: {  	[smem:$0x3FB6] =	sst s0;
	s0 =	simm.s32 @!p1 $0x0  }
0x14: {  	s2 =	sld [smem:$0x3F9A];
	s0 =	simm.s32 @p1 $0x1  }
0x15: {  	[smem:$0x3FB7] =	sst s0;
	s0 =	simm.s32 @!p2 $0x0  }
0x16: {  	s3 =	sld [smem:$0x3FDB];
	s0 =	simm.s32 @p2 $0x1  }
0x17: {  	s4 =	simm.s32 $0x1BF5;
	[smem:$0x3FB9] =	sst s0  }
0x18: {  	s0 =	sld [smem:$0x3F9C];
	_ =	swait.ge [sflag:s4], $0x0  }
0x19: {  	s7 =	sld [smem:$0x3F9D]  }
0x1a: {  	s8 =	sadd.s32 $0xFFFFE003, lr  }
0x1b: {  	s9 =	sadd.s32 $0xFFFFFEF7, lr;
	s5 =	simm.s32 $0xFFFFFFFF;
	p2 =	slt.u32 s8, $0xFFFFF086  }
0x1c: {  	p1 =	slt.u32 s9, $0xF7A;
	s5 =	simm.s32 @!p2 $0x0  }
0x1d: {  	s5 =	simm.s32 @p1 $0x1;
	p0 =	seq.s32 s7, s2  }
0x1e: {  	s7 =	smul.u32 @!p0 $0xF7A, s2;
	p2 =	seq.s32 @!p0 s5, $0x0  }
0x1f: {  	s9 =	smul.u32 $0xF7A, s1;
	s8 =	simm.s32 @!p0 $0x1BF5;
	p2 =	por !p2, p0  }
0x20: {  	[sflag:s8] =	ssyncset.s32 @!p0 $0xFFFFF086;
	s6 =	sadd.s32 @!p0 s3, s7;
	s7 =	simm.s32 @!p0 $0x108  }
0x21: {  	s3 =	sadd.s32 s3, s9;
	s6 =	sadd.s32 @!p0 $0x88, s6;
	s7 =	simm.s32 @p2 $0x1082  }
0x22: {  	[simem:s7], [sflag:s8] =	dma.local @!p0 [hbm:s6], $0xF7A  }
0x23: {  	s9 =	sor.u32 $0xD0000000, s2;
	s6 =	simm.s32 $0x108;
	_ =	swait.ge @!p0 [sflag:s8], $0x0  }
0x24: {  	s3 =	sadd.s32 $0x88, s3;
	s6 =	simm.s32 @!p1 $0x1082;
	[sflag:s4] =	ssyncset.s32 $0xFFFFF086  }
0x25: {  	[simem:s6], [sflag:s4] =	dma.local [hbm:s3], $0xF7A  }
0x26: {  	[smem:$0x3F9D] =	sst s1;
	(tag) =	ssettag s2;
	_ =	strace s9  }
0x27: {  	s1 =	sld [smem:$0x3FAD]  }
0x28: {  	s2 =	sld [smem:$0x3FAE]  }
0x29: {  	s4 =	sld [smem:$0x3FB0]  }
0x2a: {  	p0 =	seq.s32 s5, $0x0;
	s5 =	sld [smem:$0x3FB1]  }
0x2b: {  	s6 =	sld [smem:$0x3FB2]  }
0x2c: {  	s7 =	sld [smem:$0x3FB3]  }
0x2d: {  	s3 =	simm.s32 $0x108;
	s8 =	sld [smem:$0x3FB4]  }
0x2e: {  	s3 =	simm.s32 @!p0 $0x1082;
	s9 =	sld [smem:$0x3FB5]  }
0x2f: {  	lr =	sadd.s32 s0, s3;
	s0 =	sld [smem:$0x3FAC]  }
0x30: {  	s3 =	sld [smem:$0x3FAF]  }
0x31: {  	[smem:$0x3FB8] =	sst s10  }
0x32: {  	s10 =	sld [smem:$0x3FB6];
	_ =	sdelay $0x3  }
0x33: {  	p0 =	seq.s32 s10, $0x1;
	s10 =	sld [smem:$0x3FB8];
	_ =	sdelay $0x3  }
0x34: {  	[smem:$0x3FB8] =	sst s10  }
0x35: {  	s10 =	sld [smem:$0x3FB7];
	_ =	sdelay $0x3  }
0x36: {  	p1 =	seq.s32 s10, $0x1;
	s10 =	sld [smem:$0x3FB8];
	_ =	sdelay $0x3  }
0x37: {  	[smem:$0x3FB8] =	sst s10  }
0x38: {  	s10 =	sld [smem:$0x3FB9]  }
0x39: {  	_ = 	snop;
	(pc) =	sbr.ind lr, $3  }
0x3a: {  	_ = 	snop  }
0x3b: {  	_ = 	snop  }
0x3c: {  	p2 =	seq.s32 s10, $0x1;
	s10 =	sld [smem:$0x3FB8]  }
0x3d: {  	_ =	shalt  }
0x3e: {  	_ =	shalt  }
0x3f: {  	_ =	shalt  }
0x40: {  	_ =	shalt  }
0x41: {  	_ =	shalt  }
0x42: {  	_ =	shalt  }
0x43: {  	_ =	shalt  }
0x44: {  	_ =	shalt  }
0x45: {  	_ =	shalt  }
0x46: {  	_ =	shalt  }
0x47: {  	_ =	shalt  }
0x48: {  	_ =	shalt  }
0x49: {  	_ =	shalt  }
0x4a: {  	_ =	shalt  }
0x4b: {  	_ =	shalt  }
0x4c: {  	_ =	shalt  }
0x4d: {  	_ =	shalt  }
0x4e: {  	_ =	shalt  }
0x4f: {  	_ =	shalt  }
0x50: {  	_ =	shalt  }
0x51: {  	_ =	shalt  }
0x52: {  	_ =	shalt  }
0x53: {  	_ =	shalt  }
0x54: {  	_ =	shalt  }
0x55: {  	_ =	shalt  }
0x56: {  	_ =	shalt  }
0x57: {  	_ =	shalt  }
0x58: {  	_ =	shalt  }
0x59: {  	_ =	shalt  }
0x5a: {  	_ =	shalt  }
0x5b: {  	_ =	shalt  }
0x5c: {  	_ =	shalt  }
0x5d: {  	_ =	shalt  }
0x5e: {  	_ =	shalt  }
0x5f: {  	_ =	shalt  }
0x60: {  	_ =	shalt  }
0x61: {  	_ =	shalt  }
0x62: {  	_ =	shalt  }
0x63: {  	_ =	shalt  }
0x64: {  	_ =	shalt  }
0x65: {  	_ =	shalt  }
0x66: {  	_ =	shalt  }
0x67: {  	_ =	shalt  }
0x68: {  	_ =	shalt  }
0x69: {  	_ =	shalt  }
0x6a: {  	_ =	shalt  }
0x6b: {  	_ =	shalt  }
0x6c: {  	_ =	shalt  }
0x6d: {  	_ =	shalt  }
0x6e: {  	_ =	shalt  }
0x6f: {  	_ =	shalt  }
0x70: {  	_ =	shalt  }
0x71: {  	_ =	shalt  }
0x72: {  	_ =	shalt  }
0x73: {  	_ =	shalt  }
0x74: {  	_ =	shalt  }
0x75: {  	_ =	shalt  }
0x76: {  	_ =	shalt  }
0x77: {  	_ =	shalt  }
0x78: {  	_ =	shalt  }
0x79: {  	_ =	shalt  }
0x7a: {  	_ =	shalt  }
0x7b: {  	_ =	shalt  }
0x7c: {  	_ =	shalt  }
0x7d: {  	_ =	shalt  }
0x7e: {  	_ =	shalt  }
0x7f: {  	_ =	shalt  }
0x80: {  	_ =	shalt  }
0x81: {  	_ =	shalt  }
0x82: {  	_ =	shalt  }
0x83: {  	_ =	shalt  }
0x84: {  	_ =	shalt  }
0x85: {  	_ =	shalt  }
0x86: {  	_ =	shalt  }
0x87: {  	_ =	shalt  }
.Lfunc_end0:
.L_simem_size_0:
called_computation.2_lowered:
.L_overlay_start_0:
0x88: {  	s2 =	sld [smem:$0x3FD9]  }
0x89: {  	s3 =	sld [smem:$0x3FFE];
	_ =	sdelay $0x1  }
0x8a: {  	s1 =	srdreg.scid  }
0x8b: {  	s0 =	sand.u32 $0x1, s1  }
0x8c: {  	s17 =	sshll.u32 s0, $0xA;
	s2 =	sadd.s32 s3, s2  }
0x8d: {  	s2 =	sadd.s32 s2, s17  }
0x8e: {  	[smem:$0x3FC4] =	sst s2  }
0x8f: {  	_ = 	snop  }
0x90: {  	(tm) =	ssettm $0x1  }
0x91: {  	s18 =	sld [smem:$0x3FFB];
	_ =	sdelay $0x3  }
0x92: {  	_ =	strace s18  }
0x93: {  	s2 =	sld [smem:$0x3FFC];
	_ =	sdelay $0x3  }
0x94: {  	_ =	strace s2  }
0x95: {  	s2 =	sld [smem:$0x3FFD];
	_ =	sdelay $0x3  }
0x96: {  	_ =	strace s2  }
0x97: {  	_ =	strace $0x8FFFFFFF  }
0x98: {  	s19 =	sld [smem:$0x3FDB];
	_ =	sdelay $0x1  }
0x99: {  	s20 =	simm.s32 $_scs_section_size  }
0x9a: {  	s4 =	simm.s32 $_size__tile_overlayer_lowered;
	s5 =	simm.s32 $_tile_overlayer_lowered  }
0x9b: {  	s6 =	simm.s32 $0x1BFF;
	s21 =	sshll.u32 s5, $0x1;
	s3 =	sadd.s32 s20, s19  }
0x9c: {  	s22 =	simm.s32 $0x0;
	s4 =	sshll.u32 s4, $0x1;
	s5 =	sadd.s32 s21, s3  }
0x9d: {  	[timem:s22], [sflag:s6] =	dma.local [hbm:s5], s4  }
0x9e: {  	_ =	swait.ge [sflag:s6], s4  }
0x9f: {  	s4 =	ssub.s32 $0x0, s4;
	[sflag:s6] =	ssyncset.done $0x0  }
0xa0: {  	[sflag:s6] =	ssyncadd.s32 s4;
	_ =	sdelay $0x1  }
0xa1: {  	s23 =	simm.s32 $0x1B8B  }
0xa2: {  	_ =	swait.ge [sflag:s23], $0x1  }
0xa3: {  	[sflag:s23] =	ssyncset.done $0x0  }
0xa4: {  	[sflag:s23] =	ssyncadd.s32 $0xFFFFFFFF  }
0xa5: {  	s4 =	sld [smem:$0x0]  }
0xa6: {  	s5 =	sand.u32 $0xFFFFFFFE, s1  }
0xa7: {  	p0 =	sne.s32 s1, s5  }
0xa8: {  	s5 =	sshll.u32 @p0 s5, $0xE  }
0xa9: {  	s5 =	sadd.s32 @p0 $0x11B8D, s5;
	s6 =	sshll.u32 @p0 s4, $0x11  }
0xaa: {  	s5 =	sor.u32 @p0 s6, s5  }
0xab: {  	[sflag:s5] =	ssyncadd.remote.s32 @p0 $0x1;
	_ =	sdelay $0x1  }
0xac: {  	s5 =	simm.s32 @p0 $0x1B8D  }
0xad: {  	_ =	swait.eq @p0 [sflag:s5], $0x1  }
0xae: {  	[sflag:s5] =	ssyncadd.s32 @p0 $0xFFFFFFFF  }
0xaf: {  	s6 =	sshll.u32 @!p0 s1, $0xE  }
0xb0: {  	s6 =	sor.u32 @!p0 $0x4000, s6;
	s5 =	simm.s32 @!p0 $0x1B8D  }
0xb1: {  	s4 =	sshll.u32 @!p0 s4, $0x11;
	s6 =	sadd.s32 @!p0 $0x11B8D, s6;
	_ =	swait.eq @!p0 [sflag:s5], $0x1  }
0xb2: {  	s4 =	sor.u32 @!p0 s4, s6;
	[sflag:s5] =	ssyncadd.s32 @!p0 $0xFFFFFFFF  }
0xb3: {  	s25 =	simm.s32 $0x1B8E;
	s24 =	sld [smem:$0x3FFE];
	[sflag:s4] =	ssyncadd.remote.s32 @!p0 $0x1  }
0xb4: {  	s26 =	simm.s32 $execute0_lowered;
	[smem:$0x3FD2] =	sst s25  }
0xb5: {  	s5 =	sshll.u32 s26, $0x1;
	_ =	strace $0x8000004C;
	[dreg:$0x1] =	wrdreg $0xFFFFFFFF  }
0xb6: {  	s28 =	simm.s32 $_size_execute0_lowered;
	s3 =	sadd.s32 s3, s5;
	[dreg:$0x0] =	wrdreg $0x0  }
0xb7: {  	s5 =	sshll.u32 s28, $0x1;
	[dreg:$0x2] =	wrdreg s3  }
0xb8: {  	[dreg:$0x3] =	wrdreg s5  }
0xb9: {  	[dreg:$0x4] =	wrdreg $0xC0  }
0xba: {  	_ =	task [dreg:s22], $0x5FFFF  }
0xbb: {  	[dreg:$0x1] =	wrdreg $0xFFFFFFFF  }
0xbc: {  	[dreg:$0x0] =	wrdreg $0x60  }
0xbd: {  	[dreg:$0x2] =	wrdreg s24  }
0xbe: {  	[dreg:$0x3] =	wrdreg $0xB  }
0xbf: {  	_ =	task.clear_ibuf [dreg:s22], $0x4FFFF;
	_ =	strace $0x9000004C  }
0xc0: {  	s29 =	simm.s32 $0xB;
	_ =	strace $0x8000004E  }
0xc1: {  	_ =	swait.ge [sflag:s29], $0x1  }
0xc2: {  	[sflag:s29] =	ssyncadd.s32 $0xFFFFFFFF  }
0xc3: {  	_ =	strace $0x9000004E  }
0xc4: {  	_ =	sfence  }
0xc5: {  	s30 =	sld [smem:$0x0];
	_ =	sdelay $0x2  }
0xc6: {  	s31 =	sshll.u32 s1, $0xD;
	s1 =	sshrl.u32 s1, $0x2  }
0xc7: {  	s4 =	sand.u32 $0x4000, s31;
	s1 =	sadd.s32 s1, s30  }
0xc8: {  	s0 =	sor.u32 s4, s0;
	s1 =	sshll.u32 s1, $0x11  }
0xc9: {  	s0 =	sor.u32 s1, s0  }
0xca: {  	s0 =	sadd.s32 $0x8F2B, s0  }
0xcb: {  	[sflag:s0] =	ssyncadd.remote.s32 $0x1  }
0xcc: {  	_ =	sfence.sel $0xFFFF  }
0xcd: {  	[dreg:$0x0] =	wrdreg $0xFFFFFFFF;
	(pc) =	sbr.abs _section_cstart, $3  }
0xce: {  	[dreg:$0x1] =	wrdreg $0xFFFFFFFF  }
0xcf: {  	_ =	task.clear_ibuf [dreg:s22], $0x2FFFF;
	_ =	strace $0x9FFFFFFF  }
0xd0: {  	(tm) =	ssettm $0x7FFFFFFF  }
0xd1: {  	_ =	shalt  }
tec
execute0_lowered:
.L_overlay_start_1:
0x0: {  	(tag) =	ssettag $0x1  }
0x1: {  	s0 =	rddreg [dreg:$0x0]  }
0x2: {  	s2 =	simm.s32 $0x0;
	s1 =	srdreg.scid;
	s6 =	stileid.u32  }
0x3: {  	s28 =	simm.s32 $0x8800;
	s29 =	simm.s32 $0x9000;
	s30 =	simm.s32 $0x9800  }
0x4: {  	s31 =	simm.s32 $0xA000;
	s12 =	simm.s32 $0xB800;
	s13 =	simm.s32 $0xC000  }
0x5: {  	s14 =	simm.s32 $0xC800;
	s15 =	simm.s32 $0xD000;
	s16 =	simm.s32 $0xD800  }
0x6: {  	s17 =	simm.s32 $0xE000;
	s18 =	simm.s32 $0xE800;
	s19 =	simm.s32 $0xF000  }
0x7: {  	s20 =	simm.s32 $0xF800;
	s21 =	simm.s32 $0x10000;
	s22 =	simm.s32 $0x1  }
0x8: {  	s23 =	simm.s32 $0x3;
	[smem:$0x7FF] =	sst s2;
	s1 =	sand.u32 $0x1, s1  }
0x9: {  	s4 =	sshll.u32 s6, $0x9;
	s3 =	sadd.s32 $0x9800, s0;
	s6 =	sshll.u32 s6, $0xD  }
0xa: {  	_ =	strace $0x8000004D;
	s5 =	sshll.u32 s1, $0x8;
	s24 =	ssub.s32 $0x2, s1  }
0xb: {  	s8 =	sadd.s32 s6, s0;
	s6 =	sadd.s32 $0x9A00, s0;
	s1 =	sshll.u32 s1, $0xC  }
0xc: {  	s4 =	sor.u32 s5, s4;
	s7 =	sshrl.u32 s24, $0x1;
	s5 =	sadd.s32 $0x9900, s0  }
.Ltmp0:
0xd: {  	s26 =	sadd.s32 s1, s8;
	s1 =	simm.s32 $0xB000;
	(pc) =	sbr.rel .LBB2_1-.Ltmp0, $4  }
0xe: {  	s8 =	simm.s32 $0x0;
	s4 =	sadd.s32 s4, s0;
	s9 =	ssub.s32 s24, s7  }
0xf: {  	v2 =	vlaneseq.u32;
	s7 =	sadd.s32 $0x9B00, s0;
	s0 =	simm.s32 $0xA800;
	s4 =	sadd.s32 $0x3800, s4  }
0x10: {  	vm0 =	vmmov $0xffff;
	v1 =	vshrl.u32 v2, $0x3;
	s24 =	simm.s32 $0x2;
	s25 =	smax.u32 s9, $0x1;
	[dreg:$0x2] =	wrdreg s4  }
0x11: {  	v0 =	vand.u32 $0x7, v2;
	v2 =	vor.u32 $0x8, v2;
	v1 =	vmul.u32 $0x8, v1;
	s9 =	sadd.s32 $0x2A8C00, s26;
	[dreg:$0x3] =	wrdreg s25;
	s25 =	simm.s32 $0x4  }
.LBB2_4:
0x12: {  	s8 =	rddreg [dreg:$0x4]  }
0x13: {  	s4 =	rddreg [dreg:$0x3];
	s8 =	sadd.s32 $0x1, s8  }
0x14: {  	p0 =	sne.s32 s8, s4  }
.Ltmp1:
0x15: {  	_ = 	snop;
	(pc) =	sbr.rel @!p0 .LBB2_5-.Ltmp1, $1  }
0x16: {  	_ =	sdelay $0x3  }
.LBB2_1:
0x17: {  	[dreg:$0x4] =	wrdreg s8  }
0x18: {  	s4 =	rddreg [dreg:$0x2];
	s26 =	simm.s32 $0x5  }
0x19: {  	[tilespmem:s2], [sflag:$0x5] =	stream.linear.gather [hbm4b:s4+s2], $0x500, $0x38;
	[tilespmem:$0x10800] =	vst v63  }
0x1a: {  	_ =	swait.ge [sflag:s26], $0x500  }
0x1b: {  	[sflag:s26] =	ssyncset.done $0x0  }
0x1c: {  	[sflag:s26] =	ssyncadd.s32 $0xFFFFFB00  }
0x1d: {  	v3 =	vld [tilespmem:$0x0];
	_ =	sdelay $0x4  }
0x1e: {  	v4 =	vshll.u32 v3, $0x3  }
0x1f: {  	v3 =	vand.u32 $0x7, v3;
	v4 =	vand.u32 $0xFFFFFFC0, v4  }
0x20: {  	v3 =	vor.u32 v3, v4  }
0x21: {  	v4 =	vperm.xlane v3, v0;
	_ =	sdelay $0x1  }
0x22: {  	v4 =	vadd.s32 v1, v4;
	_ =	sdelay $0x3  }
0x23: {  	s8 =	simm.s32 $0x800  }
0x24: {  	[tilespmem:s8], [sflag:$0x1] =	stream.indirect_vreg.gather [hbm4b:s3+s2], $0x80, v4, vm0, $0xb8;
	[tilespmem:$0x10800] =	vst v63  }
0x25: {  	s10 =	simm.s32 $0x1000;
	v3 =	vperm.xlane v3, v2  }
0x26: {  	[tilespmem:s10], [sflag:$0x1] =	stream.indirect_vreg.gather [hbm4b:s5+s2], $0x80, v4, vm0, $0xb8;
	[tilespmem:$0x10800] =	vst v63  }
0x27: {  	s11 =	simm.s32 $0x1800;
	v3 =	vadd.s32 v1, v3  }
0x28: {  	[tilespmem:s11], [sflag:$0x1] =	stream.indirect_vreg.gather [hbm4b:s6+s2], $0x80, v4, vm0, $0xb8;
	[tilespmem:$0x10800] =	vst v63  }
0x29: {  	s26 =	simm.s32 $0x2000  }
0x2a: {  	[tilespmem:s26], [sflag:$0x1] =	stream.indirect_vreg.gather [hbm4b:s7+s2], $0x80, v4, vm0, $0xb8;
	[tilespmem:$0x10800] =	vst v63  }
0x2b: {  	s8 =	simm.s32 $0x2800  }
0x2c: {  	[tilespmem:s8], [sflag:$0x1] =	stream.indirect_vreg.gather [hbm4b:s3+s2], $0x80, v3, vm0, $0xb8;
	[tilespmem:$0x10800] =	vst v63  }
0x2d: {  	s10 =	simm.s32 $0x3000  }
0x2e: {  	[tilespmem:s10], [sflag:$0x1] =	stream.indirect_vreg.gather [hbm4b:s5+s2], $0x80, v3, vm0, $0xb8;
	[tilespmem:$0x10800] =	vst v63  }
0x2f: {  	s11 =	simm.s32 $0x3800  }
0x30: {  	[tilespmem:s11], [sflag:$0x1] =	stream.indirect_vreg.gather [hbm4b:s6+s2], $0x80, v3, vm0, $0xb8;
	[tilespmem:$0x10800] =	vst v63  }
0x31: {  	s26 =	simm.s32 $0x4000  }
0x32: {  	[tilespmem:s26], [sflag:$0x1] =	stream.indirect_vreg.gather [hbm4b:s7+s2], $0x80, v3, vm0, $0xb8;
	[tilespmem:$0x10800] =	vst v63  }
0x33: {  	v3 =	vld [tilespmem:$0x10];
	_ =	sdelay $0x4  }
0x34: {  	v61 =	vshll.u32 v3, $0x3  }
0x35: {  	v3 =	vand.u32 $0x7, v3;
	v4 =	vand.u32 $0xFFFFFFC0, v61  }
0x36: {  	v3 =	vor.u32 v3, v4  }
0x37: {  	v4 =	vperm.xlane v3, v0;
	_ =	sdelay $0x1  }
0x38: {  	v4 =	vadd.s32 v1, v4;
	_ =	sdelay $0x3  }
0x39: {  	s8 =	simm.s32 $0x4800  }
0x3a: {  	[tilespmem:s8], [sflag:$0x1] =	stream.indirect_vreg.gather [hbm4b:s3+s2], $0x80, v4, vm0, $0xb8;
	[tilespmem:$0x10800] =	vst v63  }
0x3b: {  	s10 =	simm.s32 $0x5000;
	v3 =	vperm.xlane v3, v2  }
0x3c: {  	[tilespmem:s10], [sflag:$0x1] =	stream.indirect_vreg.gather [hbm4b:s5+s2], $0x80, v4, vm0, $0xb8;
	[tilespmem:$0x10800] =	vst v63  }
0x3d: {  	s11 =	simm.s32 $0x5800;
	v3 =	vadd.s32 v1, v3  }
0x3e: {  	[tilespmem:s11], [sflag:$0x1] =	stream.indirect_vreg.gather [hbm4b:s6+s2], $0x80, v4, vm0, $0xb8;
	[tilespmem:$0x10800] =	vst v63  }
0x3f: {  	s26 =	simm.s32 $0x6000  }
0x40: {  	[tilespmem:s26], [sflag:$0x1] =	stream.indirect_vreg.gather [hbm4b:s7+s2], $0x80, v4, vm0, $0xb8;
	[tilespmem:$0x10800] =	vst v63  }
0x41: {  	s8 =	simm.s32 $0x6800  }
0x42: {  	[tilespmem:s8], [sflag:$0x1] =	stream.indirect_vreg.gather [hbm4b:s3+s2], $0x80, v3, vm0, $0xb8;
	[tilespmem:$0x10800] =	vst v63  }
0x43: {  	s10 =	simm.s32 $0x7000  }
0x44: {  	[tilespmem:s10], [sflag:$0x1] =	stream.indirect_vreg.gather [hbm4b:s5+s2], $0x80, v3, vm0, $0xb8;
	[tilespmem:$0x10800] =	vst v63  }
0x45: {  	s11 =	simm.s32 $0x7800  }
0x46: {  	[tilespmem:s11], [sflag:$0x1] =	stream.indirect_vreg.gather [hbm4b:s6+s2], $0x80, v3, vm0, $0xb8;
	[tilespmem:$0x10800] =	vst v63  }
0x47: {  	s26 =	simm.s32 $0x8000  }
0x48: {  	[tilespmem:s26], [sflag:$0x1] =	stream.indirect_vreg.gather [hbm4b:s7+s2], $0x80, v3, vm0, $0xb8;
	[tilespmem:$0x10800] =	vst v63  }
0x49: {  	v3 =	vld [tilespmem:$0x80];
	_ =	sdelay $0x4  }
0x4a: {  	v62 =	vshll.u32 v3, $0x3  }
0x4b: {  	v3 =	vand.u32 $0x7, v3;
	v4 =	vand.u32 $0xFFFFFFC0, v62  }
0x4c: {  	v3 =	vor.u32 v3, v4  }
0x4d: {  	v4 =	vperm.xlane v3, v0;
	_ =	sdelay $0x1  }
0x4e: {  	v4 =	vadd.s32 v1, v4;
	_ =	sdelay $0x4  }
0x4f: {  	[tilespmem:s28], [sflag:$0x2] =	stream.indirect_vreg.gather [hbm4b:s3+s2], $0x80, v4, vm0, $0xb8;
	[tilespmem:$0x10800] =	vst v63  }
0x50: {  	v3 =	vperm.xlane v3, v2  }
0x51: {  	[tilespmem:s29], [sflag:$0x2] =	stream.indirect_vreg.gather [hbm4b:s5+s2], $0x80, v4, vm0, $0xb8;
	[tilespmem:$0x10800] =	vst v63  }
0x52: {  	v3 =	vadd.s32 v1, v3  }
0x53: {  	[tilespmem:s30], [sflag:$0x2] =	stream.indirect_vreg.gather [hbm4b:s6+s2], $0x80, v4, vm0, $0xb8;
	[tilespmem:$0x10800] =	vst v63  }
0x54: {  	_ = 	snop  }
0x55: {  	[tilespmem:s31], [sflag:$0x2] =	stream.indirect_vreg.gather [hbm4b:s7+s2], $0x80, v4, vm0, $0xb8;
	[tilespmem:$0x10800] =	vst v63  }
0x56: {  	_ = 	snop  }
0x57: {  	[tilespmem:s0], [sflag:$0x2] =	stream.indirect_vreg.gather [hbm4b:s3+s2], $0x80, v3, vm0, $0xb8;
	[tilespmem:$0x10800] =	vst v63  }
0x58: {  	_ = 	snop  }
0x59: {  	[tilespmem:s1], [sflag:$0x2] =	stream.indirect_vreg.gather [hbm4b:s5+s2], $0x80, v3, vm0, $0xb8;
	[tilespmem:$0x10800] =	vst v63  }
0x5a: {  	_ = 	snop  }
0x5b: {  	[tilespmem:s12], [sflag:$0x2] =	stream.indirect_vreg.gather [hbm4b:s6+s2], $0x80, v3, vm0, $0xb8;
	[tilespmem:$0x10800] =	vst v63  }
0x5c: {  	_ = 	snop  }
0x5d: {  	[tilespmem:s13], [sflag:$0x2] =	stream.indirect_vreg.gather [hbm4b:s7+s2], $0x80, v3, vm0, $0xb8;
	[tilespmem:$0x10800] =	vst v63  }
0x5e: {  	v3 =	vld [tilespmem:$0x90];
	_ =	sdelay $0x4  }
0x5f: {  	v63 =	vshll.u32 v3, $0x3  }
0x60: {  	v3 =	vand.u32 $0x7, v3;
	v4 =	vand.u32 $0xFFFFFFC0, v63  }
0x61: {  	v3 =	vor.u32 v3, v4  }
0x62: {  	v4 =	vperm.xlane v3, v0;
	_ =	sdelay $0x1  }
0x63: {  	v4 =	vadd.s32 v1, v4;
	_ =	sdelay $0x4  }
0x64: {  	[tilespmem:s14], [sflag:$0x2] =	stream.indirect_vreg.gather [hbm4b:s3+s2], $0x80, v4, vm0, $0xb8;
	[tilespmem:$0x10800] =	vst v63  }
0x65: {  	v3 =	vperm.xlane v3, v2  }
0x66: {  	[tilespmem:s15], [sflag:$0x2] =	stream.indirect_vreg.gather [hbm4b:s5+s2], $0x80, v4, vm0, $0xb8;
	[tilespmem:$0x10800] =	vst v63  }
0x67: {  	v3 =	vadd.s32 v1, v3  }
0x68: {  	[tilespmem:s16], [sflag:$0x2] =	stream.indirect_vreg.gather [hbm4b:s6+s2], $0x80, v4, vm0, $0xb8;
	[tilespmem:$0x10800] =	vst v63  }
0x69: {  	_ = 	snop  }
0x6a: {  	[tilespmem:s17], [sflag:$0x2] =	stream.indirect_vreg.gather [hbm4b:s7+s2], $0x80, v4, vm0, $0xb8;
	[tilespmem:$0x10800] =	vst v63  }
0x6b: {  	_ = 	snop  }
0x6c: {  	[tilespmem:s18], [sflag:$0x2] =	stream.indirect_vreg.gather [hbm4b:s3+s2], $0x80, v3, vm0, $0xb8;
	[tilespmem:$0x10800] =	vst v63  }
0x6d: {  	_ = 	snop  }
0x6e: {  	[tilespmem:s19], [sflag:$0x2] =	stream.indirect_vreg.gather [hbm4b:s5+s2], $0x80, v3, vm0, $0xb8;
	[tilespmem:$0x10800] =	vst v63  }
0x6f: {  	_ = 	snop  }
0x70: {  	[tilespmem:s20], [sflag:$0x2] =	stream.indirect_vreg.gather [hbm4b:s6+s2], $0x80, v3, vm0, $0xb8;
	[tilespmem:$0x10800] =	vst v63  }
0x71: {  	s4 =	simm.s32 $0x190;
	s8 =	simm.s32 $0x0  }
0x72: {  	[tilespmem:s21], [sflag:$0x2] =	stream.indirect_vreg.gather [hbm4b:s7+s2], $0x80, v3, vm0, $0xb8;
	[tilespmem:$0x10800] =	vst v63  }
.LBB2_2:
0x73: {  	_ =	swait.ge [sflag:s22], $0x8000  }
0x74: {  	[sflag:s22] =	ssyncset.done $0x0  }
0x75: {  	s10 =	sadd.s32 s8, s9;
	s11 =	simm.s32 $0x800;
	[sflag:s22] =	ssyncadd.s32 $0xFFFF8000  }
0x76: {  	[hbm4b:s10+s2] =	stream.linear.scatter [tilespmem:s11], [sflag:$0x3], $0x8000, $0x38;
	[tilespmem:$0x10800] =	vst v63  }
0x77: {  	_ =	swait.ge [sflag:s23], $0x8000  }
0x78: {  	[sflag:s23] =	ssyncset.done $0x0  }
0x79: {  	p0 =	seq.s32 s8, $0x100000;
	[sflag:s23] =	ssyncadd.s32 $0xFFFF8000  }
0x7a: {  	v3 =	vld @!p0 [tilespmem:s4+$0xFFFFFF70];
	_ =	sdelay $0x4  }
0x7b: {  	v4 =	vshll.u32 @!p0 v3, $0x3  }
0x7c: {  	v5 =	vlaneseq.u32 @!p0;
	v3 =	vand.u32 @!p0 $0x7, v3;
	v4 =	vand.u32 @!p0 $0xFFFFFFC0, v4  }
0x7d: {  	v6 =	vshrl.u32 @!p0 v5, $0x3;
	v3 =	vor.u32 @!p0 v3, v4;
	v4 =	vand.u32 @!p0 $0x7, v5  }
0x7e: {  	v6 =	vmul.u32 @!p0 $0x8, v6;
	v7 =	vperm.xlane @!p0 v3, v4;
	_ =	sdelay $0x1  }
0x7f: {  	v7 =	vadd.s32 @!p0 v6, v7;
	_ =	sdelay $0x3  }
0x80: {  	vm1 =	vmmov @!p0 $0xffff;
	s26 =	simm.s32 @!p0 $0x0;
	s11 =	simm.s32 @!p0 $0x800  }
0x81: {  	v5 =	vor.u32 @!p0 $0x8, v5;
	[tilespmem:s11], [sflag:$0x1] =	stream.indirect_vreg.gather @!p0 [hbm4b:s3+s26], $0x80, v7, vm1, $0xb8;
	[tilespmem:$0x10800] =	vst v63  }
0x82: {  	v3 =	vperm.xlane @!p0 v3, v5;
	s11 =	simm.s32 @!p0 $0x1000  }
0x83: {  	[tilespmem:s11], [sflag:$0x1] =	stream.indirect_vreg.gather @!p0 [hbm4b:s5+s26], $0x80, v7, vm1, $0xb8;
	[tilespmem:$0x10800] =	vst v63  }
0x84: {  	v3 =	vadd.s32 @!p0 v6, v3;
	s11 =	simm.s32 @!p0 $0x1800  }
0x85: {  	[tilespmem:s11], [sflag:$0x1] =	stream.indirect_vreg.gather @!p0 [hbm4b:s6+s26], $0x80, v7, vm1, $0xb8;
	[tilespmem:$0x10800] =	vst v63  }
0x86: {  	s11 =	simm.s32 @!p0 $0x2000  }
0x87: {  	[tilespmem:s11], [sflag:$0x1] =	stream.indirect_vreg.gather @!p0 [hbm4b:s7+s26], $0x80, v7, vm1, $0xb8;
	[tilespmem:$0x10800] =	vst v63  }
0x88: {  	s11 =	simm.s32 @!p0 $0x2800  }
0x89: {  	[tilespmem:s11], [sflag:$0x1] =	stream.indirect_vreg.gather @!p0 [hbm4b:s3+s26], $0x80, v3, vm1, $0xb8;
	[tilespmem:$0x10800] =	vst v63  }
0x8a: {  	s11 =	simm.s32 @!p0 $0x3000  }
0x8b: {  	[tilespmem:s11], [sflag:$0x1] =	stream.indirect_vreg.gather @!p0 [hbm4b:s5+s26], $0x80, v3, vm1, $0xb8;
	[tilespmem:$0x10800] =	vst v63  }
0x8c: {  	s11 =	simm.s32 @!p0 $0x3800  }
0x8d: {  	[tilespmem:s11], [sflag:$0x1] =	stream.indirect_vreg.gather @!p0 [hbm4b:s6+s26], $0x80, v3, vm1, $0xb8;
	[tilespmem:$0x10800] =	vst v63  }
0x8e: {  	s11 =	simm.s32 @!p0 $0x4000  }
0x8f: {  	[tilespmem:s11], [sflag:$0x1] =	stream.indirect_vreg.gather @!p0 [hbm4b:s7+s26], $0x80, v3, vm1, $0xb8;
	[tilespmem:$0x10800] =	vst v63  }
0x90: {  	v3 =	vld @!p0 [tilespmem:s4+$0xFFFFFF80];
	_ =	sdelay $0x4  }
0x91: {  	v7 =	vshll.u32 @!p0 v3, $0x3  }
0x92: {  	v3 =	vand.u32 @!p0 $0x7, v3;
	v7 =	vand.u32 @!p0 $0xFFFFFFC0, v7  }
0x93: {  	v3 =	vor.u32 @!p0 v3, v7  }
0x94: {  	v4 =	vperm.xlane @!p0 v3, v4;
	_ =	sdelay $0x1  }
0x95: {  	v4 =	vadd.s32 @!p0 v6, v4;
	_ =	sdelay $0x3  }
0x96: {  	s11 =	simm.s32 @!p0 $0x4800  }
0x97: {  	[tilespmem:s11], [sflag:$0x1] =	stream.indirect_vreg.gather @!p0 [hbm4b:s3+s26], $0x80, v4, vm1, $0xb8;
	[tilespmem:$0x10800] =	vst v63  }
0x98: {  	v3 =	vperm.xlane @!p0 v3, v5;
	s11 =	simm.s32 @!p0 $0x5000  }
0x99: {  	[tilespmem:s11], [sflag:$0x1] =	stream.indirect_vreg.gather @!p0 [hbm4b:s5+s26], $0x80, v4, vm1, $0xb8;
	[tilespmem:$0x10800] =	vst v63  }
0x9a: {  	v3 =	vadd.s32 @!p0 v6, v3;
	s11 =	simm.s32 @!p0 $0x5800  }
0x9b: {  	[tilespmem:s11], [sflag:$0x1] =	stream.indirect_vreg.gather @!p0 [hbm4b:s6+s26], $0x80, v4, vm1, $0xb8;
	[tilespmem:$0x10800] =	vst v63  }
0x9c: {  	s11 =	simm.s32 @!p0 $0x6000  }
0x9d: {  	[tilespmem:s11], [sflag:$0x1] =	stream.indirect_vreg.gather @!p0 [hbm4b:s7+s26], $0x80, v4, vm1, $0xb8;
	[tilespmem:$0x10800] =	vst v63  }
0x9e: {  	s11 =	simm.s32 @!p0 $0x6800  }
0x9f: {  	[tilespmem:s11], [sflag:$0x1] =	stream.indirect_vreg.gather @!p0 [hbm4b:s3+s26], $0x80, v3, vm1, $0xb8;
	[tilespmem:$0x10800] =	vst v63  }
0xa0: {  	s11 =	simm.s32 @!p0 $0x7000  }
0xa1: {  	[tilespmem:s11], [sflag:$0x1] =	stream.indirect_vreg.gather @!p0 [hbm4b:s5+s26], $0x80, v3, vm1, $0xb8;
	[tilespmem:$0x10800] =	vst v63  }
0xa2: {  	s11 =	simm.s32 @!p0 $0x7800  }
0xa3: {  	[tilespmem:s11], [sflag:$0x1] =	stream.indirect_vreg.gather @!p0 [hbm4b:s6+s26], $0x80, v3, vm1, $0xb8;
	[tilespmem:$0x10800] =	vst v63  }
0xa4: {  	s11 =	simm.s32 @!p0 $0x8000  }
0xa5: {  	[tilespmem:s11], [sflag:$0x1] =	stream.indirect_vreg.gather @!p0 [hbm4b:s7+s26], $0x80, v3, vm1, $0xb8;
	[tilespmem:$0x10800] =	vst v63  }
0xa6: {  	_ =	swait.ge [sflag:s24], $0x8000  }
0xa7: {  	[sflag:s24] =	ssyncset.done $0x0  }
.Ltmp2:
0xa8: {  	s10 =	sadd.s32 $0x20000, s10;
	[sflag:s24] =	ssyncadd.s32 $0xFFFF8000;
	(pc) =	sbr.rel @p0 .LBB2_4-.Ltmp2, $4  }
0xa9: {  	[hbm4b:s10+s2] =	stream.linear.scatter [tilespmem:s28], [sflag:$0x4], $0x8000, $0x38;
	[tilespmem:$0x10800] =	vst v63  }
0xaa: {  	_ =	swait.ge [sflag:s25], $0x8000  }
0xab: {  	[sflag:s25] =	ssyncset.done $0x0  }
0xac: {  	[sflag:s25] =	ssyncadd.s32 $0xFFFF8000  }
0xad: {  	v3 =	vld [tilespmem:s4+$0xFFFFFFF0];
	_ =	sdelay $0x4  }
0xae: {  	v4 =	vshll.u32 v3, $0x3  }
0xaf: {  	v3 =	vand.u32 $0x7, v3;
	v4 =	vand.u32 $0xFFFFFFC0, v4  }
0xb0: {  	v3 =	vor.u32 v3, v4  }
0xb1: {  	v4 =	vperm.xlane v3, v0;
	_ =	sdelay $0x1  }
0xb2: {  	v4 =	vadd.s32 v1, v4;
	_ =	sdelay $0x4  }
0xb3: {  	[tilespmem:s28], [sflag:$0x2] =	stream.indirect_vreg.gather [hbm4b:s3+s2], $0x80, v4, vm0, $0xb8;
	[tilespmem:$0x10800] =	vst v63  }
0xb4: {  	v3 =	vperm.xlane v3, v2  }
0xb5: {  	[tilespmem:s29], [sflag:$0x2] =	stream.indirect_vreg.gather [hbm4b:s5+s2], $0x80, v4, vm0, $0xb8;
	[tilespmem:$0x10800] =	vst v63  }
0xb6: {  	v3 =	vadd.s32 v1, v3  }
0xb7: {  	[tilespmem:s30], [sflag:$0x2] =	stream.indirect_vreg.gather [hbm4b:s6+s2], $0x80, v4, vm0, $0xb8;
	[tilespmem:$0x10800] =	vst v63  }
0xb8: {  	_ = 	snop  }
0xb9: {  	[tilespmem:s31], [sflag:$0x2] =	stream.indirect_vreg.gather [hbm4b:s7+s2], $0x80, v4, vm0, $0xb8;
	[tilespmem:$0x10800] =	vst v63  }
0xba: {  	_ = 	snop  }
0xbb: {  	[tilespmem:s0], [sflag:$0x2] =	stream.indirect_vreg.gather [hbm4b:s3+s2], $0x80, v3, vm0, $0xb8;
	[tilespmem:$0x10800] =	vst v63  }
0xbc: {  	_ = 	snop  }
0xbd: {  	[tilespmem:s1], [sflag:$0x2] =	stream.indirect_vreg.gather [hbm4b:s5+s2], $0x80, v3, vm0, $0xb8;
	[tilespmem:$0x10800] =	vst v63  }
0xbe: {  	_ = 	snop  }
0xbf: {  	[tilespmem:s12], [sflag:$0x2] =	stream.indirect_vreg.gather [hbm4b:s6+s2], $0x80, v3, vm0, $0xb8;
	[tilespmem:$0x10800] =	vst v63  }
0xc0: {  	_ = 	snop  }
0xc1: {  	[tilespmem:s13], [sflag:$0x2] =	stream.indirect_vreg.gather [hbm4b:s7+s2], $0x80, v3, vm0, $0xb8;
	[tilespmem:$0x10800] =	vst v63  }
0xc2: {  	v3 =	vld [tilespmem:s4+$0x0];
	_ =	sdelay $0x4  }
0xc3: {  	v63 =	vshll.u32 v3, $0x3  }
0xc4: {  	v3 =	vand.u32 $0x7, v3;
	v4 =	vand.u32 $0xFFFFFFC0, v63  }
0xc5: {  	v3 =	vor.u32 v3, v4  }
0xc6: {  	v4 =	vperm.xlane v3, v0;
	_ =	sdelay $0x1  }
0xc7: {  	v4 =	vadd.s32 v1, v4;
	_ =	sdelay $0x4  }
0xc8: {  	[tilespmem:s14], [sflag:$0x2] =	stream.indirect_vreg.gather [hbm4b:s3+s2], $0x80, v4, vm0, $0xb8;
	[tilespmem:$0x10800] =	vst v63  }
0xc9: {  	v3 =	vperm.xlane v3, v2  }
0xca: {  	[tilespmem:s15], [sflag:$0x2] =	stream.indirect_vreg.gather [hbm4b:s5+s2], $0x80, v4, vm0, $0xb8;
	[tilespmem:$0x10800] =	vst v63  }
0xcb: {  	v3 =	vadd.s32 v1, v3  }
0xcc: {  	[tilespmem:s16], [sflag:$0x2] =	stream.indirect_vreg.gather [hbm4b:s6+s2], $0x80, v4, vm0, $0xb8;
	[tilespmem:$0x10800] =	vst v63  }
0xcd: {  	_ = 	snop  }
0xce: {  	[tilespmem:s17], [sflag:$0x2] =	stream.indirect_vreg.gather [hbm4b:s7+s2], $0x80, v4, vm0, $0xb8;
	[tilespmem:$0x10800] =	vst v63  }
0xcf: {  	_ = 	snop  }
0xd0: {  	[tilespmem:s18], [sflag:$0x2] =	stream.indirect_vreg.gather [hbm4b:s3+s2], $0x80, v3, vm0, $0xb8;
	[tilespmem:$0x10800] =	vst v63  }
0xd1: {  	_ = 	snop  }
0xd2: {  	[tilespmem:s19], [sflag:$0x2] =	stream.indirect_vreg.gather [hbm4b:s5+s2], $0x80, v3, vm0, $0xb8;
	[tilespmem:$0x10800] =	vst v63  }
.Ltmp3:
0xd3: {  	_ = 	snop;
	(pc) =	sbr.rel .LBB2_2-.Ltmp3, $4  }
0xd4: {  	_ = 	snop  }
0xd5: {  	[tilespmem:s20], [sflag:$0x2] =	stream.indirect_vreg.gather [hbm4b:s6+s2], $0x80, v3, vm0, $0xb8;
	[tilespmem:$0x10800] =	vst v63  }
0xd6: {  	s8 =	sadd.s32 $0x40000, s8;
	s4 =	sadd.s32 $0x100, s4  }
0xd7: {  	[tilespmem:s21], [sflag:$0x2] =	stream.indirect_vreg.gather [hbm4b:s7+s2], $0x80, v3, vm0, $0xb8;
	[tilespmem:$0x10800] =	vst v63  }
.LBB2_5:
0xd8: {  	_ =	sfence.sel $0x180000  }
0xd9: {  	[bflag:$0x0] =	sbarrier.arrive $0xFFFF  }
0xda: {  	_ =	strace $0x9000004D  }
0xdb: {  	s0 =	stileid.u32;
	[bflag:$0x2] =	sbarrier.arrive $0xFFFF  }
0xdc: {  	p0 =	sne.s32 s0, $0x0;
	s0 =	rddreg [dreg:$0x1]  }
0xdd: {  	s0 =	sadd.s32 @!p0 $0x100000, s0  }
0xde: {  	[sflag:s0] =	ssyncadd.tile.s32 @!p0 $0x1;
	_ =	shalt  }
.Lfunc_end2:
_tile_overlayer_lowered:
.L_overlay_start_2:
0xdf: {  	(tag) =	ssettag $0x2  }
0xe0: {  	s0 =	rddreg [dreg:$0x0];
	s2 =	stileid.u32  }
0xe1: {  	s1 =	rddreg [dreg:$0x1];
	p0 =	sne.s32 s2, $0x0  }
0xe2: {  	s3 =	rddreg [dreg:$0x2];
	[bflag:$0x3] =	sbarrier.arrive $0xFFFF;
	s2 =	simm.s32 @!p0 $0x1C05  }
0xe3: {  	[timem:s3], [sflag:s2] =	dma.local @!p0 [hbm:s0], s1  }
0xe4: {  	s0 =	simm.s32 @!p0 $0x5  }
0xe5: {  	_ =	swait.ge @!p0 [sflag:s0], s1  }
0xe6: {  	s1 =	ssub.s32 @!p0 $0x0, s1;
	[sflag:s0] =	ssyncset.done @!p0 $0x0  }
0xe7: {  	[sflag:s0] =	ssyncadd.s32 @!p0 s1  }
0xe8: {  	[bflag:$0x3] =	sbarrier.arrive $0xFFFF  }
0xe9: {  	_ =	shalt  }

// kernel: kernel.22.cloned.1.call-start
scs
__scs_entry_jumppad:
0x0: {  	(pc) =	sbr.rel $0x88, $3  }
0x1: {  	(tag) =	ssettag $0x0;
	lr =	simm.s32 $0x1  }
0x2: {  	[smem:$0x3F9D] =	sst lr;
	_ =	strace $0xD0000000  }
0x3: {  	_ = 	snop  }
0x4: {  	_ = 	snop  }
0x5: {  	_ = 	snop  }
0x6: {  	_ = 	snop  }
0x7: {  	_ = 	snop  }
__scs_overlays_trampoline_lowered:
0x8: {  	[smem:$0x3FAC] =	sst s0  }
0x9: {  	[smem:$0x3FAD] =	sst s1  }
0xa: {  	[smem:$0x3FAE] =	sst s2  }
0xb: {  	[smem:$0x3FAF] =	sst s3  }
0xc: {  	[smem:$0x3FB0] =	sst s4  }
0xd: {  	[smem:$0x3FB1] =	sst s5  }
0xe: {  	[smem:$0x3FB2] =	sst s6  }
0xf: {  	[smem:$0x3FB3] =	sst s7  }
0x10: {  	[smem:$0x3FB4] =	sst s8  }
0x11: {  	[smem:$0x3FB5] =	sst s9;
	s0 =	simm.s32 @!p0 $0x0  }
0x12: {  	s1 =	sld [smem:$0x3F9B];
	s0 =	simm.s32 @p0 $0x1  }
0x13: {  	[smem:$0x3FB6] =	sst s0;
	s0 =	simm.s32 @!p1 $0x0  }
0x14: {  	s2 =	sld [smem:$0x3F9A];
	s0 =	simm.s32 @p1 $0x1  }
0x15: {  	[smem:$0x3FB7] =	sst s0;
	s0 =	simm.s32 @!p2 $0x0  }
0x16: {  	s3 =	sld [smem:$0x3FDB];
	s0 =	simm.s32 @p2 $0x1  }
0x17: {  	s4 =	simm.s32 $0x1BF5;
	[smem:$0x3FB9] =	sst s0  }
0x18: {  	s0 =	sld [smem:$0x3F9C];
	_ =	swait.ge [sflag:s4], $0x0  }
0x19: {  	s7 =	sld [smem:$0x3F9D]  }
0x1a: {  	s8 =	sadd.s32 $0xFFFFE003, lr  }
0x1b: {  	s9 =	sadd.s32 $0xFFFFFEF7, lr;
	s5 =	simm.s32 $0xFFFFFFFF;
	p2 =	slt.u32 s8, $0xFFFFF086  }
0x1c: {  	p1 =	slt.u32 s9, $0xF7A;
	s5 =	simm.s32 @!p2 $0x0  }
0x1d: {  	s5 =	simm.s32 @p1 $0x1;
	p0 =	seq.s32 s7, s2  }
0x1e: {  	s7 =	smul.u32 @!p0 $0xF7A, s2;
	p2 =	seq.s32 @!p0 s5, $0x0  }
0x1f: {  	s9 =	smul.u32 $0xF7A, s1;
	s8 =	simm.s32 @!p0 $0x1BF5;
	p2 =	por !p2, p0  }
0x20: {  	[sflag:s8] =	ssyncset.s32 @!p0 $0xFFFFF086;
	s6 =	sadd.s32 @!p0 s3, s7;
	s7 =	simm.s32 @!p0 $0x108  }
0x21: {  	s3 =	sadd.s32 s3, s9;
	s6 =	sadd.s32 @!p0 $0x88, s6;
	s7 =	simm.s32 @p2 $0x1082  }
0x22: {  	[simem:s7], [sflag:s8] =	dma.local @!p0 [hbm:s6], $0xF7A  }
0x23: {  	s9 =	sor.u32 $0xD0000000, s2;
	s6 =	simm.s32 $0x108;
	_ =	swait.ge @!p0 [sflag:s8], $0x0  }
0x24: {  	s3 =	sadd.s32 $0x88, s3;
	s6 =	simm.s32 @!p1 $0x1082;
	[sflag:s4] =	ssyncset.s32 $0xFFFFF086  }
0x25: {  	[simem:s6], [sflag:s4] =	dma.local [hbm:s3], $0xF7A  }
0x26: {  	[smem:$0x3F9D] =	sst s1;
	(tag) =	ssettag s2;
	_ =	strace s9  }
0x27: {  	s1 =	sld [smem:$0x3FAD]  }
0x28: {  	s2 =	sld [smem:$0x3FAE]  }
0x29: {  	s4 =	sld [smem:$0x3FB0]  }
0x2a: {  	p0 =	seq.s32 s5, $0x0;
	s5 =	sld [smem:$0x3FB1]  }
0x2b: {  	s6 =	sld [smem:$0x3FB2]  }
0x2c: {  	s7 =	sld [smem:$0x3FB3]  }
0x2d: {  	s3 =	simm.s32 $0x108;
	s8 =	sld [smem:$0x3FB4]  }
0x2e: {  	s3 =	simm.s32 @!p0 $0x1082;
	s9 =	sld [smem:$0x3FB5]  }
0x2f: {  	lr =	sadd.s32 s0, s3;
	s0 =	sld [smem:$0x3FAC]  }
0x30: {  	s3 =	sld [smem:$0x3FAF]  }
0x31: {  	[smem:$0x3FB8] =	sst s10  }
0x32: {  	s10 =	sld [smem:$0x3FB6];
	_ =	sdelay $0x3  }
0x33: {  	p0 =	seq.s32 s10, $0x1;
	s10 =	sld [smem:$0x3FB8];
	_ =	sdelay $0x3  }
0x34: {  	[smem:$0x3FB8] =	sst s10  }
0x35: {  	s10 =	sld [smem:$0x3FB7];
	_ =	sdelay $0x3  }
0x36: {  	p1 =	seq.s32 s10, $0x1;
	s10 =	sld [smem:$0x3FB8];
	_ =	sdelay $0x3  }
0x37: {  	[smem:$0x3FB8] =	sst s10  }
0x38: {  	s10 =	sld [smem:$0x3FB9]  }
0x39: {  	_ = 	snop;
	(pc) =	sbr.ind lr, $3  }
0x3a: {  	_ = 	snop  }
0x3b: {  	_ = 	snop  }
0x3c: {  	p2 =	seq.s32 s10, $0x1;
	s10 =	sld [smem:$0x3FB8]  }
0x3d: {  	_ =	shalt  }
0x3e: {  	_ =	shalt  }
0x3f: {  	_ =	shalt  }
0x40: {  	_ =	shalt  }
0x41: {  	_ =	shalt  }
0x42: {  	_ =	shalt  }
0x43: {  	_ =	shalt  }
0x44: {  	_ =	shalt  }
0x45: {  	_ =	shalt  }
0x46: {  	_ =	shalt  }
0x47: {  	_ =	shalt  }
0x48: {  	_ =	shalt  }
0x49: {  	_ =	shalt  }
0x4a: {  	_ =	shalt  }
0x4b: {  	_ =	shalt  }
0x4c: {  	_ =	shalt  }
0x4d: {  	_ =	shalt  }
0x4e: {  	_ =	shalt  }
0x4f: {  	_ =	shalt  }
0x50: {  	_ =	shalt  }
0x51: {  	_ =	shalt  }
0x52: {  	_ =	shalt  }
0x53: {  	_ =	shalt  }
0x54: {  	_ =	shalt  }
0x55: {  	_ =	shalt  }
0x56: {  	_ =	shalt  }
0x57: {  	_ =	shalt  }
0x58: {  	_ =	shalt  }
0x59: {  	_ =	shalt  }
0x5a: {  	_ =	shalt  }
0x5b: {  	_ =	shalt  }
0x5c: {  	_ =	shalt  }
0x5d: {  	_ =	shalt  }
0x5e: {  	_ =	shalt  }
0x5f: {  	_ =	shalt  }
0x60: {  	_ =	shalt  }
0x61: {  	_ =	shalt  }
0x62: {  	_ =	shalt  }
0x63: {  	_ =	shalt  }
0x64: {  	_ =	shalt  }
0x65: {  	_ =	shalt  }
0x66: {  	_ =	shalt  }
0x67: {  	_ =	shalt  }
0x68: {  	_ =	shalt  }
0x69: {  	_ =	shalt  }
0x6a: {  	_ =	shalt  }
0x6b: {  	_ =	shalt  }
0x6c: {  	_ =	shalt  }
0x6d: {  	_ =	shalt  }
0x6e: {  	_ =	shalt  }
0x6f: {  	_ =	shalt  }
0x70: {  	_ =	shalt  }
0x71: {  	_ =	shalt  }
0x72: {  	_ =	shalt  }
0x73: {  	_ =	shalt  }
0x74: {  	_ =	shalt  }
0x75: {  	_ =	shalt  }
0x76: {  	_ =	shalt  }
0x77: {  	_ =	shalt  }
0x78: {  	_ =	shalt  }
0x79: {  	_ =	shalt  }
0x7a: {  	_ =	shalt  }
0x7b: {  	_ =	shalt  }
0x7c: {  	_ =	shalt  }
0x7d: {  	_ =	shalt  }
0x7e: {  	_ =	shalt  }
0x7f: {  	_ =	shalt  }
0x80: {  	_ =	shalt  }
0x81: {  	_ =	shalt  }
0x82: {  	_ =	shalt  }
0x83: {  	_ =	shalt  }
0x84: {  	_ =	shalt  }
0x85: {  	_ =	shalt  }
0x86: {  	_ =	shalt  }
0x87: {  	_ =	shalt  }
.Lfunc_end0:
.L_simem_size_0:
called_computation.3_lowered:
.L_overlay_start_0:
0x88: {  	s2 =	sld [smem:$0x3FD9]  }
0x89: {  	s3 =	sld [smem:$0x3FFE];
	_ =	sdelay $0x1  }
0x8a: {  	s1 =	srdreg.scid  }
0x8b: {  	s0 =	sand.u32 $0x1, s1  }
0x8c: {  	s17 =	sshll.u32 s0, $0xA;
	s2 =	sadd.s32 s3, s2  }
0x8d: {  	s2 =	sadd.s32 s2, s17  }
0x8e: {  	[smem:$0x3FC4] =	sst s2  }
0x8f: {  	_ = 	snop  }
0x90: {  	(tm) =	ssettm $0x1  }
0x91: {  	s18 =	sld [smem:$0x3FFB];
	_ =	sdelay $0x3  }
0x92: {  	_ =	strace s18  }
0x93: {  	s2 =	sld [smem:$0x3FFC];
	_ =	sdelay $0x3  }
0x94: {  	_ =	strace s2  }
0x95: {  	s2 =	sld [smem:$0x3FFD];
	_ =	sdelay $0x3  }
0x96: {  	_ =	strace s2  }
0x97: {  	_ =	strace $0x8FFFFFFF  }
0x98: {  	s19 =	sld [smem:$0x3FDB];
	_ =	sdelay $0x1  }
0x99: {  	s20 =	simm.s32 $_scs_section_size  }
0x9a: {  	s4 =	simm.s32 $_size__tile_overlayer_lowered;
	s5 =	simm.s32 $_tile_overlayer_lowered  }
0x9b: {  	s6 =	simm.s32 $0x1BFF;
	s21 =	sshll.u32 s5, $0x1;
	s3 =	sadd.s32 s20, s19  }
0x9c: {  	s22 =	simm.s32 $0x0;
	s4 =	sshll.u32 s4, $0x1;
	s5 =	sadd.s32 s21, s3  }
0x9d: {  	[timem:s22], [sflag:s6] =	dma.local [hbm:s5], s4  }
0x9e: {  	_ =	swait.ge [sflag:s6], s4  }
0x9f: {  	s4 =	ssub.s32 $0x0, s4;
	[sflag:s6] =	ssyncset.done $0x0  }
0xa0: {  	[sflag:s6] =	ssyncadd.s32 s4;
	_ =	sdelay $0x1  }
0xa1: {  	s23 =	simm.s32 $0x1B8B  }
0xa2: {  	_ =	swait.ge [sflag:s23], $0x1  }
0xa3: {  	[sflag:s23] =	ssyncset.done $0x0  }
0xa4: {  	[sflag:s23] =	ssyncadd.s32 $0xFFFFFFFF  }
0xa5: {  	s4 =	sld [smem:$0x0]  }
0xa6: {  	s5 =	sand.u32 $0xFFFFFFFE, s1  }
0xa7: {  	p0 =	sne.s32 s1, s5  }
0xa8: {  	s5 =	sshll.u32 @p0 s5, $0xE  }
0xa9: {  	s5 =	sadd.s32 @p0 $0x11B8D, s5;
	s6 =	sshll.u32 @p0 s4, $0x11  }
0xaa: {  	s5 =	sor.u32 @p0 s6, s5  }
0xab: {  	[sflag:s5] =	ssyncadd.remote.s32 @p0 $0x1;
	_ =	sdelay $0x1  }
0xac: {  	s5 =	simm.s32 @p0 $0x1B8D  }
0xad: {  	_ =	swait.eq @p0 [sflag:s5], $0x1  }
0xae: {  	[sflag:s5] =	ssyncadd.s32 @p0 $0xFFFFFFFF  }
0xaf: {  	s6 =	sshll.u32 @!p0 s1, $0xE  }
0xb0: {  	s6 =	sor.u32 @!p0 $0x4000, s6;
	s5 =	simm.s32 @!p0 $0x1B8D  }
0xb1: {  	s4 =	sshll.u32 @!p0 s4, $0x11;
	s6 =	sadd.s32 @!p0 $0x11B8D, s6;
	_ =	swait.eq @!p0 [sflag:s5], $0x1  }
0xb2: {  	s4 =	sor.u32 @!p0 s4, s6;
	[sflag:s5] =	ssyncadd.s32 @!p0 $0xFFFFFFFF  }
0xb3: {  	s25 =	simm.s32 $0x1B8E;
	s24 =	sld [smem:$0x3FFE];
	[sflag:s4] =	ssyncadd.remote.s32 @!p0 $0x1  }
0xb4: {  	s26 =	simm.s32 $execute0_lowered;
	[smem:$0x3FD2] =	sst s25  }
0xb5: {  	s5 =	sshll.u32 s26, $0x1;
	_ =	strace $0x8000004F;
	[dreg:$0x1] =	wrdreg $0xFFFFFFFF  }
0xb6: {  	s28 =	simm.s32 $_size_execute0_lowered;
	s3 =	sadd.s32 s3, s5;
	[dreg:$0x0] =	wrdreg $0x0  }
0xb7: {  	s5 =	sshll.u32 s28, $0x1;
	[dreg:$0x2] =	wrdreg s3  }
0xb8: {  	[dreg:$0x3] =	wrdreg s5  }
0xb9: {  	[dreg:$0x4] =	wrdreg $0xC0  }
0xba: {  	_ =	task [dreg:s22], $0x5FFFF  }
0xbb: {  	[dreg:$0x1] =	wrdreg $0xFFFFFFFF  }
0xbc: {  	[dreg:$0x0] =	wrdreg $0x60  }
0xbd: {  	[dreg:$0x2] =	wrdreg s24  }
0xbe: {  	[dreg:$0x3] =	wrdreg $0xC  }
0xbf: {  	_ =	task.clear_ibuf [dreg:s22], $0x4FFFF;
	_ =	strace $0x9000004F  }
0xc0: {  	s29 =	simm.s32 $0xC;
	_ =	strace $0x80000051  }
0xc1: {  	_ =	swait.ge [sflag:s29], $0x1  }
0xc2: {  	[sflag:s29] =	ssyncadd.s32 $0xFFFFFFFF  }
0xc3: {  	_ =	strace $0x90000051  }
0xc4: {  	_ =	sfence  }
0xc5: {  	s30 =	sld [smem:$0x0];
	_ =	sdelay $0x2  }
0xc6: {  	s31 =	sshll.u32 s1, $0xD;
	s1 =	sshrl.u32 s1, $0x2  }
0xc7: {  	s4 =	sand.u32 $0x4000, s31;
	s1 =	sadd.s32 s1, s30  }
0xc8: {  	s0 =	sor.u32 s4, s0;
	s1 =	sshll.u32 s1, $0x11  }
0xc9: {  	s0 =	sor.u32 s1, s0  }
0xca: {  	s0 =	sadd.s32 $0x8F2B, s0  }
0xcb: {  	[sflag:s0] =	ssyncadd.remote.s32 $0x1  }
0xcc: {  	_ =	sfence.sel $0xFFFF  }
0xcd: {  	[dreg:$0x0] =	wrdreg $0xFFFFFFFF;
	(pc) =	sbr.abs _section_cstart, $3  }
0xce: {  	[dreg:$0x1] =	wrdreg $0xFFFFFFFF  }
0xcf: {  	_ =	task.clear_ibuf [dreg:s22], $0x2FFFF;
	_ =	strace $0x9FFFFFFF  }
0xd0: {  	(tm) =	ssettm $0x7FFFFFFF  }
0xd1: {  	_ =	shalt  }
tec
execute0_lowered:
.L_overlay_start_1:
0x0: {  	(tag) =	ssettag $0x1  }
0x1: {  	s0 =	rddreg [dreg:$0x0]  }
0x2: {  	s2 =	simm.s32 $0x0;
	s1 =	srdreg.scid;
	s6 =	stileid.u32  }
0x3: {  	s28 =	simm.s32 $0x8800;
	s29 =	simm.s32 $0x9000;
	s30 =	simm.s32 $0x9800  }
0x4: {  	s31 =	simm.s32 $0xA000;
	s12 =	simm.s32 $0xB800;
	s13 =	simm.s32 $0xC000  }
0x5: {  	s14 =	simm.s32 $0xC800;
	s15 =	simm.s32 $0xD000;
	s16 =	simm.s32 $0xD800  }
0x6: {  	s17 =	simm.s32 $0xE000;
	s18 =	simm.s32 $0xE800;
	s19 =	simm.s32 $0xF000  }
0x7: {  	s20 =	simm.s32 $0xF800;
	s21 =	simm.s32 $0x10000;
	s22 =	simm.s32 $0x1  }
0x8: {  	s23 =	simm.s32 $0x3;
	[smem:$0x7FF] =	sst s2;
	s1 =	sand.u32 $0x1, s1  }
0x9: {  	s4 =	sshll.u32 s6, $0x9;
	s3 =	sadd.s32 $0x9800, s0;
	s6 =	sshll.u32 s6, $0xD  }
0xa: {  	_ =	strace $0x80000050;
	s5 =	sshll.u32 s1, $0x8;
	s24 =	ssub.s32 $0x2, s1  }
0xb: {  	s8 =	sadd.s32 s6, s0;
	s6 =	sadd.s32 $0x9A00, s0;
	s1 =	sshll.u32 s1, $0xC  }
0xc: {  	s4 =	sor.u32 s5, s4;
	s7 =	sshrl.u32 s24, $0x1;
	s5 =	sadd.s32 $0x9900, s0  }
.Ltmp0:
0xd: {  	s26 =	sadd.s32 s1, s8;
	s1 =	simm.s32 $0xB000;
	(pc) =	sbr.rel .LBB2_1-.Ltmp0, $4  }
0xe: {  	s8 =	simm.s32 $0x0;
	s4 =	sadd.s32 s4, s0;
	s9 =	ssub.s32 s24, s7  }
0xf: {  	v2 =	vlaneseq.u32;
	s7 =	sadd.s32 $0x9B00, s0;
	s0 =	simm.s32 $0xA800;
	s4 =	sadd.s32 $0x5800, s4  }
0x10: {  	vm0 =	vmmov $0xffff;
	v1 =	vshrl.u32 v2, $0x3;
	s24 =	simm.s32 $0x2;
	s25 =	smax.u32 s9, $0x1;
	[dreg:$0x2] =	wrdreg s4  }
0x11: {  	v0 =	vand.u32 $0x7, v2;
	v2 =	vor.u32 $0x8, v2;
	v1 =	vmul.u32 $0x8, v1;
	s9 =	sadd.s32 $0x3E8C00, s26;
	[dreg:$0x3] =	wrdreg s25;
	s25 =	simm.s32 $0x4  }
.LBB2_4:
0x12: {  	s8 =	rddreg [dreg:$0x4]  }
0x13: {  	s4 =	rddreg [dreg:$0x3];
	s8 =	sadd.s32 $0x1, s8  }
0x14: {  	p0 =	sne.s32 s8, s4  }
.Ltmp1:
0x15: {  	_ = 	snop;
	(pc) =	sbr.rel @!p0 .LBB2_5-.Ltmp1, $1  }
0x16: {  	_ =	sdelay $0x3  }
.LBB2_1:
0x17: {  	[dreg:$0x4] =	wrdreg s8  }
0x18: {  	s4 =	rddreg [dreg:$0x2];
	s26 =	simm.s32 $0x5  }
0x19: {  	[tilespmem:s2], [sflag:$0x5] =	stream.linear.gather [hbm4b:s4+s2], $0x500, $0x38;
	[tilespmem:$0x10800] =	vst v63  }
0x1a: {  	_ =	swait.ge [sflag:s26], $0x500  }
0x1b: {  	[sflag:s26] =	ssyncset.done $0x0  }
0x1c: {  	[sflag:s26] =	ssyncadd.s32 $0xFFFFFB00  }
0x1d: {  	v3 =	vld [tilespmem:$0x0];
	_ =	sdelay $0x4  }
0x1e: {  	v4 =	vshll.u32 v3, $0x3  }
0x1f: {  	v3 =	vand.u32 $0x7, v3;
	v4 =	vand.u32 $0xFFFFFFC0, v4  }
0x20: {  	v3 =	vor.u32 v3, v4  }
0x21: {  	v4 =	vperm.xlane v3, v0;
	_ =	sdelay $0x1  }
0x22: {  	v4 =	vadd.s32 v1, v4;
	_ =	sdelay $0x3  }
0x23: {  	s8 =	simm.s32 $0x800  }
0x24: {  	[tilespmem:s8], [sflag:$0x1] =	stream.indirect_vreg.gather [hbm4b:s3+s2], $0x80, v4, vm0, $0xb8;
	[tilespmem:$0x10800] =	vst v63  }
0x25: {  	s10 =	simm.s32 $0x1000;
	v3 =	vperm.xlane v3, v2  }
0x26: {  	[tilespmem:s10], [sflag:$0x1] =	stream.indirect_vreg.gather [hbm4b:s5+s2], $0x80, v4, vm0, $0xb8;
	[tilespmem:$0x10800] =	vst v63  }
0x27: {  	s11 =	simm.s32 $0x1800;
	v3 =	vadd.s32 v1, v3  }
0x28: {  	[tilespmem:s11], [sflag:$0x1] =	stream.indirect_vreg.gather [hbm4b:s6+s2], $0x80, v4, vm0, $0xb8;
	[tilespmem:$0x10800] =	vst v63  }
0x29: {  	s26 =	simm.s32 $0x2000  }
0x2a: {  	[tilespmem:s26], [sflag:$0x1] =	stream.indirect_vreg.gather [hbm4b:s7+s2], $0x80, v4, vm0, $0xb8;
	[tilespmem:$0x10800] =	vst v63  }
0x2b: {  	s8 =	simm.s32 $0x2800  }
0x2c: {  	[tilespmem:s8], [sflag:$0x1] =	stream.indirect_vreg.gather [hbm4b:s3+s2], $0x80, v3, vm0, $0xb8;
	[tilespmem:$0x10800] =	vst v63  }
0x2d: {  	s10 =	simm.s32 $0x3000  }
0x2e: {  	[tilespmem:s10], [sflag:$0x1] =	stream.indirect_vreg.gather [hbm4b:s5+s2], $0x80, v3, vm0, $0xb8;
	[tilespmem:$0x10800] =	vst v63  }
0x2f: {  	s11 =	simm.s32 $0x3800  }
0x30: {  	[tilespmem:s11], [sflag:$0x1] =	stream.indirect_vreg.gather [hbm4b:s6+s2], $0x80, v3, vm0, $0xb8;
	[tilespmem:$0x10800] =	vst v63  }
0x31: {  	s26 =	simm.s32 $0x4000  }
0x32: {  	[tilespmem:s26], [sflag:$0x1] =	stream.indirect_vreg.gather [hbm4b:s7+s2], $0x80, v3, vm0, $0xb8;
	[tilespmem:$0x10800] =	vst v63  }
0x33: {  	v3 =	vld [tilespmem:$0x10];
	_ =	sdelay $0x4  }
0x34: {  	v61 =	vshll.u32 v3, $0x3  }
0x35: {  	v3 =	vand.u32 $0x7, v3;
	v4 =	vand.u32 $0xFFFFFFC0, v61  }
0x36: {  	v3 =	vor.u32 v3, v4  }
0x37: {  	v4 =	vperm.xlane v3, v0;
	_ =	sdelay $0x1  }
0x38: {  	v4 =	vadd.s32 v1, v4;
	_ =	sdelay $0x3  }
0x39: {  	s8 =	simm.s32 $0x4800  }
0x3a: {  	[tilespmem:s8], [sflag:$0x1] =	stream.indirect_vreg.gather [hbm4b:s3+s2], $0x80, v4, vm0, $0xb8;
	[tilespmem:$0x10800] =	vst v63  }
0x3b: {  	s10 =	simm.s32 $0x5000;
	v3 =	vperm.xlane v3, v2  }
0x3c: {  	[tilespmem:s10], [sflag:$0x1] =	stream.indirect_vreg.gather [hbm4b:s5+s2], $0x80, v4, vm0, $0xb8;
	[tilespmem:$0x10800] =	vst v63  }
0x3d: {  	s11 =	simm.s32 $0x5800;
	v3 =	vadd.s32 v1, v3  }
0x3e: {  	[tilespmem:s11], [sflag:$0x1] =	stream.indirect_vreg.gather [hbm4b:s6+s2], $0x80, v4, vm0, $0xb8;
	[tilespmem:$0x10800] =	vst v63  }
0x3f: {  	s26 =	simm.s32 $0x6000  }
0x40: {  	[tilespmem:s26], [sflag:$0x1] =	stream.indirect_vreg.gather [hbm4b:s7+s2], $0x80, v4, vm0, $0xb8;
	[tilespmem:$0x10800] =	vst v63  }
0x41: {  	s8 =	simm.s32 $0x6800  }
0x42: {  	[tilespmem:s8], [sflag:$0x1] =	stream.indirect_vreg.gather [hbm4b:s3+s2], $0x80, v3, vm0, $0xb8;
	[tilespmem:$0x10800] =	vst v63  }
0x43: {  	s10 =	simm.s32 $0x7000  }
0x44: {  	[tilespmem:s10], [sflag:$0x1] =	stream.indirect_vreg.gather [hbm4b:s5+s2], $0x80, v3, vm0, $0xb8;
	[tilespmem:$0x10800] =	vst v63  }
0x45: {  	s11 =	simm.s32 $0x7800  }
0x46: {  	[tilespmem:s11], [sflag:$0x1] =	stream.indirect_vreg.gather [hbm4b:s6+s2], $0x80, v3, vm0, $0xb8;
	[tilespmem:$0x10800] =	vst v63  }
0x47: {  	s26 =	simm.s32 $0x8000  }
0x48: {  	[tilespmem:s26], [sflag:$0x1] =	stream.indirect_vreg.gather [hbm4b:s7+s2], $0x80, v3, vm0, $0xb8;
	[tilespmem:$0x10800] =	vst v63  }
0x49: {  	v3 =	vld [tilespmem:$0x80];
	_ =	sdelay $0x4  }
0x4a: {  	v62 =	vshll.u32 v3, $0x3  }
0x4b: {  	v3 =	vand.u32 $0x7, v3;
	v4 =	vand.u32 $0xFFFFFFC0, v62  }
0x4c: {  	v3 =	vor.u32 v3, v4  }
0x4d: {  	v4 =	vperm.xlane v3, v0;
	_ =	sdelay $0x1  }
0x4e: {  	v4 =	vadd.s32 v1, v4;
	_ =	sdelay $0x4  }
0x4f: {  	[tilespmem:s28], [sflag:$0x2] =	stream.indirect_vreg.gather [hbm4b:s3+s2], $0x80, v4, vm0, $0xb8;
	[tilespmem:$0x10800] =	vst v63  }
0x50: {  	v3 =	vperm.xlane v3, v2  }
0x51: {  	[tilespmem:s29], [sflag:$0x2] =	stream.indirect_vreg.gather [hbm4b:s5+s2], $0x80, v4, vm0, $0xb8;
	[tilespmem:$0x10800] =	vst v63  }
0x52: {  	v3 =	vadd.s32 v1, v3  }
0x53: {  	[tilespmem:s30], [sflag:$0x2] =	stream.indirect_vreg.gather [hbm4b:s6+s2], $0x80, v4, vm0, $0xb8;
	[tilespmem:$0x10800] =	vst v63  }
0x54: {  	_ = 	snop  }
0x55: {  	[tilespmem:s31], [sflag:$0x2] =	stream.indirect_vreg.gather [hbm4b:s7+s2], $0x80, v4, vm0, $0xb8;
	[tilespmem:$0x10800] =	vst v63  }
0x56: {  	_ = 	snop  }
0x57: {  	[tilespmem:s0], [sflag:$0x2] =	stream.indirect_vreg.gather [hbm4b:s3+s2], $0x80, v3, vm0, $0xb8;
	[tilespmem:$0x10800] =	vst v63  }
0x58: {  	_ = 	snop  }
0x59: {  	[tilespmem:s1], [sflag:$0x2] =	stream.indirect_vreg.gather [hbm4b:s5+s2], $0x80, v3, vm0, $0xb8;
	[tilespmem:$0x10800] =	vst v63  }
0x5a: {  	_ = 	snop  }
0x5b: {  	[tilespmem:s12], [sflag:$0x2] =	stream.indirect_vreg.gather [hbm4b:s6+s2], $0x80, v3, vm0, $0xb8;
	[tilespmem:$0x10800] =	vst v63  }
0x5c: {  	_ = 	snop  }
0x5d: {  	[tilespmem:s13], [sflag:$0x2] =	stream.indirect_vreg.gather [hbm4b:s7+s2], $0x80, v3, vm0, $0xb8;
	[tilespmem:$0x10800] =	vst v63  }
0x5e: {  	v3 =	vld [tilespmem:$0x90];
	_ =	sdelay $0x4  }
0x5f: {  	v63 =	vshll.u32 v3, $0x3  }
0x60: {  	v3 =	vand.u32 $0x7, v3;
	v4 =	vand.u32 $0xFFFFFFC0, v63  }
0x61: {  	v3 =	vor.u32 v3, v4  }
0x62: {  	v4 =	vperm.xlane v3, v0;
	_ =	sdelay $0x1  }
0x63: {  	v4 =	vadd.s32 v1, v4;
	_ =	sdelay $0x4  }
0x64: {  	[tilespmem:s14], [sflag:$0x2] =	stream.indirect_vreg.gather [hbm4b:s3+s2], $0x80, v4, vm0, $0xb8;
	[tilespmem:$0x10800] =	vst v63  }
0x65: {  	v3 =	vperm.xlane v3, v2  }
0x66: {  	[tilespmem:s15], [sflag:$0x2] =	stream.indirect_vreg.gather [hbm4b:s5+s2], $0x80, v4, vm0, $0xb8;
	[tilespmem:$0x10800] =	vst v63  }
0x67: {  	v3 =	vadd.s32 v1, v3  }
0x68: {  	[tilespmem:s16], [sflag:$0x2] =	stream.indirect_vreg.gather [hbm4b:s6+s2], $0x80, v4, vm0, $0xb8;
	[tilespmem:$0x10800] =	vst v63  }
0x69: {  	_ = 	snop  }
0x6a: {  	[tilespmem:s17], [sflag:$0x2] =	stream.indirect_vreg.gather [hbm4b:s7+s2], $0x80, v4, vm0, $0xb8;
	[tilespmem:$0x10800] =	vst v63  }
0x6b: {  	_ = 	snop  }
0x6c: {  	[tilespmem:s18], [sflag:$0x2] =	stream.indirect_vreg.gather [hbm4b:s3+s2], $0x80, v3, vm0, $0xb8;
	[tilespmem:$0x10800] =	vst v63  }
0x6d: {  	_ = 	snop  }
0x6e: {  	[tilespmem:s19], [sflag:$0x2] =	stream.indirect_vreg.gather [hbm4b:s5+s2], $0x80, v3, vm0, $0xb8;
	[tilespmem:$0x10800] =	vst v63  }
0x6f: {  	_ = 	snop  }
0x70: {  	[tilespmem:s20], [sflag:$0x2] =	stream.indirect_vreg.gather [hbm4b:s6+s2], $0x80, v3, vm0, $0xb8;
	[tilespmem:$0x10800] =	vst v63  }
0x71: {  	s4 =	simm.s32 $0x190;
	s8 =	simm.s32 $0x0  }
0x72: {  	[tilespmem:s21], [sflag:$0x2] =	stream.indirect_vreg.gather [hbm4b:s7+s2], $0x80, v3, vm0, $0xb8;
	[tilespmem:$0x10800] =	vst v63  }
.LBB2_2:
0x73: {  	_ =	swait.ge [sflag:s22], $0x8000  }
0x74: {  	[sflag:s22] =	ssyncset.done $0x0  }
0x75: {  	s10 =	sadd.s32 s8, s9;
	s11 =	simm.s32 $0x800;
	[sflag:s22] =	ssyncadd.s32 $0xFFFF8000  }
0x76: {  	[hbm4b:s10+s2] =	stream.linear.scatter [tilespmem:s11], [sflag:$0x3], $0x8000, $0x38;
	[tilespmem:$0x10800] =	vst v63  }
0x77: {  	_ =	swait.ge [sflag:s23], $0x8000  }
0x78: {  	[sflag:s23] =	ssyncset.done $0x0  }
0x79: {  	p0 =	seq.s32 s8, $0x100000;
	[sflag:s23] =	ssyncadd.s32 $0xFFFF8000  }
0x7a: {  	v3 =	vld @!p0 [tilespmem:s4+$0xFFFFFF70];
	_ =	sdelay $0x4  }
0x7b: {  	v4 =	vshll.u32 @!p0 v3, $0x3  }
0x7c: {  	v5 =	vlaneseq.u32 @!p0;
	v3 =	vand.u32 @!p0 $0x7, v3;
	v4 =	vand.u32 @!p0 $0xFFFFFFC0, v4  }
0x7d: {  	v6 =	vshrl.u32 @!p0 v5, $0x3;
	v3 =	vor.u32 @!p0 v3, v4;
	v4 =	vand.u32 @!p0 $0x7, v5  }
0x7e: {  	v6 =	vmul.u32 @!p0 $0x8, v6;
	v7 =	vperm.xlane @!p0 v3, v4;
	_ =	sdelay $0x1  }
0x7f: {  	v7 =	vadd.s32 @!p0 v6, v7;
	_ =	sdelay $0x3  }
0x80: {  	vm1 =	vmmov @!p0 $0xffff;
	s26 =	simm.s32 @!p0 $0x0;
	s11 =	simm.s32 @!p0 $0x800  }
0x81: {  	v5 =	vor.u32 @!p0 $0x8, v5;
	[tilespmem:s11], [sflag:$0x1] =	stream.indirect_vreg.gather @!p0 [hbm4b:s3+s26], $0x80, v7, vm1, $0xb8;
	[tilespmem:$0x10800] =	vst v63  }
0x82: {  	v3 =	vperm.xlane @!p0 v3, v5;
	s11 =	simm.s32 @!p0 $0x1000  }
0x83: {  	[tilespmem:s11], [sflag:$0x1] =	stream.indirect_vreg.gather @!p0 [hbm4b:s5+s26], $0x80, v7, vm1, $0xb8;
	[tilespmem:$0x10800] =	vst v63  }
0x84: {  	v3 =	vadd.s32 @!p0 v6, v3;
	s11 =	simm.s32 @!p0 $0x1800  }
0x85: {  	[tilespmem:s11], [sflag:$0x1] =	stream.indirect_vreg.gather @!p0 [hbm4b:s6+s26], $0x80, v7, vm1, $0xb8;
	[tilespmem:$0x10800] =	vst v63  }
0x86: {  	s11 =	simm.s32 @!p0 $0x2000  }
0x87: {  	[tilespmem:s11], [sflag:$0x1] =	stream.indirect_vreg.gather @!p0 [hbm4b:s7+s26], $0x80, v7, vm1, $0xb8;
	[tilespmem:$0x10800] =	vst v63  }
0x88: {  	s11 =	simm.s32 @!p0 $0x2800  }
0x89: {  	[tilespmem:s11], [sflag:$0x1] =	stream.indirect_vreg.gather @!p0 [hbm4b:s3+s26], $0x80, v3, vm1, $0xb8;
	[tilespmem:$0x10800] =	vst v63  }
0x8a: {  	s11 =	simm.s32 @!p0 $0x3000  }
0x8b: {  	[tilespmem:s11], [sflag:$0x1] =	stream.indirect_vreg.gather @!p0 [hbm4b:s5+s26], $0x80, v3, vm1, $0xb8;
	[tilespmem:$0x10800] =	vst v63  }
0x8c: {  	s11 =	simm.s32 @!p0 $0x3800  }
0x8d: {  	[tilespmem:s11], [sflag:$0x1] =	stream.indirect_vreg.gather @!p0 [hbm4b:s6+s26], $0x80, v3, vm1, $0xb8;
	[tilespmem:$0x10800] =	vst v63  }
0x8e: {  	s11 =	simm.s32 @!p0 $0x4000  }
0x8f: {  	[tilespmem:s11], [sflag:$0x1] =	stream.indirect_vreg.gather @!p0 [hbm4b:s7+s26], $0x80, v3, vm1, $0xb8;
	[tilespmem:$0x10800] =	vst v63  }
0x90: {  	v3 =	vld @!p0 [tilespmem:s4+$0xFFFFFF80];
	_ =	sdelay $0x4  }
0x91: {  	v7 =	vshll.u32 @!p0 v3, $0x3  }
0x92: {  	v3 =	vand.u32 @!p0 $0x7, v3;
	v7 =	vand.u32 @!p0 $0xFFFFFFC0, v7  }
0x93: {  	v3 =	vor.u32 @!p0 v3, v7  }
0x94: {  	v4 =	vperm.xlane @!p0 v3, v4;
	_ =	sdelay $0x1  }
0x95: {  	v4 =	vadd.s32 @!p0 v6, v4;
	_ =	sdelay $0x3  }
0x96: {  	s11 =	simm.s32 @!p0 $0x4800  }
0x97: {  	[tilespmem:s11], [sflag:$0x1] =	stream.indirect_vreg.gather @!p0 [hbm4b:s3+s26], $0x80, v4, vm1, $0xb8;
	[tilespmem:$0x10800] =	vst v63  }
0x98: {  	v3 =	vperm.xlane @!p0 v3, v5;
	s11 =	simm.s32 @!p0 $0x5000  }
0x99: {  	[tilespmem:s11], [sflag:$0x1] =	stream.indirect_vreg.gather @!p0 [hbm4b:s5+s26], $0x80, v4, vm1, $0xb8;
	[tilespmem:$0x10800] =	vst v63  }
0x9a: {  	v3 =	vadd.s32 @!p0 v6, v3;
	s11 =	simm.s32 @!p0 $0x5800  }
0x9b: {  	[tilespmem:s11], [sflag:$0x1] =	stream.indirect_vreg.gather @!p0 [hbm4b:s6+s26], $0x80, v4, vm1, $0xb8;
	[tilespmem:$0x10800] =	vst v63  }
0x9c: {  	s11 =	simm.s32 @!p0 $0x6000  }
0x9d: {  	[tilespmem:s11], [sflag:$0x1] =	stream.indirect_vreg.gather @!p0 [hbm4b:s7+s26], $0x80, v4, vm1, $0xb8;
	[tilespmem:$0x10800] =	vst v63  }
0x9e: {  	s11 =	simm.s32 @!p0 $0x6800  }
0x9f: {  	[tilespmem:s11], [sflag:$0x1] =	stream.indirect_vreg.gather @!p0 [hbm4b:s3+s26], $0x80, v3, vm1, $0xb8;
	[tilespmem:$0x10800] =	vst v63  }
0xa0: {  	s11 =	simm.s32 @!p0 $0x7000  }
0xa1: {  	[tilespmem:s11], [sflag:$0x1] =	stream.indirect_vreg.gather @!p0 [hbm4b:s5+s26], $0x80, v3, vm1, $0xb8;
	[tilespmem:$0x10800] =	vst v63  }
0xa2: {  	s11 =	simm.s32 @!p0 $0x7800  }
0xa3: {  	[tilespmem:s11], [sflag:$0x1] =	stream.indirect_vreg.gather @!p0 [hbm4b:s6+s26], $0x80, v3, vm1, $0xb8;
	[tilespmem:$0x10800] =	vst v63  }
0xa4: {  	s11 =	simm.s32 @!p0 $0x8000  }
0xa5: {  	[tilespmem:s11], [sflag:$0x1] =	stream.indirect_vreg.gather @!p0 [hbm4b:s7+s26], $0x80, v3, vm1, $0xb8;
	[tilespmem:$0x10800] =	vst v63  }
0xa6: {  	_ =	swait.ge [sflag:s24], $0x8000  }
0xa7: {  	[sflag:s24] =	ssyncset.done $0x0  }
.Ltmp2:
0xa8: {  	s10 =	sadd.s32 $0x20000, s10;
	[sflag:s24] =	ssyncadd.s32 $0xFFFF8000;
	(pc) =	sbr.rel @p0 .LBB2_4-.Ltmp2, $4  }
0xa9: {  	[hbm4b:s10+s2] =	stream.linear.scatter [tilespmem:s28], [sflag:$0x4], $0x8000, $0x38;
	[tilespmem:$0x10800] =	vst v63  }
0xaa: {  	_ =	swait.ge [sflag:s25], $0x8000  }
0xab: {  	[sflag:s25] =	ssyncset.done $0x0  }
0xac: {  	[sflag:s25] =	ssyncadd.s32 $0xFFFF8000  }
0xad: {  	v3 =	vld [tilespmem:s4+$0xFFFFFFF0];
	_ =	sdelay $0x4  }
0xae: {  	v4 =	vshll.u32 v3, $0x3  }
0xaf: {  	v3 =	vand.u32 $0x7, v3;
	v4 =	vand.u32 $0xFFFFFFC0, v4  }
0xb0: {  	v3 =	vor.u32 v3, v4  }
0xb1: {  	v4 =	vperm.xlane v3, v0;
	_ =	sdelay $0x1  }
0xb2: {  	v4 =	vadd.s32 v1, v4;
	_ =	sdelay $0x4  }
0xb3: {  	[tilespmem:s28], [sflag:$0x2] =	stream.indirect_vreg.gather [hbm4b:s3+s2], $0x80, v4, vm0, $0xb8;
	[tilespmem:$0x10800] =	vst v63  }
0xb4: {  	v3 =	vperm.xlane v3, v2  }
0xb5: {  	[tilespmem:s29], [sflag:$0x2] =	stream.indirect_vreg.gather [hbm4b:s5+s2], $0x80, v4, vm0, $0xb8;
	[tilespmem:$0x10800] =	vst v63  }
0xb6: {  	v3 =	vadd.s32 v1, v3  }
0xb7: {  	[tilespmem:s30], [sflag:$0x2] =	stream.indirect_vreg.gather [hbm4b:s6+s2], $0x80, v4, vm0, $0xb8;
	[tilespmem:$0x10800] =	vst v63  }
0xb8: {  	_ = 	snop  }
0xb9: {  	[tilespmem:s31], [sflag:$0x2] =	stream.indirect_vreg.gather [hbm4b:s7+s2], $0x80, v4, vm0, $0xb8;
	[tilespmem:$0x10800] =	vst v63  }
0xba: {  	_ = 	snop  }
0xbb: {  	[tilespmem:s0], [sflag:$0x2] =	stream.indirect_vreg.gather [hbm4b:s3+s2], $0x80, v3, vm0, $0xb8;
	[tilespmem:$0x10800] =	vst v63  }
0xbc: {  	_ = 	snop  }
0xbd: {  	[tilespmem:s1], [sflag:$0x2] =	stream.indirect_vreg.gather [hbm4b:s5+s2], $0x80, v3, vm0, $0xb8;
	[tilespmem:$0x10800] =	vst v63  }
0xbe: {  	_ = 	snop  }
0xbf: {  	[tilespmem:s12], [sflag:$0x2] =	stream.indirect_vreg.gather [hbm4b:s6+s2], $0x80, v3, vm0, $0xb8;
	[tilespmem:$0x10800] =	vst v63  }
0xc0: {  	_ = 	snop  }
0xc1: {  	[tilespmem:s13], [sflag:$0x2] =	stream.indirect_vreg.gather [hbm4b:s7+s2], $0x80, v3, vm0, $0xb8;
	[tilespmem:$0x10800] =	vst v63  }
0xc2: {  	v3 =	vld [tilespmem:s4+$0x0];
	_ =	sdelay $0x4  }
0xc3: {  	v63 =	vshll.u32 v3, $0x3  }
0xc4: {  	v3 =	vand.u32 $0x7, v3;
	v4 =	vand.u32 $0xFFFFFFC0, v63  }
0xc5: {  	v3 =	vor.u32 v3, v4  }
0xc6: {  	v4 =	vperm.xlane v3, v0;
	_ =	sdelay $0x1  }
0xc7: {  	v4 =	vadd.s32 v1, v4;
	_ =	sdelay $0x4  }
0xc8: {  	[tilespmem:s14], [sflag:$0x2] =	stream.indirect_vreg.gather [hbm4b:s3+s2], $0x80, v4, vm0, $0xb8;
	[tilespmem:$0x10800] =	vst v63  }
0xc9: {  	v3 =	vperm.xlane v3, v2  }
0xca: {  	[tilespmem:s15], [sflag:$0x2] =	stream.indirect_vreg.gather [hbm4b:s5+s2], $0x80, v4, vm0, $0xb8;
	[tilespmem:$0x10800] =	vst v63  }
0xcb: {  	v3 =	vadd.s32 v1, v3  }
0xcc: {  	[tilespmem:s16], [sflag:$0x2] =	stream.indirect_vreg.gather [hbm4b:s6+s2], $0x80, v4, vm0, $0xb8;
	[tilespmem:$0x10800] =	vst v63  }
0xcd: {  	_ = 	snop  }
0xce: {  	[tilespmem:s17], [sflag:$0x2] =	stream.indirect_vreg.gather [hbm4b:s7+s2], $0x80, v4, vm0, $0xb8;
	[tilespmem:$0x10800] =	vst v63  }
0xcf: {  	_ = 	snop  }
0xd0: {  	[tilespmem:s18], [sflag:$0x2] =	stream.indirect_vreg.gather [hbm4b:s3+s2], $0x80, v3, vm0, $0xb8;
	[tilespmem:$0x10800] =	vst v63  }
0xd1: {  	_ = 	snop  }
0xd2: {  	[tilespmem:s19], [sflag:$0x2] =	stream.indirect_vreg.gather [hbm4b:s5+s2], $0x80, v3, vm0, $0xb8;
	[tilespmem:$0x10800] =	vst v63  }
.Ltmp3:
0xd3: {  	_ = 	snop;
	(pc) =	sbr.rel .LBB2_2-.Ltmp3, $4  }
0xd4: {  	_ = 	snop  }
0xd5: {  	[tilespmem:s20], [sflag:$0x2] =	stream.indirect_vreg.gather [hbm4b:s6+s2], $0x80, v3, vm0, $0xb8;
	[tilespmem:$0x10800] =	vst v63  }
0xd6: {  	s8 =	sadd.s32 $0x40000, s8;
	s4 =	sadd.s32 $0x100, s4  }
0xd7: {  	[tilespmem:s21], [sflag:$0x2] =	stream.indirect_vreg.gather [hbm4b:s7+s2], $0x80, v3, vm0, $0xb8;
	[tilespmem:$0x10800] =	vst v63  }
.LBB2_5:
0xd8: {  	_ =	sfence.sel $0x180000  }
0xd9: {  	[bflag:$0x0] =	sbarrier.arrive $0xFFFF  }
0xda: {  	_ =	strace $0x90000050  }
0xdb: {  	s0 =	stileid.u32;
	[bflag:$0x2] =	sbarrier.arrive $0xFFFF  }
0xdc: {  	p0 =	sne.s32 s0, $0x0;
	s0 =	rddreg [dreg:$0x1]  }
0xdd: {  	s0 =	sadd.s32 @!p0 $0x100000, s0  }
0xde: {  	[sflag:s0] =	ssyncadd.tile.s32 @!p0 $0x1;
	_ =	shalt  }
.Lfunc_end2:
_tile_overlayer_lowered:
.L_overlay_start_2:
0xdf: {  	(tag) =	ssettag $0x2  }
0xe0: {  	s0 =	rddreg [dreg:$0x0];
	s2 =	stileid.u32  }
0xe1: {  	s1 =	rddreg [dreg:$0x1];
	p0 =	sne.s32 s2, $0x0  }
0xe2: {  	s3 =	rddreg [dreg:$0x2];
	[bflag:$0x3] =	sbarrier.arrive $0xFFFF;
	s2 =	simm.s32 @!p0 $0x1C05  }
0xe3: {  	[timem:s3], [sflag:s2] =	dma.local @!p0 [hbm:s0], s1  }
0xe4: {  	s0 =	simm.s32 @!p0 $0x5  }
0xe5: {  	_ =	swait.ge @!p0 [sflag:s0], s1  }
0xe6: {  	s1 =	ssub.s32 @!p0 $0x0, s1;
	[sflag:s0] =	ssyncset.done @!p0 $0x0  }
0xe7: {  	[sflag:s0] =	ssyncadd.s32 @!p0 s1  }
0xe8: {  	[bflag:$0x3] =	sbarrier.arrive $0xFFFF  }
0xe9: {  	_ =	shalt  }

// kernel: kernel.25.cloned.1.call-start
scs
__scs_entry_jumppad:
0x0: {  	(pc) =	sbr.rel $0x88, $3  }
0x1: {  	(tag) =	ssettag $0x0;
	lr =	simm.s32 $0x1  }
0x2: {  	[smem:$0x3F9D] =	sst lr;
	_ =	strace $0xD0000000  }
0x3: {  	_ = 	snop  }
0x4: {  	_ = 	snop  }
0x5: {  	_ = 	snop  }
0x6: {  	_ = 	snop  }
0x7: {  	_ = 	snop  }
__scs_overlays_trampoline_lowered:
0x8: {  	[smem:$0x3FAC] =	sst s0  }
0x9: {  	[smem:$0x3FAD] =	sst s1  }
0xa: {  	[smem:$0x3FAE] =	sst s2  }
0xb: {  	[smem:$0x3FAF] =	sst s3  }
0xc: {  	[smem:$0x3FB0] =	sst s4  }
0xd: {  	[smem:$0x3FB1] =	sst s5  }
0xe: {  	[smem:$0x3FB2] =	sst s6  }
0xf: {  	[smem:$0x3FB3] =	sst s7  }
0x10: {  	[smem:$0x3FB4] =	sst s8  }
0x11: {  	[smem:$0x3FB5] =	sst s9;
	s0 =	simm.s32 @!p0 $0x0  }
0x12: {  	s1 =	sld [smem:$0x3F9B];
	s0 =	simm.s32 @p0 $0x1  }
0x13: {  	[smem:$0x3FB6] =	sst s0;
	s0 =	simm.s32 @!p1 $0x0  }
0x14: {  	s2 =	sld [smem:$0x3F9A];
	s0 =	simm.s32 @p1 $0x1  }
0x15: {  	[smem:$0x3FB7] =	sst s0;
	s0 =	simm.s32 @!p2 $0x0  }
0x16: {  	s3 =	sld [smem:$0x3FDB];
	s0 =	simm.s32 @p2 $0x1  }
0x17: {  	s4 =	simm.s32 $0x1BF5;
	[smem:$0x3FB9] =	sst s0  }
0x18: {  	s0 =	sld [smem:$0x3F9C];
	_ =	swait.ge [sflag:s4], $0x0  }
0x19: {  	s7 =	sld [smem:$0x3F9D]  }
0x1a: {  	s8 =	sadd.s32 $0xFFFFE003, lr  }
0x1b: {  	s9 =	sadd.s32 $0xFFFFFEF7, lr;
	s5 =	simm.s32 $0xFFFFFFFF;
	p2 =	slt.u32 s8, $0xFFFFF086  }
0x1c: {  	p1 =	slt.u32 s9, $0xF7A;
	s5 =	simm.s32 @!p2 $0x0  }
0x1d: {  	s5 =	simm.s32 @p1 $0x1;
	p0 =	seq.s32 s7, s2  }
0x1e: {  	s7 =	smul.u32 @!p0 $0xF7A, s2;
	p2 =	seq.s32 @!p0 s5, $0x0  }
0x1f: {  	s9 =	smul.u32 $0xF7A, s1;
	s8 =	simm.s32 @!p0 $0x1BF5;
	p2 =	por !p2, p0  }
0x20: {  	[sflag:s8] =	ssyncset.s32 @!p0 $0xFFFFF086;
	s6 =	sadd.s32 @!p0 s3, s7;
	s7 =	simm.s32 @!p0 $0x108  }
0x21: {  	s3 =	sadd.s32 s3, s9;
	s6 =	sadd.s32 @!p0 $0x88, s6;
	s7 =	simm.s32 @p2 $0x1082  }
0x22: {  	[simem:s7], [sflag:s8] =	dma.local @!p0 [hbm:s6], $0xF7A  }
0x23: {  	s9 =	sor.u32 $0xD0000000, s2;
	s6 =	simm.s32 $0x108;
	_ =	swait.ge @!p0 [sflag:s8], $0x0  }
0x24: {  	s3 =	sadd.s32 $0x88, s3;
	s6 =	simm.s32 @!p1 $0x1082;
	[sflag:s4] =	ssyncset.s32 $0xFFFFF086  }
0x25: {  	[simem:s6], [sflag:s4] =	dma.local [hbm:s3], $0xF7A  }
0x26: {  	[smem:$0x3F9D] =	sst s1;
	(tag) =	ssettag s2;
	_ =	strace s9  }
0x27: {  	s1 =	sld [smem:$0x3FAD]  }
0x28: {  	s2 =	sld [smem:$0x3FAE]  }
0x29: {  	s4 =	sld [smem:$0x3FB0]  }
0x2a: {  	p0 =	seq.s32 s5, $0x0;
	s5 =	sld [smem:$0x3FB1]  }
0x2b: {  	s6 =	sld [smem:$0x3FB2]  }
0x2c: {  	s7 =	sld [smem:$0x3FB3]  }
0x2d: {  	s3 =	simm.s32 $0x108;
	s8 =	sld [smem:$0x3FB4]  }
0x2e: {  	s3 =	simm.s32 @!p0 $0x1082;
	s9 =	sld [smem:$0x3FB5]  }
0x2f: {  	lr =	sadd.s32 s0, s3;
	s0 =	sld [smem:$0x3FAC]  }
0x30: {  	s3 =	sld [smem:$0x3FAF]  }
0x31: {  	[smem:$0x3FB8] =	sst s10  }
0x32: {  	s10 =	sld [smem:$0x3FB6];
	_ =	sdelay $0x3  }
0x33: {  	p0 =	seq.s32 s10, $0x1;
	s10 =	sld [smem:$0x3FB8];
	_ =	sdelay $0x3  }
0x34: {  	[smem:$0x3FB8] =	sst s10  }
0x35: {  	s10 =	sld [smem:$0x3FB7];
	_ =	sdelay $0x3  }
0x36: {  	p1 =	seq.s32 s10, $0x1;
	s10 =	sld [smem:$0x3FB8];
	_ =	sdelay $0x3  }
0x37: {  	[smem:$0x3FB8] =	sst s10  }
0x38: {  	s10 =	sld [smem:$0x3FB9]  }
0x39: {  	_ = 	snop;
	(pc) =	sbr.ind lr, $3  }
0x3a: {  	_ = 	snop  }
0x3b: {  	_ = 	snop  }
0x3c: {  	p2 =	seq.s32 s10, $0x1;
	s10 =	sld [smem:$0x3FB8]  }
0x3d: {  	_ =	shalt  }
0x3e: {  	_ =	shalt  }
0x3f: {  	_ =	shalt  }
0x40: {  	_ =	shalt  }
0x41: {  	_ =	shalt  }
0x42: {  	_ =	shalt  }
0x43: {  	_ =	shalt  }
0x44: {  	_ =	shalt  }
0x45: {  	_ =	shalt  }
0x46: {  	_ =	shalt  }
0x47: {  	_ =	shalt  }
0x48: {  	_ =	shalt  }
0x49: {  	_ =	shalt  }
0x4a: {  	_ =	shalt  }
0x4b: {  	_ =	shalt  }
0x4c: {  	_ =	shalt  }
0x4d: {  	_ =	shalt  }
0x4e: {  	_ =	shalt  }
0x4f: {  	_ =	shalt  }
0x50: {  	_ =	shalt  }
0x51: {  	_ =	shalt  }
0x52: {  	_ =	shalt  }
0x53: {  	_ =	shalt  }
0x54: {  	_ =	shalt  }
0x55: {  	_ =	shalt  }
0x56: {  	_ =	shalt  }
0x57: {  	_ =	shalt  }
0x58: {  	_ =	shalt  }
0x59: {  	_ =	shalt  }
0x5a: {  	_ =	shalt  }
0x5b: {  	_ =	shalt  }
0x5c: {  	_ =	shalt  }
0x5d: {  	_ =	shalt  }
0x5e: {  	_ =	shalt  }
0x5f: {  	_ =	shalt  }
0x60: {  	_ =	shalt  }
0x61: {  	_ =	shalt  }
0x62: {  	_ =	shalt  }
0x63: {  	_ =	shalt  }
0x64: {  	_ =	shalt  }
0x65: {  	_ =	shalt  }
0x66: {  	_ =	shalt  }
0x67: {  	_ =	shalt  }
0x68: {  	_ =	shalt  }
0x69: {  	_ =	shalt  }
0x6a: {  	_ =	shalt  }
0x6b: {  	_ =	shalt  }
0x6c: {  	_ =	shalt  }
0x6d: {  	_ =	shalt  }
0x6e: {  	_ =	shalt  }
0x6f: {  	_ =	shalt  }
0x70: {  	_ =	shalt  }
0x71: {  	_ =	shalt  }
0x72: {  	_ =	shalt  }
0x73: {  	_ =	shalt  }
0x74: {  	_ =	shalt  }
0x75: {  	_ =	shalt  }
0x76: {  	_ =	shalt  }
0x77: {  	_ =	shalt  }
0x78: {  	_ =	shalt  }
0x79: {  	_ =	shalt  }
0x7a: {  	_ =	shalt  }
0x7b: {  	_ =	shalt  }
0x7c: {  	_ =	shalt  }
0x7d: {  	_ =	shalt  }
0x7e: {  	_ =	shalt  }
0x7f: {  	_ =	shalt  }
0x80: {  	_ =	shalt  }
0x81: {  	_ =	shalt  }
0x82: {  	_ =	shalt  }
0x83: {  	_ =	shalt  }
0x84: {  	_ =	shalt  }
0x85: {  	_ =	shalt  }
0x86: {  	_ =	shalt  }
0x87: {  	_ =	shalt  }
.Lfunc_end0:
.L_simem_size_0:
called_computation.4_lowered:
.L_overlay_start_0:
0x88: {  	s2 =	sld [smem:$0x3FD9]  }
0x89: {  	s3 =	sld [smem:$0x3FFE];
	_ =	sdelay $0x1  }
0x8a: {  	s1 =	srdreg.scid  }
0x8b: {  	s0 =	sand.u32 $0x1, s1  }
0x8c: {  	s17 =	sshll.u32 s0, $0xA;
	s2 =	sadd.s32 s3, s2  }
0x8d: {  	s2 =	sadd.s32 s2, s17  }
0x8e: {  	[smem:$0x3FC4] =	sst s2  }
0x8f: {  	_ = 	snop  }
0x90: {  	(tm) =	ssettm $0x1  }
0x91: {  	s18 =	sld [smem:$0x3FFB];
	_ =	sdelay $0x3  }
0x92: {  	_ =	strace s18  }
0x93: {  	s2 =	sld [smem:$0x3FFC];
	_ =	sdelay $0x3  }
0x94: {  	_ =	strace s2  }
0x95: {  	s2 =	sld [smem:$0x3FFD];
	_ =	sdelay $0x3  }
0x96: {  	_ =	strace s2  }
0x97: {  	_ =	strace $0x8FFFFFFF  }
0x98: {  	s19 =	sld [smem:$0x3FDB];
	_ =	sdelay $0x1  }
0x99: {  	s20 =	simm.s32 $_scs_section_size  }
0x9a: {  	s4 =	simm.s32 $_size__tile_overlayer_lowered;
	s5 =	simm.s32 $_tile_overlayer_lowered  }
0x9b: {  	s6 =	simm.s32 $0x1BFF;
	s21 =	sshll.u32 s5, $0x1;
	s3 =	sadd.s32 s20, s19  }
0x9c: {  	s22 =	simm.s32 $0x0;
	s4 =	sshll.u32 s4, $0x1;
	s5 =	sadd.s32 s21, s3  }
0x9d: {  	[timem:s22], [sflag:s6] =	dma.local [hbm:s5], s4  }
0x9e: {  	_ =	swait.ge [sflag:s6], s4  }
0x9f: {  	s4 =	ssub.s32 $0x0, s4;
	[sflag:s6] =	ssyncset.done $0x0  }
0xa0: {  	[sflag:s6] =	ssyncadd.s32 s4;
	_ =	sdelay $0x1  }
0xa1: {  	s23 =	simm.s32 $0x1B8B  }
0xa2: {  	_ =	swait.ge [sflag:s23], $0x1  }
0xa3: {  	[sflag:s23] =	ssyncset.done $0x0  }
0xa4: {  	[sflag:s23] =	ssyncadd.s32 $0xFFFFFFFF  }
0xa5: {  	s4 =	sld [smem:$0x0]  }
0xa6: {  	s5 =	sand.u32 $0xFFFFFFFE, s1  }
0xa7: {  	p0 =	sne.s32 s1, s5  }
0xa8: {  	s5 =	sshll.u32 @p0 s5, $0xE  }
0xa9: {  	s5 =	sadd.s32 @p0 $0x11B8D, s5;
	s6 =	sshll.u32 @p0 s4, $0x11  }
0xaa: {  	s5 =	sor.u32 @p0 s6, s5  }
0xab: {  	[sflag:s5] =	ssyncadd.remote.s32 @p0 $0x1;
	_ =	sdelay $0x1  }
0xac: {  	s5 =	simm.s32 @p0 $0x1B8D  }
0xad: {  	_ =	swait.eq @p0 [sflag:s5], $0x1  }
0xae: {  	[sflag:s5] =	ssyncadd.s32 @p0 $0xFFFFFFFF  }
0xaf: {  	s6 =	sshll.u32 @!p0 s1, $0xE  }
0xb0: {  	s6 =	sor.u32 @!p0 $0x4000, s6;
	s5 =	simm.s32 @!p0 $0x1B8D  }
0xb1: {  	s4 =	sshll.u32 @!p0 s4, $0x11;
	s6 =	sadd.s32 @!p0 $0x11B8D, s6;
	_ =	swait.eq @!p0 [sflag:s5], $0x1  }
0xb2: {  	s4 =	sor.u32 @!p0 s4, s6;
	[sflag:s5] =	ssyncadd.s32 @!p0 $0xFFFFFFFF  }
0xb3: {  	s25 =	simm.s32 $0x1B8E;
	s24 =	sld [smem:$0x3FFE];
	[sflag:s4] =	ssyncadd.remote.s32 @!p0 $0x1  }
0xb4: {  	s26 =	simm.s32 $execute0_lowered;
	[smem:$0x3FD2] =	sst s25  }
0xb5: {  	s5 =	sshll.u32 s26, $0x1;
	_ =	strace $0x80000052;
	[dreg:$0x1] =	wrdreg $0xFFFFFFFF  }
0xb6: {  	s28 =	simm.s32 $_size_execute0_lowered;
	s3 =	sadd.s32 s3, s5;
	[dreg:$0x0] =	wrdreg $0x0  }
0xb7: {  	s5 =	sshll.u32 s28, $0x1;
	[dreg:$0x2] =	wrdreg s3  }
0xb8: {  	[dreg:$0x3] =	wrdreg s5  }
0xb9: {  	[dreg:$0x4] =	wrdreg $0xC0  }
0xba: {  	_ =	task [dreg:s22], $0x5FFFF  }
0xbb: {  	[dreg:$0x1] =	wrdreg $0xFFFFFFFF  }
0xbc: {  	[dreg:$0x0] =	wrdreg $0x60  }
0xbd: {  	[dreg:$0x2] =	wrdreg s24  }
0xbe: {  	[dreg:$0x3] =	wrdreg $0xD  }
0xbf: {  	_ =	task.clear_ibuf [dreg:s22], $0x4FFFF;
	_ =	strace $0x90000052  }
0xc0: {  	s29 =	simm.s32 $0xD;
	_ =	strace $0x80000054  }
0xc1: {  	_ =	swait.ge [sflag:s29], $0x1  }
0xc2: {  	[sflag:s29] =	ssyncadd.s32 $0xFFFFFFFF  }
0xc3: {  	_ =	strace $0x90000054  }
0xc4: {  	_ =	sfence  }
0xc5: {  	s30 =	sld [smem:$0x0];
	_ =	sdelay $0x2  }
0xc6: {  	s31 =	sshll.u32 s1, $0xD;
	s1 =	sshrl.u32 s1, $0x2  }
0xc7: {  	s4 =	sand.u32 $0x4000, s31;
	s1 =	sadd.s32 s1, s30  }
0xc8: {  	s0 =	sor.u32 s4, s0;
	s1 =	sshll.u32 s1, $0x11  }
0xc9: {  	s0 =	sor.u32 s1, s0  }
0xca: {  	s0 =	sadd.s32 $0x8F2B, s0  }
0xcb: {  	[sflag:s0] =	ssyncadd.remote.s32 $0x1  }
0xcc: {  	_ =	sfence.sel $0xFFFF  }
0xcd: {  	[dreg:$0x0] =	wrdreg $0xFFFFFFFF;
	(pc) =	sbr.abs _section_cstart, $3  }
0xce: {  	[dreg:$0x1] =	wrdreg $0xFFFFFFFF  }
0xcf: {  	_ =	task.clear_ibuf [dreg:s22], $0x2FFFF;
	_ =	strace $0x9FFFFFFF  }
0xd0: {  	(tm) =	ssettm $0x7FFFFFFF  }
0xd1: {  	_ =	shalt  }
tec
execute0_lowered:
.L_overlay_start_1:
0x0: {  	(tag) =	ssettag $0x1  }
0x1: {  	s0 =	rddreg [dreg:$0x0]  }
0x2: {  	s2 =	simm.s32 $0x0;
	s1 =	srdreg.scid;
	s6 =	stileid.u32  }
0x3: {  	s28 =	simm.s32 $0x8800;
	s29 =	simm.s32 $0x9000;
	s30 =	simm.s32 $0x9800  }
0x4: {  	s31 =	simm.s32 $0xA000;
	s12 =	simm.s32 $0xB800;
	s13 =	simm.s32 $0xC000  }
0x5: {  	s14 =	simm.s32 $0xC800;
	s15 =	simm.s32 $0xD000;
	s16 =	simm.s32 $0xD800  }
0x6: {  	s17 =	simm.s32 $0xE000;
	s18 =	simm.s32 $0xE800;
	s19 =	simm.s32 $0xF000  }
0x7: {  	s20 =	simm.s32 $0xF800;
	s21 =	simm.s32 $0x10000;
	s22 =	simm.s32 $0x1  }
0x8: {  	s23 =	simm.s32 $0x3;
	[smem:$0x7FF] =	sst s2;
	s1 =	sand.u32 $0x1, s1  }
0x9: {  	s4 =	sshll.u32 s6, $0x9;
	s3 =	sadd.s32 $0x9800, s0;
	s6 =	sshll.u32 s6, $0xD  }
0xa: {  	_ =	strace $0x80000053;
	s5 =	sshll.u32 s1, $0x8;
	s24 =	ssub.s32 $0x2, s1  }
0xb: {  	s8 =	sadd.s32 s6, s0;
	s6 =	sadd.s32 $0x9A00, s0;
	s1 =	sshll.u32 s1, $0xC  }
0xc: {  	s4 =	sor.u32 s5, s4;
	s7 =	sshrl.u32 s24, $0x1;
	s5 =	sadd.s32 $0x9900, s0  }
.Ltmp0:
0xd: {  	s26 =	sadd.s32 s1, s8;
	s1 =	simm.s32 $0xB000;
	(pc) =	sbr.rel .LBB2_1-.Ltmp0, $4  }
0xe: {  	s8 =	simm.s32 $0x0;
	s4 =	sadd.s32 s4, s0;
	s9 =	ssub.s32 s24, s7  }
0xf: {  	v2 =	vlaneseq.u32;
	s7 =	sadd.s32 $0x9B00, s0;
	s0 =	simm.s32 $0xA800;
	s4 =	sadd.s32 $0x7800, s4  }
0x10: {  	vm0 =	vmmov $0xffff;
	v1 =	vshrl.u32 v2, $0x3;
	s24 =	simm.s32 $0x2;
	s25 =	smax.u32 s9, $0x1;
	[dreg:$0x2] =	wrdreg s4  }
0x11: {  	v0 =	vand.u32 $0x7, v2;
	v2 =	vor.u32 $0x8, v2;
	v1 =	vmul.u32 $0x8, v1;
	s9 =	sadd.s32 $0x528C00, s26;
	[dreg:$0x3] =	wrdreg s25;
	s25 =	simm.s32 $0x4  }
.LBB2_4:
0x12: {  	s8 =	rddreg [dreg:$0x4]  }
0x13: {  	s4 =	rddreg [dreg:$0x3];
	s8 =	sadd.s32 $0x1, s8  }
0x14: {  	p0 =	sne.s32 s8, s4  }
.Ltmp1:
0x15: {  	_ = 	snop;
	(pc) =	sbr.rel @!p0 .LBB2_5-.Ltmp1, $1  }
0x16: {  	_ =	sdelay $0x3  }
.LBB2_1:
0x17: {  	[dreg:$0x4] =	wrdreg s8  }
0x18: {  	s4 =	rddreg [dreg:$0x2];
	s26 =	simm.s32 $0x5  }
0x19: {  	[tilespmem:s2], [sflag:$0x5] =	stream.linear.gather [hbm4b:s4+s2], $0x500, $0x38;
	[tilespmem:$0x10800] =	vst v63  }
0x1a: {  	_ =	swait.ge [sflag:s26], $0x500  }
0x1b: {  	[sflag:s26] =	ssyncset.done $0x0  }
0x1c: {  	[sflag:s26] =	ssyncadd.s32 $0xFFFFFB00  }
0x1d: {  	v3 =	vld [tilespmem:$0x0];
	_ =	sdelay $0x4  }
0x1e: {  	v4 =	vshll.u32 v3, $0x3  }
0x1f: {  	v3 =	vand.u32 $0x7, v3;
	v4 =	vand.u32 $0xFFFFFFC0, v4  }
0x20: {  	v3 =	vor.u32 v3, v4  }
0x21: {  	v4 =	vperm.xlane v3, v0;
	_ =	sdelay $0x1  }
0x22: {  	v4 =	vadd.s32 v1, v4;
	_ =	sdelay $0x3  }
0x23: {  	s8 =	simm.s32 $0x800  }
0x24: {  	[tilespmem:s8], [sflag:$0x1] =	stream.indirect_vreg.gather [hbm4b:s3+s2], $0x80, v4, vm0, $0xb8;
	[tilespmem:$0x10800] =	vst v63  }
0x25: {  	s10 =	simm.s32 $0x1000;
	v3 =	vperm.xlane v3, v2  }
0x26: {  	[tilespmem:s10], [sflag:$0x1] =	stream.indirect_vreg.gather [hbm4b:s5+s2], $0x80, v4, vm0, $0xb8;
	[tilespmem:$0x10800] =	vst v63  }
0x27: {  	s11 =	simm.s32 $0x1800;
	v3 =	vadd.s32 v1, v3  }
0x28: {  	[tilespmem:s11], [sflag:$0x1] =	stream.indirect_vreg.gather [hbm4b:s6+s2], $0x80, v4, vm0, $0xb8;
	[tilespmem:$0x10800] =	vst v63  }
0x29: {  	s26 =	simm.s32 $0x2000  }
0x2a: {  	[tilespmem:s26], [sflag:$0x1] =	stream.indirect_vreg.gather [hbm4b:s7+s2], $0x80, v4, vm0, $0xb8;
	[tilespmem:$0x10800] =	vst v63  }
0x2b: {  	s8 =	simm.s32 $0x2800  }
0x2c: {  	[tilespmem:s8], [sflag:$0x1] =	stream.indirect_vreg.gather [hbm4b:s3+s2], $0x80, v3, vm0, $0xb8;
	[tilespmem:$0x10800] =	vst v63  }
0x2d: {  	s10 =	simm.s32 $0x3000  }
0x2e: {  	[tilespmem:s10], [sflag:$0x1] =	stream.indirect_vreg.gather [hbm4b:s5+s2], $0x80, v3, vm0, $0xb8;
	[tilespmem:$0x10800] =	vst v63  }
0x2f: {  	s11 =	simm.s32 $0x3800  }
0x30: {  	[tilespmem:s11], [sflag:$0x1] =	stream.indirect_vreg.gather [hbm4b:s6+s2], $0x80, v3, vm0, $0xb8;
	[tilespmem:$0x10800] =	vst v63  }
0x31: {  	s26 =	simm.s32 $0x4000  }
0x32: {  	[tilespmem:s26], [sflag:$0x1] =	stream.indirect_vreg.gather [hbm4b:s7+s2], $0x80, v3, vm0, $0xb8;
	[tilespmem:$0x10800] =	vst v63  }
0x33: {  	v3 =	vld [tilespmem:$0x10];
	_ =	sdelay $0x4  }
0x34: {  	v61 =	vshll.u32 v3, $0x3  }
0x35: {  	v3 =	vand.u32 $0x7, v3;
	v4 =	vand.u32 $0xFFFFFFC0, v61  }
0x36: {  	v3 =	vor.u32 v3, v4  }
0x37: {  	v4 =	vperm.xlane v3, v0;
	_ =	sdelay $0x1  }
0x38: {  	v4 =	vadd.s32 v1, v4;
	_ =	sdelay $0x3  }
0x39: {  	s8 =	simm.s32 $0x4800  }
0x3a: {  	[tilespmem:s8], [sflag:$0x1] =	stream.indirect_vreg.gather [hbm4b:s3+s2], $0x80, v4, vm0, $0xb8;
	[tilespmem:$0x10800] =	vst v63  }
0x3b: {  	s10 =	simm.s32 $0x5000;
	v3 =	vperm.xlane v3, v2  }
0x3c: {  	[tilespmem:s10], [sflag:$0x1] =	stream.indirect_vreg.gather [hbm4b:s5+s2], $0x80, v4, vm0, $0xb8;
	[tilespmem:$0x10800] =	vst v63  }
0x3d: {  	s11 =	simm.s32 $0x5800;
	v3 =	vadd.s32 v1, v3  }
0x3e: {  	[tilespmem:s11], [sflag:$0x1] =	stream.indirect_vreg.gather [hbm4b:s6+s2], $0x80, v4, vm0, $0xb8;
	[tilespmem:$0x10800] =	vst v63  }
0x3f: {  	s26 =	simm.s32 $0x6000  }
0x40: {  	[tilespmem:s26], [sflag:$0x1] =	stream.indirect_vreg.gather [hbm4b:s7+s2], $0x80, v4, vm0, $0xb8;
	[tilespmem:$0x10800] =	vst v63  }
0x41: {  	s8 =	simm.s32 $0x6800  }
0x42: {  	[tilespmem:s8], [sflag:$0x1] =	stream.indirect_vreg.gather [hbm4b:s3+s2], $0x80, v3, vm0, $0xb8;
	[tilespmem:$0x10800] =	vst v63  }
0x43: {  	s10 =	simm.s32 $0x7000  }
0x44: {  	[tilespmem:s10], [sflag:$0x1] =	stream.indirect_vreg.gather [hbm4b:s5+s2], $0x80, v3, vm0, $0xb8;
	[tilespmem:$0x10800] =	vst v63  }
0x45: {  	s11 =	simm.s32 $0x7800  }
0x46: {  	[tilespmem:s11], [sflag:$0x1] =	stream.indirect_vreg.gather [hbm4b:s6+s2], $0x80, v3, vm0, $0xb8;
	[tilespmem:$0x10800] =	vst v63  }
0x47: {  	s26 =	simm.s32 $0x8000  }
0x48: {  	[tilespmem:s26], [sflag:$0x1] =	stream.indirect_vreg.gather [hbm4b:s7+s2], $0x80, v3, vm0, $0xb8;
	[tilespmem:$0x10800] =	vst v63  }
0x49: {  	v3 =	vld [tilespmem:$0x80];
	_ =	sdelay $0x4  }
0x4a: {  	v62 =	vshll.u32 v3, $0x3  }
0x4b: {  	v3 =	vand.u32 $0x7, v3;
	v4 =	vand.u32 $0xFFFFFFC0, v62  }
0x4c: {  	v3 =	vor.u32 v3, v4  }
0x4d: {  	v4 =	vperm.xlane v3, v0;
	_ =	sdelay $0x1  }
0x4e: {  	v4 =	vadd.s32 v1, v4;
	_ =	sdelay $0x4  }
0x4f: {  	[tilespmem:s28], [sflag:$0x2] =	stream.indirect_vreg.gather [hbm4b:s3+s2], $0x80, v4, vm0, $0xb8;
	[tilespmem:$0x10800] =	vst v63  }
0x50: {  	v3 =	vperm.xlane v3, v2  }
0x51: {  	[tilespmem:s29], [sflag:$0x2] =	stream.indirect_vreg.gather [hbm4b:s5+s2], $0x80, v4, vm0, $0xb8;
	[tilespmem:$0x10800] =	vst v63  }
0x52: {  	v3 =	vadd.s32 v1, v3  }
0x53: {  	[tilespmem:s30], [sflag:$0x2] =	stream.indirect_vreg.gather [hbm4b:s6+s2], $0x80, v4, vm0, $0xb8;
	[tilespmem:$0x10800] =	vst v63  }
0x54: {  	_ = 	snop  }
0x55: {  	[tilespmem:s31], [sflag:$0x2] =	stream.indirect_vreg.gather [hbm4b:s7+s2], $0x80, v4, vm0, $0xb8;
	[tilespmem:$0x10800] =	vst v63  }
0x56: {  	_ = 	snop  }
0x57: {  	[tilespmem:s0], [sflag:$0x2] =	stream.indirect_vreg.gather [hbm4b:s3+s2], $0x80, v3, vm0, $0xb8;
	[tilespmem:$0x10800] =	vst v63  }
0x58: {  	_ = 	snop  }
0x59: {  	[tilespmem:s1], [sflag:$0x2] =	stream.indirect_vreg.gather [hbm4b:s5+s2], $0x80, v3, vm0, $0xb8;
	[tilespmem:$0x10800] =	vst v63  }
0x5a: {  	_ = 	snop  }
0x5b: {  	[tilespmem:s12], [sflag:$0x2] =	stream.indirect_vreg.gather [hbm4b:s6+s2], $0x80, v3, vm0, $0xb8;
	[tilespmem:$0x10800] =	vst v63  }
0x5c: {  	_ = 	snop  }
0x5d: {  	[tilespmem:s13], [sflag:$0x2] =	stream.indirect_vreg.gather [hbm4b:s7+s2], $0x80, v3, vm0, $0xb8;
	[tilespmem:$0x10800] =	vst v63  }
0x5e: {  	v3 =	vld [tilespmem:$0x90];
	_ =	sdelay $0x4  }
0x5f: {  	v63 =	vshll.u32 v3, $0x3  }
0x60: {  	v3 =	vand.u32 $0x7, v3;
	v4 =	vand.u32 $0xFFFFFFC0, v63  }
0x61: {  	v3 =	vor.u32 v3, v4  }
0x62: {  	v4 =	vperm.xlane v3, v0;
	_ =	sdelay $0x1  }
0x63: {  	v4 =	vadd.s32 v1, v4;
	_ =	sdelay $0x4  }
0x64: {  	[tilespmem:s14], [sflag:$0x2] =	stream.indirect_vreg.gather [hbm4b:s3+s2], $0x80, v4, vm0, $0xb8;
	[tilespmem:$0x10800] =	vst v63  }
0x65: {  	v3 =	vperm.xlane v3, v2  }
0x66: {  	[tilespmem:s15], [sflag:$0x2] =	stream.indirect_vreg.gather [hbm4b:s5+s2], $0x80, v4, vm0, $0xb8;
	[tilespmem:$0x10800] =	vst v63  }
0x67: {  	v3 =	vadd.s32 v1, v3  }
0x68: {  	[tilespmem:s16], [sflag:$0x2] =	stream.indirect_vreg.gather [hbm4b:s6+s2], $0x80, v4, vm0, $0xb8;
	[tilespmem:$0x10800] =	vst v63  }
0x69: {  	_ = 	snop  }
0x6a: {  	[tilespmem:s17], [sflag:$0x2] =	stream.indirect_vreg.gather [hbm4b:s7+s2], $0x80, v4, vm0, $0xb8;
	[tilespmem:$0x10800] =	vst v63  }
0x6b: {  	_ = 	snop  }
0x6c: {  	[tilespmem:s18], [sflag:$0x2] =	stream.indirect_vreg.gather [hbm4b:s3+s2], $0x80, v3, vm0, $0xb8;
	[tilespmem:$0x10800] =	vst v63  }
0x6d: {  	_ = 	snop  }
0x6e: {  	[tilespmem:s19], [sflag:$0x2] =	stream.indirect_vreg.gather [hbm4b:s5+s2], $0x80, v3, vm0, $0xb8;
	[tilespmem:$0x10800] =	vst v63  }
0x6f: {  	_ = 	snop  }
0x70: {  	[tilespmem:s20], [sflag:$0x2] =	stream.indirect_vreg.gather [hbm4b:s6+s2], $0x80, v3, vm0, $0xb8;
	[tilespmem:$0x10800] =	vst v63  }
0x71: {  	s4 =	simm.s32 $0x190;
	s8 =	simm.s32 $0x0  }
0x72: {  	[tilespmem:s21], [sflag:$0x2] =	stream.indirect_vreg.gather [hbm4b:s7+s2], $0x80, v3, vm0, $0xb8;
	[tilespmem:$0x10800] =	vst v63  }
.LBB2_2:
0x73: {  	_ =	swait.ge [sflag:s22], $0x8000  }
0x74: {  	[sflag:s22] =	ssyncset.done $0x0  }
0x75: {  	s10 =	sadd.s32 s8, s9;
	s11 =	simm.s32 $0x800;
	[sflag:s22] =	ssyncadd.s32 $0xFFFF8000  }
0x76: {  	[hbm4b:s10+s2] =	stream.linear.scatter [tilespmem:s11], [sflag:$0x3], $0x8000, $0x38;
	[tilespmem:$0x10800] =	vst v63  }
0x77: {  	_ =	swait.ge [sflag:s23], $0x8000  }
0x78: {  	[sflag:s23] =	ssyncset.done $0x0  }
0x79: {  	p0 =	seq.s32 s8, $0x100000;
	[sflag:s23] =	ssyncadd.s32 $0xFFFF8000  }
0x7a: {  	v3 =	vld @!p0 [tilespmem:s4+$0xFFFFFF70];
	_ =	sdelay $0x4  }
0x7b: {  	v4 =	vshll.u32 @!p0 v3, $0x3  }
0x7c: {  	v5 =	vlaneseq.u32 @!p0;
	v3 =	vand.u32 @!p0 $0x7, v3;
	v4 =	vand.u32 @!p0 $0xFFFFFFC0, v4  }
0x7d: {  	v6 =	vshrl.u32 @!p0 v5, $0x3;
	v3 =	vor.u32 @!p0 v3, v4;
	v4 =	vand.u32 @!p0 $0x7, v5  }
0x7e: {  	v6 =	vmul.u32 @!p0 $0x8, v6;
	v7 =	vperm.xlane @!p0 v3, v4;
	_ =	sdelay $0x1  }
0x7f: {  	v7 =	vadd.s32 @!p0 v6, v7;
	_ =	sdelay $0x3  }
0x80: {  	vm1 =	vmmov @!p0 $0xffff;
	s26 =	simm.s32 @!p0 $0x0;
	s11 =	simm.s32 @!p0 $0x800  }
0x81: {  	v5 =	vor.u32 @!p0 $0x8, v5;
	[tilespmem:s11], [sflag:$0x1] =	stream.indirect_vreg.gather @!p0 [hbm4b:s3+s26], $0x80, v7, vm1, $0xb8;
	[tilespmem:$0x10800] =	vst v63  }
0x82: {  	v3 =	vperm.xlane @!p0 v3, v5;
	s11 =	simm.s32 @!p0 $0x1000  }
0x83: {  	[tilespmem:s11], [sflag:$0x1] =	stream.indirect_vreg.gather @!p0 [hbm4b:s5+s26], $0x80, v7, vm1, $0xb8;
	[tilespmem:$0x10800] =	vst v63  }
0x84: {  	v3 =	vadd.s32 @!p0 v6, v3;
	s11 =	simm.s32 @!p0 $0x1800  }
0x85: {  	[tilespmem:s11], [sflag:$0x1] =	stream.indirect_vreg.gather @!p0 [hbm4b:s6+s26], $0x80, v7, vm1, $0xb8;
	[tilespmem:$0x10800] =	vst v63  }
0x86: {  	s11 =	simm.s32 @!p0 $0x2000  }
0x87: {  	[tilespmem:s11], [sflag:$0x1] =	stream.indirect_vreg.gather @!p0 [hbm4b:s7+s26], $0x80, v7, vm1, $0xb8;
	[tilespmem:$0x10800] =	vst v63  }
0x88: {  	s11 =	simm.s32 @!p0 $0x2800  }
0x89: {  	[tilespmem:s11], [sflag:$0x1] =	stream.indirect_vreg.gather @!p0 [hbm4b:s3+s26], $0x80, v3, vm1, $0xb8;
	[tilespmem:$0x10800] =	vst v63  }
0x8a: {  	s11 =	simm.s32 @!p0 $0x3000  }
0x8b: {  	[tilespmem:s11], [sflag:$0x1] =	stream.indirect_vreg.gather @!p0 [hbm4b:s5+s26], $0x80, v3, vm1, $0xb8;
	[tilespmem:$0x10800] =	vst v63  }
0x8c: {  	s11 =	simm.s32 @!p0 $0x3800  }
0x8d: {  	[tilespmem:s11], [sflag:$0x1] =	stream.indirect_vreg.gather @!p0 [hbm4b:s6+s26], $0x80, v3, vm1, $0xb8;
	[tilespmem:$0x10800] =	vst v63  }
0x8e: {  	s11 =	simm.s32 @!p0 $0x4000  }
0x8f: {  	[tilespmem:s11], [sflag:$0x1] =	stream.indirect_vreg.gather @!p0 [hbm4b:s7+s26], $0x80, v3, vm1, $0xb8;
	[tilespmem:$0x10800] =	vst v63  }
0x90: {  	v3 =	vld @!p0 [tilespmem:s4+$0xFFFFFF80];
	_ =	sdelay $0x4  }
0x91: {  	v7 =	vshll.u32 @!p0 v3, $0x3  }
0x92: {  	v3 =	vand.u32 @!p0 $0x7, v3;
	v7 =	vand.u32 @!p0 $0xFFFFFFC0, v7  }
0x93: {  	v3 =	vor.u32 @!p0 v3, v7  }
0x94: {  	v4 =	vperm.xlane @!p0 v3, v4;
	_ =	sdelay $0x1  }
0x95: {  	v4 =	vadd.s32 @!p0 v6, v4;
	_ =	sdelay $0x3  }
0x96: {  	s11 =	simm.s32 @!p0 $0x4800  }
0x97: {  	[tilespmem:s11], [sflag:$0x1] =	stream.indirect_vreg.gather @!p0 [hbm4b:s3+s26], $0x80, v4, vm1, $0xb8;
	[tilespmem:$0x10800] =	vst v63  }
0x98: {  	v3 =	vperm.xlane @!p0 v3, v5;
	s11 =	simm.s32 @!p0 $0x5000  }
0x99: {  	[tilespmem:s11], [sflag:$0x1] =	stream.indirect_vreg.gather @!p0 [hbm4b:s5+s26], $0x80, v4, vm1, $0xb8;
	[tilespmem:$0x10800] =	vst v63  }
0x9a: {  	v3 =	vadd.s32 @!p0 v6, v3;
	s11 =	simm.s32 @!p0 $0x5800  }
0x9b: {  	[tilespmem:s11], [sflag:$0x1] =	stream.indirect_vreg.gather @!p0 [hbm4b:s6+s26], $0x80, v4, vm1, $0xb8;
	[tilespmem:$0x10800] =	vst v63  }
0x9c: {  	s11 =	simm.s32 @!p0 $0x6000  }
0x9d: {  	[tilespmem:s11], [sflag:$0x1] =	stream.indirect_vreg.gather @!p0 [hbm4b:s7+s26], $0x80, v4, vm1, $0xb8;
	[tilespmem:$0x10800] =	vst v63  }
0x9e: {  	s11 =	simm.s32 @!p0 $0x6800  }
0x9f: {  	[tilespmem:s11], [sflag:$0x1] =	stream.indirect_vreg.gather @!p0 [hbm4b:s3+s26], $0x80, v3, vm1, $0xb8;
	[tilespmem:$0x10800] =	vst v63  }
0xa0: {  	s11 =	simm.s32 @!p0 $0x7000  }
0xa1: {  	[tilespmem:s11], [sflag:$0x1] =	stream.indirect_vreg.gather @!p0 [hbm4b:s5+s26], $0x80, v3, vm1, $0xb8;
	[tilespmem:$0x10800] =	vst v63  }
0xa2: {  	s11 =	simm.s32 @!p0 $0x7800  }
0xa3: {  	[tilespmem:s11], [sflag:$0x1] =	stream.indirect_vreg.gather @!p0 [hbm4b:s6+s26], $0x80, v3, vm1, $0xb8;
	[tilespmem:$0x10800] =	vst v63  }
0xa4: {  	s11 =	simm.s32 @!p0 $0x8000  }
0xa5: {  	[tilespmem:s11], [sflag:$0x1] =	stream.indirect_vreg.gather @!p0 [hbm4b:s7+s26], $0x80, v3, vm1, $0xb8;
	[tilespmem:$0x10800] =	vst v63  }
0xa6: {  	_ =	swait.ge [sflag:s24], $0x8000  }
0xa7: {  	[sflag:s24] =	ssyncset.done $0x0  }
.Ltmp2:
0xa8: {  	s10 =	sadd.s32 $0x20000, s10;
	[sflag:s24] =	ssyncadd.s32 $0xFFFF8000;
	(pc) =	sbr.rel @p0 .LBB2_4-.Ltmp2, $4  }
0xa9: {  	[hbm4b:s10+s2] =	stream.linear.scatter [tilespmem:s28], [sflag:$0x4], $0x8000, $0x38;
	[tilespmem:$0x10800] =	vst v63  }
0xaa: {  	_ =	swait.ge [sflag:s25], $0x8000  }
0xab: {  	[sflag:s25] =	ssyncset.done $0x0  }
0xac: {  	[sflag:s25] =	ssyncadd.s32 $0xFFFF8000  }
0xad: {  	v3 =	vld [tilespmem:s4+$0xFFFFFFF0];
	_ =	sdelay $0x4  }
0xae: {  	v4 =	vshll.u32 v3, $0x3  }
0xaf: {  	v3 =	vand.u32 $0x7, v3;
	v4 =	vand.u32 $0xFFFFFFC0, v4  }
0xb0: {  	v3 =	vor.u32 v3, v4  }
0xb1: {  	v4 =	vperm.xlane v3, v0;
	_ =	sdelay $0x1  }
0xb2: {  	v4 =	vadd.s32 v1, v4;
	_ =	sdelay $0x4  }
0xb3: {  	[tilespmem:s28], [sflag:$0x2] =	stream.indirect_vreg.gather [hbm4b:s3+s2], $0x80, v4, vm0, $0xb8;
	[tilespmem:$0x10800] =	vst v63  }
0xb4: {  	v3 =	vperm.xlane v3, v2  }
0xb5: {  	[tilespmem:s29], [sflag:$0x2] =	stream.indirect_vreg.gather [hbm4b:s5+s2], $0x80, v4, vm0, $0xb8;
	[tilespmem:$0x10800] =	vst v63  }
0xb6: {  	v3 =	vadd.s32 v1, v3  }
0xb7: {  	[tilespmem:s30], [sflag:$0x2] =	stream.indirect_vreg.gather [hbm4b:s6+s2], $0x80, v4, vm0, $0xb8;
	[tilespmem:$0x10800] =	vst v63  }
0xb8: {  	_ = 	snop  }
0xb9: {  	[tilespmem:s31], [sflag:$0x2] =	stream.indirect_vreg.gather [hbm4b:s7+s2], $0x80, v4, vm0, $0xb8;
	[tilespmem:$0x10800] =	vst v63  }
0xba: {  	_ = 	snop  }
0xbb: {  	[tilespmem:s0], [sflag:$0x2] =	stream.indirect_vreg.gather [hbm4b:s3+s2], $0x80, v3, vm0, $0xb8;
	[tilespmem:$0x10800] =	vst v63  }
0xbc: {  	_ = 	snop  }
0xbd: {  	[tilespmem:s1], [sflag:$0x2] =	stream.indirect_vreg.gather [hbm4b:s5+s2], $0x80, v3, vm0, $0xb8;
	[tilespmem:$0x10800] =	vst v63  }
0xbe: {  	_ = 	snop  }
0xbf: {  	[tilespmem:s12], [sflag:$0x2] =	stream.indirect_vreg.gather [hbm4b:s6+s2], $0x80, v3, vm0, $0xb8;
	[tilespmem:$0x10800] =	vst v63  }
0xc0: {  	_ = 	snop  }
0xc1: {  	[tilespmem:s13], [sflag:$0x2] =	stream.indirect_vreg.gather [hbm4b:s7+s2], $0x80, v3, vm0, $0xb8;
	[tilespmem:$0x10800] =	vst v63  }
0xc2: {  	v3 =	vld [tilespmem:s4+$0x0];
	_ =	sdelay $0x4  }
0xc3: {  	v63 =	vshll.u32 v3, $0x3  }
0xc4: {  	v3 =	vand.u32 $0x7, v3;
	v4 =	vand.u32 $0xFFFFFFC0, v63  }
0xc5: {  	v3 =	vor.u32 v3, v4  }
0xc6: {  	v4 =	vperm.xlane v3, v0;
	_ =	sdelay $0x1  }
0xc7: {  	v4 =	vadd.s32 v1, v4;
	_ =	sdelay $0x4  }
0xc8: {  	[tilespmem:s14], [sflag:$0x2] =	stream.indirect_vreg.gather [hbm4b:s3+s2], $0x80, v4, vm0, $0xb8;
	[tilespmem:$0x10800] =	vst v63  }
0xc9: {  	v3 =	vperm.xlane v3, v2  }
0xca: {  	[tilespmem:s15], [sflag:$0x2] =	stream.indirect_vreg.gather [hbm4b:s5+s2], $0x80, v4, vm0, $0xb8;
	[tilespmem:$0x10800] =	vst v63  }
0xcb: {  	v3 =	vadd.s32 v1, v3  }
0xcc: {  	[tilespmem:s16], [sflag:$0x2] =	stream.indirect_vreg.gather [hbm4b:s6+s2], $0x80, v4, vm0, $0xb8;
	[tilespmem:$0x10800] =	vst v63  }
0xcd: {  	_ = 	snop  }
0xce: {  	[tilespmem:s17], [sflag:$0x2] =	stream.indirect_vreg.gather [hbm4b:s7+s2], $0x80, v4, vm0, $0xb8;
	[tilespmem:$0x10800] =	vst v63  }
0xcf: {  	_ = 	snop  }
0xd0: {  	[tilespmem:s18], [sflag:$0x2] =	stream.indirect_vreg.gather [hbm4b:s3+s2], $0x80, v3, vm0, $0xb8;
	[tilespmem:$0x10800] =	vst v63  }
0xd1: {  	_ = 	snop  }
0xd2: {  	[tilespmem:s19], [sflag:$0x2] =	stream.indirect_vreg.gather [hbm4b:s5+s2], $0x80, v3, vm0, $0xb8;
	[tilespmem:$0x10800] =	vst v63  }
.Ltmp3:
0xd3: {  	_ = 	snop;
	(pc) =	sbr.rel .LBB2_2-.Ltmp3, $4  }
0xd4: {  	_ = 	snop  }
0xd5: {  	[tilespmem:s20], [sflag:$0x2] =	stream.indirect_vreg.gather [hbm4b:s6+s2], $0x80, v3, vm0, $0xb8;
	[tilespmem:$0x10800] =	vst v63  }
0xd6: {  	s8 =	sadd.s32 $0x40000, s8;
	s4 =	sadd.s32 $0x100, s4  }
0xd7: {  	[tilespmem:s21], [sflag:$0x2] =	stream.indirect_vreg.gather [hbm4b:s7+s2], $0x80, v3, vm0, $0xb8;
	[tilespmem:$0x10800] =	vst v63  }
.LBB2_5:
0xd8: {  	_ =	sfence.sel $0x180000  }
0xd9: {  	[bflag:$0x0] =	sbarrier.arrive $0xFFFF  }
0xda: {  	_ =	strace $0x90000053  }
0xdb: {  	s0 =	stileid.u32;
	[bflag:$0x2] =	sbarrier.arrive $0xFFFF  }
0xdc: {  	p0 =	sne.s32 s0, $0x0;
	s0 =	rddreg [dreg:$0x1]  }
0xdd: {  	s0 =	sadd.s32 @!p0 $0x100000, s0  }
0xde: {  	[sflag:s0] =	ssyncadd.tile.s32 @!p0 $0x1;
	_ =	shalt  }
.Lfunc_end2:
_tile_overlayer_lowered:
.L_overlay_start_2:
0xdf: {  	(tag) =	ssettag $0x2  }
0xe0: {  	s0 =	rddreg [dreg:$0x0];
	s2 =	stileid.u32  }
0xe1: {  	s1 =	rddreg [dreg:$0x1];
	p0 =	sne.s32 s2, $0x0  }
0xe2: {  	s3 =	rddreg [dreg:$0x2];
	[bflag:$0x3] =	sbarrier.arrive $0xFFFF;
	s2 =	simm.s32 @!p0 $0x1C05  }
0xe3: {  	[timem:s3], [sflag:s2] =	dma.local @!p0 [hbm:s0], s1  }
0xe4: {  	s0 =	simm.s32 @!p0 $0x5  }
0xe5: {  	_ =	swait.ge @!p0 [sflag:s0], s1  }
0xe6: {  	s1 =	ssub.s32 @!p0 $0x0, s1;
	[sflag:s0] =	ssyncset.done @!p0 $0x0  }
0xe7: {  	[sflag:s0] =	ssyncadd.s32 @!p0 s1  }
0xe8: {  	[bflag:$0x3] =	sbarrier.arrive $0xFFFF  }
0xe9: {  	_ =	shalt  }

</sc_bundles>
